<compile_context>
chip_gen: v7x
topology: tpu7x:2x2x1
jax: 0.10.2.dev20260603
libtpu: 0.0.44.dev20260713+nightly
codegen_flags: <defaults>
</compile_context>

<pallas_src>
import functools
import math

import jax
import jax.numpy as jnp
from jax import lax
from jax.experimental import pallas as pl
from jax.experimental.pallas import tpu as pltpu
from jax.experimental.pallas import tpu_sc as plsc

N = 10000
E = 320000
D = 128
OUT = 64
L = 5
ALPHA = 0.1
BETA = float(math.log(1.0 / 128.0 + 1.0))
EPS = 1e-5

NC = 2
NS = 16
NW = NC * NS
CHUNK = 128
NCH = 80
EPT_REAL = E // NW
EPAD = NCH * CHUNK - EPT_REAL
ROWS_PER_TILE = 640
N_PAD = ROWS_PER_TILE * NS


def _sc_mesh():
    return plsc.VectorSubcoreMesh(core_axis_name="c", subcore_axis_name="s")


def _edge_body(feat_hbm, srcp_hbm, dst1_hbm, zrow_hbm, out0_hbm, out1_hbm,
               agg, src_v, didx_a, didx_b, buf_a, buf_b,
               gsem_a, gsem_b, dsem_a, dsem_b):
    c = lax.axis_index("c")
    s = lax.axis_index("s")
    wid = c * NS + s
    rbase = s * ROWS_PER_TILE
    ebase = wid * (NCH * CHUNK)
    pltpu.sync_copy(zrow_hbm, agg.at[pl.ds(rbase, ROWS_PER_TILE)])
    pltpu.sync_copy(srcp_hbm.at[wid], src_v)
    plsc.subcore_barrier()

    pltpu.async_copy(dst1_hbm.at[pl.ds(ebase, CHUNK)], didx_a, dsem_a)
    pltpu.async_copy(dst1_hbm.at[pl.ds(ebase + CHUNK, CHUNK)], didx_b, dsem_b)
    pltpu.async_copy(feat_hbm.at[src_v.at[0]], buf_a, gsem_a)
    pltpu.async_copy(feat_hbm.at[src_v.at[1]], buf_b, gsem_b)

    def body(k, carry):
        a = 2 * k
        bch = a + 1
        pltpu.make_async_copy(feat_hbm.at[src_v.at[a]], buf_a, gsem_a).wait()
        pltpu.make_async_copy(dst1_hbm.at[pl.ds(ebase + a * CHUNK, CHUNK)],
                              didx_a, dsem_a).wait()
        pltpu.sync_copy(buf_a, agg.at[didx_a], add=True)

        @pl.when(k < NCH // 2 - 1)
        def _():
            pltpu.async_copy(feat_hbm.at[src_v.at[a + 2]], buf_a, gsem_a)
            pltpu.async_copy(
                dst1_hbm.at[pl.ds(ebase + (a + 2) * CHUNK, CHUNK)],
                didx_a, dsem_a)

        pltpu.make_async_copy(feat_hbm.at[src_v.at[bch]], buf_b, gsem_b).wait()
        pltpu.make_async_copy(dst1_hbm.at[pl.ds(ebase + bch * CHUNK, CHUNK)],
                              didx_b, dsem_b).wait()
        pltpu.sync_copy(buf_b, agg.at[didx_b], add=True)

        @pl.when(k < NCH // 2 - 1)
        def _():
            pltpu.async_copy(feat_hbm.at[src_v.at[bch + 2]], buf_b, gsem_b)
            pltpu.async_copy(
                dst1_hbm.at[pl.ds(ebase + (bch + 2) * CHUNK, CHUNK)],
                didx_b, dsem_b)

        return carry

    lax.fori_loop(0, NCH // 2, body, 0)
    plsc.subcore_barrier()

    @pl.when(c == 0)
    def _():
        pltpu.sync_copy(agg.at[pl.ds(rbase, ROWS_PER_TILE)],
                        out0_hbm.at[pl.ds(rbase, ROWS_PER_TILE)])

    @pl.when(c == 1)
    def _():
        pltpu.sync_copy(agg.at[pl.ds(rbase, ROWS_PER_TILE)],
                        out1_hbm.at[pl.ds(rbase, ROWS_PER_TILE)])


_edge_call = functools.partial(
    pl.kernel,
    out_type=(jax.ShapeDtypeStruct((N_PAD, D), jnp.float32),
              jax.ShapeDtypeStruct((N_PAD, D), jnp.float32)),
    scratch_types=[
        pltpu.VMEM_SHARED((N_PAD, D), jnp.float32),
        pltpu.VMEM((NCH, CHUNK), jnp.int32),
        pltpu.VMEM((CHUNK,), jnp.int32),
        pltpu.VMEM((CHUNK,), jnp.int32),
        pltpu.VMEM((CHUNK, D), jnp.float32),
        pltpu.VMEM((CHUNK, D), jnp.float32),
        pltpu.SemaphoreType.DMA,
        pltpu.SemaphoreType.DMA,
        pltpu.SemaphoreType.DMA,
        pltpu.SemaphoreType.DMA,
    ],
)(_edge_body, mesh=_sc_mesh())


def _deg_body(dstp_hbm, zrow_hbm, ones_hbm, out0_hbm, out1_hbm,
              agg, dst_v, ones_v, ssem):
    c = lax.axis_index("c")
    s = lax.axis_index("s")
    wid = c * NS + s
    rbase = s * ROWS_PER_TILE
    pltpu.sync_copy(zrow_hbm, agg.at[pl.ds(rbase, ROWS_PER_TILE)])
    pltpu.sync_copy(dstp_hbm.at[wid], dst_v)
    pltpu.sync_copy(ones_hbm, ones_v)
    plsc.subcore_barrier()

    def fire(k, carry):
        pltpu.async_copy(ones_v, agg.at[dst_v.at[k]], ssem, add=True)
        return carry

    lax.fori_loop(0, NCH, fire, 0)

    def drain(k, carry):
        pltpu.make_async_copy(ones_v, agg.at[dst_v.at[k]], ssem).wait()
        return carry

    lax.fori_loop(0, NCH, drain, 0)
    plsc.subcore_barrier()

    @pl.when(c == 0)
    def _():
        pltpu.sync_copy(agg.at[pl.ds(rbase, ROWS_PER_TILE)],
                        out0_hbm.at[pl.ds(rbase, ROWS_PER_TILE)])

    @pl.when(c == 1)
    def _():
        pltpu.sync_copy(agg.at[pl.ds(rbase, ROWS_PER_TILE)],
                        out1_hbm.at[pl.ds(rbase, ROWS_PER_TILE)])


_deg_call = functools.partial(
    pl.kernel,
    out_type=(jax.ShapeDtypeStruct((N_PAD, D), jnp.float32),
              jax.ShapeDtypeStruct((N_PAD, D), jnp.float32)),
    scratch_types=[
        pltpu.VMEM_SHARED((N_PAD, D), jnp.float32),
        pltpu.VMEM((NCH, CHUNK), jnp.int32),
        pltpu.VMEM((CHUNK, D), jnp.float32),
        pltpu.SemaphoreType.DMA,
    ],
)(_deg_body, mesh=_sc_mesh())


def _prologue_tc(d0_ref, d1_ref, x_ref, norm_ref, feat_ref, pool_ref):
    deg = d0_ref[:, 0:1] + d1_ref[:, 0:1]
    norm = lax.rsqrt(jnp.maximum(deg, 1.0))
    x = x_ref[...]
    norm_ref[...] = norm
    feat_ref[...] = x * norm
    pool_ref[...] = jnp.sum(x, axis=0, keepdims=True)


def _layer_tc(p0_ref, p1_ref, h_ref, norm_ref, w_ref, b_ref, g_ref, be_ref,
              h_out_ref, feat_ref, pool_ref):
    norm = norm_ref[...]
    agg = (p0_ref[...] + p1_ref[...]) * norm
    h = h_ref[...]
    support = (1.0 - ALPHA) * agg + ALPHA * h
    rst = ((1.0 - BETA) * support
           + BETA * jnp.dot(support, w_ref[...],
                            preferred_element_type=jnp.float32)
           + b_ref[...])
    mean = jnp.mean(rst, axis=0, keepdims=True)
    var = jnp.mean((rst - mean) ** 2, axis=0, keepdims=True)
    hn = (rst - mean) * lax.rsqrt(var + EPS)
    hh = jnp.maximum(hn * g_ref[...] + be_ref[...], 0.0)
    h_out_ref[...] = hh
    feat_ref[...] = hh * norm
    pool_ref[...] = jnp.sum(hh, axis=0, keepdims=True)


def _head_tc(pool_ref, lw_ref, lb_ref, out1_ref, out2_ref):
    score = jnp.sum(lb_ref[...], axis=0, keepdims=True)
    for i in range(L + 1):
        p = pool_ref[i:i + 1, :]
        w = lw_ref[i]
        score = score + lax.dot_general(
            p, w, (((1,), (1,)), ((), ())),
            preferred_element_type=jnp.float32)
    m = jnp.max(score, axis=1, keepdims=True)
    lse = m + jnp.log(jnp.sum(jnp.exp(score - m), axis=1, keepdims=True))
    out1_ref[...] = score - lse
    acc = pool_ref[1:2, :]
    for i in range(2, L + 1):
        acc = acc + pool_ref[i:i + 1, :]
    out2_ref[...] = acc * (1.0 / L)


def kernel(x, edge_index, W, b, bn_gamma, bn_beta, lin_W, lin_b):
    src = edge_index[0]
    dst = edge_index[1]
    srcp = jnp.concatenate(
        [src.reshape(NW, EPT_REAL),
         jnp.zeros((NW, EPAD), jnp.int32)], axis=1).reshape(NW, NCH, CHUNK)
    dstp = jnp.concatenate(
        [dst.reshape(NW, EPT_REAL),
         jnp.broadcast_to(N + jnp.arange(EPAD, dtype=jnp.int32),
                          (NW, EPAD))], axis=1).reshape(NW, NCH, CHUNK)
    dst1 = dstp.reshape(-1)
    zrow = jnp.zeros((ROWS_PER_TILE, D), jnp.float32)
    ones_chunk = jnp.ones((CHUNK, D), jnp.float32)

    d0, d1 = _deg_call(dstp, zrow, ones_chunk)
    d0 = d0[:N]
    d1 = d1[:N]

    norm, feat, pool0 = pl.pallas_call(
        _prologue_tc,
        out_shape=(jax.ShapeDtypeStruct((N, 1), jnp.float32),
                   jax.ShapeDtypeStruct((N, D), jnp.float32),
                   jax.ShapeDtypeStruct((1, D), jnp.float32)),
    )(d0, d1, x)

    h = x
    pools = [pool0]
    layer_call = pl.pallas_call(
        _layer_tc,
        out_shape=(jax.ShapeDtypeStruct((N, D), jnp.float32),
                   jax.ShapeDtypeStruct((N, D), jnp.float32),
                   jax.ShapeDtypeStruct((1, D), jnp.float32)),
    )
    for l in range(L):
        p0, p1 = _edge_call(feat, srcp, dst1, zrow)
        p0 = p0[:N]
        p1 = p1[:N]
        h, feat, pool_l = layer_call(
            p0, p1, h, norm, W[l], b[l][None, :],
            bn_gamma[l][None, :], bn_beta[l][None, :])
        pools.append(pool_l)

    pool_all = jnp.concatenate(pools, axis=0)
    out1, out2 = pl.pallas_call(
        _head_tc,
        out_shape=(jax.ShapeDtypeStruct((1, OUT), jnp.float32),
                   jax.ShapeDtypeStruct((1, D), jnp.float32)),
    )(pool_all, lin_W, lin_b)
    return out1, out2

# --- scband reference (transcript-rebuilt; emitter-appended) ---
"""Pipeline reference for scband-gcnv2-13116830122344 (READ-ONLY COPY).

The authoritative reference and input builder live on the scoring server;
editing this copy changes nothing except your own understanding.
"""

import jax, jax.numpy as jnp
import numpy as np

N = 10000
E = 320000
D = 128
OUT = 64
L = 5
ALPHA = 0.1
# DGL GCN2Conv second positional arg is the layer index l; this code passes hidden_dim=128,
# so beta = log(lambda_/l + 1) with lambda_=1, l=128 for every layer.
BETA = float(np.log(1.0 / 128.0 + 1.0))
EPS = 1e-5


def setup_inputs(seed: int = 0) -> dict:
    key = jax.random.key(seed)
    ks = jax.random.split(key, 6)
    x = jax.random.normal(ks[0], (N, D), dtype=jnp.float32)
    edge_index = jax.random.randint(ks[1], (2, E), 0, N, dtype=jnp.int32)
    # GCN2Conv weights (project_initial_features=True -> single weight per layer) + bias
    W = jax.random.normal(ks[2], (L, D, D), dtype=jnp.float32) * 0.05
    b = jnp.zeros((L, D), dtype=jnp.float32)
    # BatchNorm1d affine params per layer
    bn_gamma = jnp.ones((L, D), dtype=jnp.float32)
    bn_beta = jnp.zeros((L, D), dtype=jnp.float32)
    # linear_prediction heads: num_layers+1 linears, all in_dim==hidden_dim==128 here
    lin_W = jax.random.normal(ks[3], (L + 1, OUT, D), dtype=jnp.float32) * 0.05
    lin_b = jnp.zeros((L + 1, OUT), dtype=jnp.float32)
    return {"x": x, "edge_index": edge_index, "W": W, "b": b,
            "bn_gamma": bn_gamma, "bn_beta": bn_beta,
            "lin_W": lin_W, "lin_b": lin_b}


def reference(x, edge_index, W, b, bn_gamma, bn_beta, lin_W, lin_b):
    src = edge_index[0]
    dst = edge_index[1]
    n = x.shape[0]
    # symmetric 'both' normalization from in-degrees, clamped to min 1 (DGL GCN2Conv)
    deg = jnp.zeros((n,), dtype=x.dtype).at[dst].add(1.0)
    norm = jnp.clip(deg, 1.0, None) ** -0.5
    h = x
    hidden = [h]
    for l in range(L):
        # GCNII layer: layer(g, h, h) -> feat_0 is the current h itself
        feat = h * norm[:, None]
        msg = jnp.take(feat, src, axis=0)          # gather over edges
        agg = jnp.zeros_like(h).at[dst].add(msg)   # scatter-add over edges
        agg = agg * norm[:, None]
        support = (1.0 - ALPHA) * agg + ALPHA * h
        rst = (1.0 - BETA) * support + BETA * (support @ W[l]) + b[l]
        # BatchNorm1d (training-mode batch statistics, deterministic)
        mean = jnp.mean(rst, axis=0)
        var = jnp.var(rst, axis=0)
        hn = (rst - mean) / jnp.sqrt(var + EPS)
        h = jax.nn.relu(hn * bn_gamma[l] + bn_beta[l])
        hidden.append(h)
    # SumPooling over the single graph in the batch -> [1, d]
    pooled = [hh.sum(axis=0, keepdims=True) for hh in hidden]
    score = jnp.zeros((1, OUT), dtype=x.dtype)
    for i, p in enumerate(pooled):
        score = score + p @ lin_W[i].T + lin_b[i]  # dropout is identity in eval
    out1 = jax.nn.log_softmax(score, axis=-1)
    out2 = jnp.mean(jnp.stack(pooled[1:], axis=0), axis=0)
    return out1, out2


if False:  # reference __main__ guard neutralized (emitter)
    outs = reference(**setup_inputs())
    print(outs[0].shape, outs[1].shape)

if __name__ == "__main__":
    import jax
    _d = setup_inputs()
    print(jax.jit(kernel)(*tuple(_d.values())))

</pallas_src>

<mosaic_0001>
#map = affine_map<(d0, d1) -> (0, 0)>
#map1 = affine_map<(d0, d1) -> (0, 0, 0)>
#map2 = affine_map<(d0, d1) -> (0)>
module attributes {stable_mosaic.version = 14 : i64} {
  func.func @_edge_body(%arg0: i32, %arg1: i32, %arg2: memref<10000x128xf32, #tpu.memory_space<hbm>>, %arg3: memref<32x80x128xi32, #tpu.memory_space<hbm>>, %arg4: memref<327680xi32, #tpu.memory_space<hbm>>, %arg5: memref<640x128xf32, #tpu.memory_space<hbm>>, %arg6: memref<10240x128xf32, #tpu.memory_space<hbm>>, %arg7: memref<10240x128xf32, #tpu.memory_space<hbm>>, %arg8: memref<10240x128xf32, #tpu.memory_space<vmem_shared>>, %arg9: memref<80x128xi32, #tpu.memory_space<vmem>>, %arg10: memref<128xi32, #tpu.memory_space<vmem>>, %arg11: memref<128xi32, #tpu.memory_space<vmem>>, %arg12: memref<128x128xf32, #tpu.memory_space<vmem>>, %arg13: memref<128x128xf32, #tpu.memory_space<vmem>>, %arg14: memref<!tpu.dma_semaphore, #tpu.memory_space<semaphore_mem>>, %arg15: memref<!tpu.dma_semaphore, #tpu.memory_space<semaphore_mem>>, %arg16: memref<!tpu.dma_semaphore, #tpu.memory_space<semaphore_mem>>, %arg17: memref<!tpu.dma_semaphore, #tpu.memory_space<semaphore_mem>>) attributes {dimension_semantics = [#tpu.dimension_semantics<core_parallel>, #tpu.dimension_semantics<subcore_parallel>], iteration_bounds = array<i64: 2, 16>, scalar_prefetch = 0 : i64, scratch_operands = 10 : i64, tpu.core_type = #tpu.core_type<sc_vector_subcore>, window_params = [{transform_indices = #map}, {transform_indices = #map1}, {transform_indices = #map2}, {transform_indices = #map}, {transform_indices = #map}, {transform_indices = #map}]} {
    %mul3A = arith.constant 16 : i32
    %mul3A_0 = arith.muli %arg0, %mul3A : i32
    %add3A = arith.addi %mul3A_0, %arg1 : i32
    %mul3A_1 = arith.constant 640 : i32
    %mul3A_2 = arith.muli %arg1, %mul3A_1 : i32
    %mul3A_3 = arith.constant 10240 : i32
    %mul3A_4 = arith.muli %add3A, %mul3A_3 : i32
    "tpu.region"() ({
      %run_scoped3A = tpu.sem_alloc : memref<!tpu.dma_semaphore, #tpu.memory_space<semaphore_mem>>
      %dma_start3A_37 = arith.constant 0 : i32
      %dma_start3A_38 = tpu.memref_slice %arg8[%mul3A_2, %dma_start3A_37] : memref<10240x128xf32, #tpu.memory_space<vmem_shared>> -> memref<640x128xf32, #tpu.memory_space<vmem_shared>>
      tpu.enqueue_dma source(%arg5 : memref<640x128xf32, #tpu.memory_space<hbm>>) target(%dma_start3A_38 : memref<640x128xf32, #tpu.memory_space<vmem_shared>>) target_semaphore(%run_scoped3A : memref<!tpu.dma_semaphore, #tpu.memory_space<semaphore_mem>>)
      %dma_wait3A = arith.constant 0 : i32
      %dma_wait3A_39 = tpu.memref_slice %arg8[%mul3A_2, %dma_wait3A] : memref<10240x128xf32, #tpu.memory_space<vmem_shared>> -> memref<640x128xf32, #tpu.memory_space<vmem_shared>>
      tpu.wait_dma2 semaphore(%run_scoped3A : memref<!tpu.dma_semaphore, #tpu.memory_space<semaphore_mem>>) src(%arg5 : memref<640x128xf32, #tpu.memory_space<hbm>>) dst(%dma_wait3A_39 : memref<640x128xf32, #tpu.memory_space<vmem_shared>>)
      tpu.yield
    }) : () -> ()
    "tpu.region"() ({
      %run_scoped3A = tpu.sem_alloc : memref<!tpu.dma_semaphore, #tpu.memory_space<semaphore_mem>>
      %dma_start3A_37 = arith.constant 0 : i32
      %dma_start3A_38 = arith.constant 0 : i32
      %dma_start3A_39 = tpu.memref_slice %arg3[%add3A, %dma_start3A_37, %dma_start3A_38] : memref<32x80x128xi32, #tpu.memory_space<hbm>> -> memref<1x80x128xi32, #tpu.memory_space<hbm>>
      %dma_start3A_40 = tpu.memref_squeeze %dma_start3A_39 : memref<1x80x128xi32, #tpu.memory_space<hbm>> -> memref<80x128xi32, #tpu.memory_space<hbm>>
      %dma_start3A_41 = arith.constant 0 : i32
      %dma_start3A_42 = arith.constant 0 : i32
      %dma_start3A_43 = tpu.memref_slice %arg3[%add3A, %dma_start3A_41, %dma_start3A_42] : memref<32x80x128xi32, #tpu.memory_space<hbm>> -> memref<1x80x128xi32, #tpu.memory_space<hbm>>
      %dma_start3A_44 = tpu.memref_squeeze %dma_start3A_43 : memref<1x80x128xi32, #tpu.memory_space<hbm>> -> memref<80x128xi32, #tpu.memory_space<hbm>>
      tpu.enqueue_dma source(%dma_start3A_44 : memref<80x128xi32, #tpu.memory_space<hbm>>) target(%arg9 : memref<80x128xi32, #tpu.memory_space<vmem>>) target_semaphore(%run_scoped3A : memref<!tpu.dma_semaphore, #tpu.memory_space<semaphore_mem>>)
      %dma_wait3A = arith.constant 0 : i32
      %dma_wait3A_45 = arith.constant 0 : i32
      %dma_wait3A_46 = tpu.memref_slice %arg3[%add3A, %dma_wait3A, %dma_wait3A_45] : memref<32x80x128xi32, #tpu.memory_space<hbm>> -> memref<1x80x128xi32, #tpu.memory_space<hbm>>
      %dma_wait3A_47 = tpu.memref_squeeze %dma_wait3A_46 : memref<1x80x128xi32, #tpu.memory_space<hbm>> -> memref<80x128xi32, #tpu.memory_space<hbm>>
      %dma_wait3A_48 = arith.constant 0 : i32
      %dma_wait3A_49 = arith.constant 0 : i32
      %dma_wait3A_50 = tpu.memref_slice %arg3[%add3A, %dma_wait3A_48, %dma_wait3A_49] : memref<32x80x128xi32, #tpu.memory_space<hbm>> -> memref<1x80x128xi32, #tpu.memory_space<hbm>>
      %dma_wait3A_51 = tpu.memref_squeeze %dma_wait3A_50 : memref<1x80x128xi32, #tpu.memory_space<hbm>> -> memref<80x128xi32, #tpu.memory_space<hbm>>
      tpu.wait_dma2 semaphore(%run_scoped3A : memref<!tpu.dma_semaphore, #tpu.memory_space<semaphore_mem>>) src(%dma_wait3A_51 : memref<80x128xi32, #tpu.memory_space<hbm>>) dst(%arg9 : memref<80x128xi32, #tpu.memory_space<vmem>>)
      tpu.yield
    }) : () -> ()
    %barrier3A = arith.constant 0 : index
    tpu.barrier barrier_id(%barrier3A)
    %dma_start3A = tpu.memref_slice %arg4[%mul3A_4] : memref<327680xi32, #tpu.memory_space<hbm>> -> memref<128xi32, #tpu.memory_space<hbm>>
    %dma_start3A_5 = tpu.memref_slice %arg4[%mul3A_4] : memref<327680xi32, #tpu.memory_space<hbm>> -> memref<128xi32, #tpu.memory_space<hbm>>
    tpu.enqueue_dma source(%dma_start3A_5 : memref<128xi32, #tpu.memory_space<hbm>>) target(%arg10 : memref<128xi32, #tpu.memory_space<vmem>>) target_semaphore(%arg16 : memref<!tpu.dma_semaphore, #tpu.memory_space<semaphore_mem>>)
    %add3A_6 = arith.constant 128 : i32
    %add3A_7 = arith.addi %mul3A_4, %add3A_6 : i32
    %dma_start3A_8 = tpu.memref_slice %arg4[%add3A_7] : memref<327680xi32, #tpu.memory_space<hbm>> -> memref<128xi32, #tpu.memory_space<hbm>>
    %dma_start3A_9 = tpu.memref_slice %arg4[%add3A_7] : memref<327680xi32, #tpu.memory_space<hbm>> -> memref<128xi32, #tpu.memory_space<hbm>>
    tpu.enqueue_dma source(%dma_start3A_9 : memref<128xi32, #tpu.memory_space<hbm>>) target(%arg11 : memref<128xi32, #tpu.memory_space<vmem>>) target_semaphore(%arg17 : memref<!tpu.dma_semaphore, #tpu.memory_space<semaphore_mem>>)
    %dma_start3A_10 = arith.constant 0 : i32
    %dma_start3A_11 = arith.constant 0 : i32
    %dma_start3A_12 = tpu.memref_slice %arg9[%dma_start3A_10, %dma_start3A_11] : memref<80x128xi32, #tpu.memory_space<vmem>> -> memref<1x128xi32, #tpu.memory_space<vmem>>
    %dma_start3A_13 = tpu.memref_squeeze %dma_start3A_12 : memref<1x128xi32, #tpu.memory_space<vmem>> -> memref<128xi32, #tpu.memory_space<vmem>>
    %dma_start3A_14 = arith.constant 0 : i32
    %dma_start3A_15 = arith.constant 0 : i32
    %dma_start3A_16 = tpu.memref_slice %arg2[%dma_start3A_14, %dma_start3A_15] : memref<10000x128xf32, #tpu.memory_space<hbm>> -> memref<10000x128xf32, #tpu.memory_space<hbm>>
    tpu.enqueue_indirect_dma source(%dma_start3A_16 : memref<10000x128xf32, #tpu.memory_space<hbm>>) target(%arg12 : memref<128x128xf32, #tpu.memory_space<vmem>>) offsets(%dma_start3A_13 : memref<128xi32, #tpu.memory_space<vmem>>) semaphore(%arg14 : memref<!tpu.dma_semaphore, #tpu.memory_space<semaphore_mem>>)
    %dma_start3A_17 = arith.constant 1 : i32
    %dma_start3A_18 = arith.constant 0 : i32
    %dma_start3A_19 = tpu.memref_slice %arg9[%dma_start3A_17, %dma_start3A_18] : memref<80x128xi32, #tpu.memory_space<vmem>> -> memref<1x128xi32, #tpu.memory_space<vmem>>
    %dma_start3A_20 = tpu.memref_squeeze %dma_start3A_19 : memref<1x128xi32, #tpu.memory_space<vmem>> -> memref<128xi32, #tpu.memory_space<vmem>>
    %dma_start3A_21 = arith.constant 0 : i32
    %dma_start3A_22 = arith.constant 0 : i32
    %dma_start3A_23 = tpu.memref_slice %arg2[%dma_start3A_21, %dma_start3A_22] : memref<10000x128xf32, #tpu.memory_space<hbm>> -> memref<10000x128xf32, #tpu.memory_space<hbm>>
    tpu.enqueue_indirect_dma source(%dma_start3A_23 : memref<10000x128xf32, #tpu.memory_space<hbm>>) target(%arg13 : memref<128x128xf32, #tpu.memory_space<vmem>>) offsets(%dma_start3A_20 : memref<128xi32, #tpu.memory_space<vmem>>) semaphore(%arg15 : memref<!tpu.dma_semaphore, #tpu.memory_space<semaphore_mem>>)
    %scan3A = arith.constant 0 : i32
    %scan3A_24 = arith.constant 0 : i32
    %scan3A_25 = arith.constant 40 : i32
    %scan3A_26 = arith.addi %scan3A_24, %scan3A_25 : i32
    %scan3A_27 = arith.constant 1 : i32
    scf.for %scan3A_37 = %scan3A_24 to %scan3A_26 step %scan3A_27  : i32 {
      %mul3A_38 = arith.constant 2 : i32
      %mul3A_39 = arith.muli %mul3A_38, %scan3A_37 : i32
      %add3A_40 = arith.constant 1 : i32
      %add3A_41 = arith.addi %mul3A_39, %add3A_40 : i32
      %dma_wait3A = arith.constant 0 : i32
      %dma_wait3A_42 = tpu.memref_slice %arg9[%mul3A_39, %dma_wait3A] : memref<80x128xi32, #tpu.memory_space<vmem>> -> memref<1x128xi32, #tpu.memory_space<vmem>>
      %dma_wait3A_43 = tpu.memref_squeeze %dma_wait3A_42 : memref<1x128xi32, #tpu.memory_space<vmem>> -> memref<128xi32, #tpu.memory_space<vmem>>
      %dma_wait3A_44 = arith.constant 0 : i32
      %dma_wait3A_45 = arith.constant 0 : i32
      %dma_wait3A_46 = tpu.memref_slice %arg2[%dma_wait3A_44, %dma_wait3A_45] : memref<10000x128xf32, #tpu.memory_space<hbm>> -> memref<10000x128xf32, #tpu.memory_space<hbm>>
      tpu.wait_indirect_dma semaphore(%arg14 : memref<!tpu.dma_semaphore, #tpu.memory_space<semaphore_mem>>) src(%dma_wait3A_46 : memref<10000x128xf32, #tpu.memory_space<hbm>>) dst(%arg12 : memref<128x128xf32, #tpu.memory_space<vmem>>)
      %mul3A_47 = arith.constant 128 : i32
      %mul3A_48 = arith.muli %mul3A_39, %mul3A_47 : i32
      %add3A_49 = arith.addi %mul3A_4, %mul3A_48 : i32
      %dma_wait3A_50 = tpu.memref_slice %arg4[%add3A_49] : memref<327680xi32, #tpu.memory_space<hbm>> -> memref<128xi32, #tpu.memory_space<hbm>>
      %dma_wait3A_51 = tpu.memref_slice %arg4[%add3A_49] : memref<327680xi32, #tpu.memory_space<hbm>> -> memref<128xi32, #tpu.memory_space<hbm>>
      tpu.wait_dma2 semaphore(%arg16 : memref<!tpu.dma_semaphore, #tpu.memory_space<semaphore_mem>>) src(%dma_wait3A_51 : memref<128xi32, #tpu.memory_space<hbm>>) dst(%arg10 : memref<128xi32, #tpu.memory_space<vmem>>)
      "tpu.region"() ({
        %run_scoped3A = tpu.sem_alloc : memref<!tpu.dma_semaphore, #tpu.memory_space<semaphore_mem>>
        %dma_start3A_72 = arith.constant 0 : i32
        %dma_start3A_73 = arith.constant 0 : i32
        %dma_start3A_74 = tpu.memref_slice %arg8[%dma_start3A_72, %dma_start3A_73] : memref<10240x128xf32, #tpu.memory_space<vmem_shared>> -> memref<10240x128xf32, #tpu.memory_space<vmem_shared>>
        tpu.enqueue_indirect_dma source(%arg12 : memref<128x128xf32, #tpu.memory_space<vmem>>) target(%dma_start3A_74 : memref<10240x128xf32, #tpu.memory_space<vmem_shared>>) offsets(%arg10 : memref<128xi32, #tpu.memory_space<vmem>>) semaphore(%run_scoped3A : memref<!tpu.dma_semaphore, #tpu.memory_space<semaphore_mem>>) {add = true}
        %dma_wait3A_75 = arith.constant 0 : i32
        %dma_wait3A_76 = arith.constant 0 : i32
        %dma_wait3A_77 = tpu.memref_slice %arg8[%dma_wait3A_75, %dma_wait3A_76] : memref<10240x128xf32, #tpu.memory_space<vmem_shared>> -> memref<10240x128xf32, #tpu.memory_space<vmem_shared>>
        tpu.wait_indirect_dma semaphore(%run_scoped3A : memref<!tpu.dma_semaphore, #tpu.memory_space<semaphore_mem>>) src(%arg12 : memref<128x128xf32, #tpu.memory_space<vmem>>) dst(%dma_wait3A_77 : memref<10240x128xf32, #tpu.memory_space<vmem_shared>>)
        tpu.yield
      }) : () -> ()
      %lt3A = arith.constant 39 : i32
      %lt3A_52 = arith.cmpi slt, %scan3A_37, %lt3A : i32
      %convert_element_type3A_53 = arith.extui %lt3A_52 : i1 to i32
      %cond3A_54 = arith.constant 0 : i32
      %cond3A_55 = arith.cmpi ne, %convert_element_type3A_53, %cond3A_54 : i32
      scf.if %cond3A_55 {
        %add3A_72 = arith.constant 2 : i32
        %add3A_73 = arith.addi %mul3A_39, %add3A_72 : i32
        %dma_start3A_74 = arith.constant 0 : i32
        %dma_start3A_75 = tpu.memref_slice %arg9[%add3A_73, %dma_start3A_74] : memref<80x128xi32, #tpu.memory_space<vmem>> -> memref<1x128xi32, #tpu.memory_space<vmem>>
        %dma_start3A_76 = tpu.memref_squeeze %dma_start3A_75 : memref<1x128xi32, #tpu.memory_space<vmem>> -> memref<128xi32, #tpu.memory_space<vmem>>
        %dma_start3A_77 = arith.constant 0 : i32
        %dma_start3A_78 = arith.constant 0 : i32
        %dma_start3A_79 = tpu.memref_slice %arg2[%dma_start3A_77, %dma_start3A_78] : memref<10000x128xf32, #tpu.memory_space<hbm>> -> memref<10000x128xf32, #tpu.memory_space<hbm>>
        tpu.enqueue_indirect_dma source(%dma_start3A_79 : memref<10000x128xf32, #tpu.memory_space<hbm>>) target(%arg12 : memref<128x128xf32, #tpu.memory_space<vmem>>) offsets(%dma_start3A_76 : memref<128xi32, #tpu.memory_space<vmem>>) semaphore(%arg14 : memref<!tpu.dma_semaphore, #tpu.memory_space<semaphore_mem>>)
        %add3A_80 = arith.constant 2 : i32
        %add3A_81 = arith.addi %mul3A_39, %add3A_80 : i32
        %mul3A_82 = arith.constant 128 : i32
        %mul3A_83 = arith.muli %add3A_81, %mul3A_82 : i32
        %add3A_84 = arith.addi %mul3A_4, %mul3A_83 : i32
        %dma_start3A_85 = tpu.memref_slice %arg4[%add3A_84] : memref<327680xi32, #tpu.memory_space<hbm>> -> memref<128xi32, #tpu.memory_space<hbm>>
        %dma_start3A_86 = tpu.memref_slice %arg4[%add3A_84] : memref<327680xi32, #tpu.memory_space<hbm>> -> memref<128xi32, #tpu.memory_space<hbm>>
        tpu.enqueue_dma source(%dma_start3A_86 : memref<128xi32, #tpu.memory_space<hbm>>) target(%arg10 : memref<128xi32, #tpu.memory_space<vmem>>) target_semaphore(%arg16 : memref<!tpu.dma_semaphore, #tpu.memory_space<semaphore_mem>>)
      } else {
      }
      %dma_wait3A_56 = arith.constant 0 : i32
      %dma_wait3A_57 = tpu.memref_slice %arg9[%add3A_41, %dma_wait3A_56] : memref<80x128xi32, #tpu.memory_space<vmem>> -> memref<1x128xi32, #tpu.memory_space<vmem>>
      %dma_wait3A_58 = tpu.memref_squeeze %dma_wait3A_57 : memref<1x128xi32, #tpu.memory_space<vmem>> -> memref<128xi32, #tpu.memory_space<vmem>>
      %dma_wait3A_59 = arith.constant 0 : i32
      %dma_wait3A_60 = arith.constant 0 : i32
      %dma_wait3A_61 = tpu.memref_slice %arg2[%dma_wait3A_59, %dma_wait3A_60] : memref<10000x128xf32, #tpu.memory_space<hbm>> -> memref<10000x128xf32, #tpu.memory_space<hbm>>
      tpu.wait_indirect_dma semaphore(%arg15 : memref<!tpu.dma_semaphore, #tpu.memory_space<semaphore_mem>>) src(%dma_wait3A_61 : memref<10000x128xf32, #tpu.memory_space<hbm>>) dst(%arg13 : memref<128x128xf32, #tpu.memory_space<vmem>>)
      %mul3A_62 = arith.constant 128 : i32
      %mul3A_63 = arith.muli %add3A_41, %mul3A_62 : i32
      %add3A_64 = arith.addi %mul3A_4, %mul3A_63 : i32
      %dma_wait3A_65 = tpu.memref_slice %arg4[%add3A_64] : memref<327680xi32, #tpu.memory_space<hbm>> -> memref<128xi32, #tpu.memory_space<hbm>>
      %dma_wait3A_66 = tpu.memref_slice %arg4[%add3A_64] : memref<327680xi32, #tpu.memory_space<hbm>> -> memref<128xi32, #tpu.memory_space<hbm>>
      tpu.wait_dma2 semaphore(%arg17 : memref<!tpu.dma_semaphore, #tpu.memory_space<semaphore_mem>>) src(%dma_wait3A_66 : memref<128xi32, #tpu.memory_space<hbm>>) dst(%arg11 : memref<128xi32, #tpu.memory_space<vmem>>)
      "tpu.region"() ({
        %run_scoped3A = tpu.sem_alloc : memref<!tpu.dma_semaphore, #tpu.memory_space<semaphore_mem>>
        %dma_start3A_72 = arith.constant 0 : i32
        %dma_start3A_73 = arith.constant 0 : i32
        %dma_start3A_74 = tpu.memref_slice %arg8[%dma_start3A_72, %dma_start3A_73] : memref<10240x128xf32, #tpu.memory_space<vmem_shared>> -> memref<10240x128xf32, #tpu.memory_space<vmem_shared>>
        tpu.enqueue_indirect_dma source(%arg13 : memref<128x128xf32, #tpu.memory_space<vmem>>) target(%dma_start3A_74 : memref<10240x128xf32, #tpu.memory_space<vmem_shared>>) offsets(%arg11 : memref<128xi32, #tpu.memory_space<vmem>>) semaphore(%run_scoped3A : memref<!tpu.dma_semaphore, #tpu.memory_space<semaphore_mem>>) {add = true}
        %dma_wait3A_75 = arith.constant 0 : i32
        %dma_wait3A_76 = arith.constant 0 : i32
        %dma_wait3A_77 = tpu.memref_slice %arg8[%dma_wait3A_75, %dma_wait3A_76] : memref<10240x128xf32, #tpu.memory_space<vmem_shared>> -> memref<10240x128xf32, #tpu.memory_space<vmem_shared>>
        tpu.wait_indirect_dma semaphore(%run_scoped3A : memref<!tpu.dma_semaphore, #tpu.memory_space<semaphore_mem>>) src(%arg13 : memref<128x128xf32, #tpu.memory_space<vmem>>) dst(%dma_wait3A_77 : memref<10240x128xf32, #tpu.memory_space<vmem_shared>>)
        tpu.yield
      }) : () -> ()
      %lt3A_67 = arith.constant 39 : i32
      %lt3A_68 = arith.cmpi slt, %scan3A_37, %lt3A_67 : i32
      %convert_element_type3A_69 = arith.extui %lt3A_68 : i1 to i32
      %cond3A_70 = arith.constant 0 : i32
      %cond3A_71 = arith.cmpi ne, %convert_element_type3A_69, %cond3A_70 : i32
      scf.if %cond3A_71 {
        %add3A_72 = arith.constant 2 : i32
        %add3A_73 = arith.addi %add3A_41, %add3A_72 : i32
        %dma_start3A_74 = arith.constant 0 : i32
        %dma_start3A_75 = tpu.memref_slice %arg9[%add3A_73, %dma_start3A_74] : memref<80x128xi32, #tpu.memory_space<vmem>> -> memref<1x128xi32, #tpu.memory_space<vmem>>
        %dma_start3A_76 = tpu.memref_squeeze %dma_start3A_75 : memref<1x128xi32, #tpu.memory_space<vmem>> -> memref<128xi32, #tpu.memory_space<vmem>>
        %dma_start3A_77 = arith.constant 0 : i32
        %dma_start3A_78 = arith.constant 0 : i32
        %dma_start3A_79 = tpu.memref_slice %arg2[%dma_start3A_77, %dma_start3A_78] : memref<10000x128xf32, #tpu.memory_space<hbm>> -> memref<10000x128xf32, #tpu.memory_space<hbm>>
        tpu.enqueue_indirect_dma source(%dma_start3A_79 : memref<10000x128xf32, #tpu.memory_space<hbm>>) target(%arg13 : memref<128x128xf32, #tpu.memory_space<vmem>>) offsets(%dma_start3A_76 : memref<128xi32, #tpu.memory_space<vmem>>) semaphore(%arg15 : memref<!tpu.dma_semaphore, #tpu.memory_space<semaphore_mem>>)
        %add3A_80 = arith.constant 2 : i32
        %add3A_81 = arith.addi %add3A_41, %add3A_80 : i32
        %mul3A_82 = arith.constant 128 : i32
        %mul3A_83 = arith.muli %add3A_81, %mul3A_82 : i32
        %add3A_84 = arith.addi %mul3A_4, %mul3A_83 : i32
        %dma_start3A_85 = tpu.memref_slice %arg4[%add3A_84] : memref<327680xi32, #tpu.memory_space<hbm>> -> memref<128xi32, #tpu.memory_space<hbm>>
        %dma_start3A_86 = tpu.memref_slice %arg4[%add3A_84] : memref<327680xi32, #tpu.memory_space<hbm>> -> memref<128xi32, #tpu.memory_space<hbm>>
        tpu.enqueue_dma source(%dma_start3A_86 : memref<128xi32, #tpu.memory_space<hbm>>) target(%arg11 : memref<128xi32, #tpu.memory_space<vmem>>) target_semaphore(%arg17 : memref<!tpu.dma_semaphore, #tpu.memory_space<semaphore_mem>>)
      } else {
      }
    }
    %scan3A_28 = arith.constant 40 : i32
    %barrier3A_29 = arith.constant 0 : index
    tpu.barrier barrier_id(%barrier3A_29)
    %eq3A = arith.constant 0 : i32
    %eq3A_30 = arith.cmpi eq, %arg0, %eq3A : i32
    %convert_element_type3A = arith.extui %eq3A_30 : i1 to i32
    %cond3A = arith.constant 0 : i32
    %cond3A_31 = arith.cmpi ne, %convert_element_type3A, %cond3A : i32
    scf.if %cond3A_31 {
      "tpu.region"() ({
        %run_scoped3A = tpu.sem_alloc : memref<!tpu.dma_semaphore, #tpu.memory_space<semaphore_mem>>
        %dma_start3A_37 = arith.constant 0 : i32
        %dma_start3A_38 = tpu.memref_slice %arg6[%mul3A_2, %dma_start3A_37] : memref<10240x128xf32, #tpu.memory_space<hbm>> -> memref<640x128xf32, #tpu.memory_space<hbm>>
        %dma_start3A_39 = arith.constant 0 : i32
        %dma_start3A_40 = tpu.memref_slice %arg8[%mul3A_2, %dma_start3A_39] : memref<10240x128xf32, #tpu.memory_space<vmem_shared>> -> memref<640x128xf32, #tpu.memory_space<vmem_shared>>
        tpu.enqueue_dma source(%dma_start3A_40 : memref<640x128xf32, #tpu.memory_space<vmem_shared>>) target(%dma_start3A_38 : memref<640x128xf32, #tpu.memory_space<hbm>>) target_semaphore(%run_scoped3A : memref<!tpu.dma_semaphore, #tpu.memory_space<semaphore_mem>>)
        %dma_wait3A = arith.constant 0 : i32
        %dma_wait3A_41 = tpu.memref_slice %arg6[%mul3A_2, %dma_wait3A] : memref<10240x128xf32, #tpu.memory_space<hbm>> -> memref<640x128xf32, #tpu.memory_space<hbm>>
        %dma_wait3A_42 = arith.constant 0 : i32
        %dma_wait3A_43 = tpu.memref_slice %arg8[%mul3A_2, %dma_wait3A_42] : memref<10240x128xf32, #tpu.memory_space<vmem_shared>> -> memref<640x128xf32, #tpu.memory_space<vmem_shared>>
        tpu.wait_dma2 semaphore(%run_scoped3A : memref<!tpu.dma_semaphore, #tpu.memory_space<semaphore_mem>>) src(%dma_wait3A_43 : memref<640x128xf32, #tpu.memory_space<vmem_shared>>) dst(%dma_wait3A_41 : memref<640x128xf32, #tpu.memory_space<hbm>>)
        tpu.yield
      }) : () -> ()
    } else {
    }
    %eq3A_32 = arith.constant 1 : i32
    %eq3A_33 = arith.cmpi eq, %arg0, %eq3A_32 : i32
    %convert_element_type3A_34 = arith.extui %eq3A_33 : i1 to i32
    %cond3A_35 = arith.constant 0 : i32
    %cond3A_36 = arith.cmpi ne, %convert_element_type3A_34, %cond3A_35 : i32
    scf.if %cond3A_36 {
      "tpu.region"() ({
        %run_scoped3A = tpu.sem_alloc : memref<!tpu.dma_semaphore, #tpu.memory_space<semaphore_mem>>
        %dma_start3A_37 = arith.constant 0 : i32
        %dma_start3A_38 = tpu.memref_slice %arg7[%mul3A_2, %dma_start3A_37] : memref<10240x128xf32, #tpu.memory_space<hbm>> -> memref<640x128xf32, #tpu.memory_space<hbm>>
        %dma_start3A_39 = arith.constant 0 : i32
        %dma_start3A_40 = tpu.memref_slice %arg8[%mul3A_2, %dma_start3A_39] : memref<10240x128xf32, #tpu.memory_space<vmem_shared>> -> memref<640x128xf32, #tpu.memory_space<vmem_shared>>
        tpu.enqueue_dma source(%dma_start3A_40 : memref<640x128xf32, #tpu.memory_space<vmem_shared>>) target(%dma_start3A_38 : memref<640x128xf32, #tpu.memory_space<hbm>>) target_semaphore(%run_scoped3A : memref<!tpu.dma_semaphore, #tpu.memory_space<semaphore_mem>>)
        %dma_wait3A = arith.constant 0 : i32
        %dma_wait3A_41 = tpu.memref_slice %arg7[%mul3A_2, %dma_wait3A] : memref<10240x128xf32, #tpu.memory_space<hbm>> -> memref<640x128xf32, #tpu.memory_space<hbm>>
        %dma_wait3A_42 = arith.constant 0 : i32
        %dma_wait3A_43 = tpu.memref_slice %arg8[%mul3A_2, %dma_wait3A_42] : memref<10240x128xf32, #tpu.memory_space<vmem_shared>> -> memref<640x128xf32, #tpu.memory_space<vmem_shared>>
        tpu.wait_dma2 semaphore(%run_scoped3A : memref<!tpu.dma_semaphore, #tpu.memory_space<semaphore_mem>>) src(%dma_wait3A_43 : memref<640x128xf32, #tpu.memory_space<vmem_shared>>) dst(%dma_wait3A_41 : memref<640x128xf32, #tpu.memory_space<hbm>>)
        tpu.yield
      }) : () -> ()
    } else {
    }
    return
  }
}

#map = affine_map<(d0, d1) -> (0, 0, 0)>
#map1 = affine_map<(d0, d1) -> (0, 0)>
module attributes {stable_mosaic.version = 14 : i64} {
  func.func @_deg_body(%arg0: i32, %arg1: i32, %arg2: memref<32x80x128xi32, #tpu.memory_space<hbm>>, %arg3: memref<640x128xf32, #tpu.memory_space<hbm>>, %arg4: memref<128x128xf32, #tpu.memory_space<hbm>>, %arg5: memref<10240x128xf32, #tpu.memory_space<hbm>>, %arg6: memref<10240x128xf32, #tpu.memory_space<hbm>>, %arg7: memref<10240x128xf32, #tpu.memory_space<vmem_shared>>, %arg8: memref<80x128xi32, #tpu.memory_space<vmem>>, %arg9: memref<128x128xf32, #tpu.memory_space<vmem>>, %arg10: memref<!tpu.dma_semaphore, #tpu.memory_space<semaphore_mem>>) attributes {dimension_semantics = [#tpu.dimension_semantics<core_parallel>, #tpu.dimension_semantics<subcore_parallel>], iteration_bounds = array<i64: 2, 16>, scalar_prefetch = 0 : i64, scratch_operands = 4 : i64, tpu.core_type = #tpu.core_type<sc_vector_subcore>, window_params = [{transform_indices = #map}, {transform_indices = #map1}, {transform_indices = #map1}, {transform_indices = #map1}, {transform_indices = #map1}]} {
    %mul3A = arith.constant 16 : i32
    %mul3A_0 = arith.muli %arg0, %mul3A : i32
    %add3A = arith.addi %mul3A_0, %arg1 : i32
    %mul3A_1 = arith.constant 640 : i32
    %mul3A_2 = arith.muli %arg1, %mul3A_1 : i32
    "tpu.region"() ({
      %run_scoped3A = tpu.sem_alloc : memref<!tpu.dma_semaphore, #tpu.memory_space<semaphore_mem>>
      %dma_start3A = arith.constant 0 : i32
      %dma_start3A_22 = tpu.memref_slice %arg7[%mul3A_2, %dma_start3A] : memref<10240x128xf32, #tpu.memory_space<vmem_shared>> -> memref<640x128xf32, #tpu.memory_space<vmem_shared>>
      tpu.enqueue_dma source(%arg3 : memref<640x128xf32, #tpu.memory_space<hbm>>) target(%dma_start3A_22 : memref<640x128xf32, #tpu.memory_space<vmem_shared>>) target_semaphore(%run_scoped3A : memref<!tpu.dma_semaphore, #tpu.memory_space<semaphore_mem>>)
      %dma_wait3A = arith.constant 0 : i32
      %dma_wait3A_23 = tpu.memref_slice %arg7[%mul3A_2, %dma_wait3A] : memref<10240x128xf32, #tpu.memory_space<vmem_shared>> -> memref<640x128xf32, #tpu.memory_space<vmem_shared>>
      tpu.wait_dma2 semaphore(%run_scoped3A : memref<!tpu.dma_semaphore, #tpu.memory_space<semaphore_mem>>) src(%arg3 : memref<640x128xf32, #tpu.memory_space<hbm>>) dst(%dma_wait3A_23 : memref<640x128xf32, #tpu.memory_space<vmem_shared>>)
      tpu.yield
    }) : () -> ()
    "tpu.region"() ({
      %run_scoped3A = tpu.sem_alloc : memref<!tpu.dma_semaphore, #tpu.memory_space<semaphore_mem>>
      %dma_start3A = arith.constant 0 : i32
      %dma_start3A_22 = arith.constant 0 : i32
      %dma_start3A_23 = tpu.memref_slice %arg2[%add3A, %dma_start3A, %dma_start3A_22] : memref<32x80x128xi32, #tpu.memory_space<hbm>> -> memref<1x80x128xi32, #tpu.memory_space<hbm>>
      %dma_start3A_24 = tpu.memref_squeeze %dma_start3A_23 : memref<1x80x128xi32, #tpu.memory_space<hbm>> -> memref<80x128xi32, #tpu.memory_space<hbm>>
      %dma_start3A_25 = arith.constant 0 : i32
      %dma_start3A_26 = arith.constant 0 : i32
      %dma_start3A_27 = tpu.memref_slice %arg2[%add3A, %dma_start3A_25, %dma_start3A_26] : memref<32x80x128xi32, #tpu.memory_space<hbm>> -> memref<1x80x128xi32, #tpu.memory_space<hbm>>
      %dma_start3A_28 = tpu.memref_squeeze %dma_start3A_27 : memref<1x80x128xi32, #tpu.memory_space<hbm>> -> memref<80x128xi32, #tpu.memory_space<hbm>>
      tpu.enqueue_dma source(%dma_start3A_28 : memref<80x128xi32, #tpu.memory_space<hbm>>) target(%arg8 : memref<80x128xi32, #tpu.memory_space<vmem>>) target_semaphore(%run_scoped3A : memref<!tpu.dma_semaphore, #tpu.memory_space<semaphore_mem>>)
      %dma_wait3A = arith.constant 0 : i32
      %dma_wait3A_29 = arith.constant 0 : i32
      %dma_wait3A_30 = tpu.memref_slice %arg2[%add3A, %dma_wait3A, %dma_wait3A_29] : memref<32x80x128xi32, #tpu.memory_space<hbm>> -> memref<1x80x128xi32, #tpu.memory_space<hbm>>
      %dma_wait3A_31 = tpu.memref_squeeze %dma_wait3A_30 : memref<1x80x128xi32, #tpu.memory_space<hbm>> -> memref<80x128xi32, #tpu.memory_space<hbm>>
      %dma_wait3A_32 = arith.constant 0 : i32
      %dma_wait3A_33 = arith.constant 0 : i32
      %dma_wait3A_34 = tpu.memref_slice %arg2[%add3A, %dma_wait3A_32, %dma_wait3A_33] : memref<32x80x128xi32, #tpu.memory_space<hbm>> -> memref<1x80x128xi32, #tpu.memory_space<hbm>>
      %dma_wait3A_35 = tpu.memref_squeeze %dma_wait3A_34 : memref<1x80x128xi32, #tpu.memory_space<hbm>> -> memref<80x128xi32, #tpu.memory_space<hbm>>
      tpu.wait_dma2 semaphore(%run_scoped3A : memref<!tpu.dma_semaphore, #tpu.memory_space<semaphore_mem>>) src(%dma_wait3A_35 : memref<80x128xi32, #tpu.memory_space<hbm>>) dst(%arg8 : memref<80x128xi32, #tpu.memory_space<vmem>>)
      tpu.yield
    }) : () -> ()
    "tpu.region"() ({
      %run_scoped3A = tpu.sem_alloc : memref<!tpu.dma_semaphore, #tpu.memory_space<semaphore_mem>>
      tpu.enqueue_dma source(%arg4 : memref<128x128xf32, #tpu.memory_space<hbm>>) target(%arg9 : memref<128x128xf32, #tpu.memory_space<vmem>>) target_semaphore(%run_scoped3A : memref<!tpu.dma_semaphore, #tpu.memory_space<semaphore_mem>>)
      tpu.wait_dma2 semaphore(%run_scoped3A : memref<!tpu.dma_semaphore, #tpu.memory_space<semaphore_mem>>) src(%arg4 : memref<128x128xf32, #tpu.memory_space<hbm>>) dst(%arg9 : memref<128x128xf32, #tpu.memory_space<vmem>>)
      tpu.yield
    }) : () -> ()
    %barrier3A = arith.constant 0 : index
    tpu.barrier barrier_id(%barrier3A)
    %scan3A = arith.constant 0 : i32
    %scan3A_3 = arith.constant 0 : i32
    %scan3A_4 = arith.constant 80 : i32
    %scan3A_5 = arith.addi %scan3A_3, %scan3A_4 : i32
    %scan3A_6 = arith.constant 1 : i32
    scf.for %scan3A_22 = %scan3A_3 to %scan3A_5 step %scan3A_6  : i32 {
      %dma_start3A = arith.constant 0 : i32
      %dma_start3A_23 = tpu.memref_slice %arg8[%scan3A_22, %dma_start3A] : memref<80x128xi32, #tpu.memory_space<vmem>> -> memref<1x128xi32, #tpu.memory_space<vmem>>
      %dma_start3A_24 = tpu.memref_squeeze %dma_start3A_23 : memref<1x128xi32, #tpu.memory_space<vmem>> -> memref<128xi32, #tpu.memory_space<vmem>>
      %dma_start3A_25 = arith.constant 0 : i32
      %dma_start3A_26 = arith.constant 0 : i32
      %dma_start3A_27 = tpu.memref_slice %arg7[%dma_start3A_25, %dma_start3A_26] : memref<10240x128xf32, #tpu.memory_space<vmem_shared>> -> memref<10240x128xf32, #tpu.memory_space<vmem_shared>>
      tpu.enqueue_indirect_dma source(%arg9 : memref<128x128xf32, #tpu.memory_space<vmem>>) target(%dma_start3A_27 : memref<10240x128xf32, #tpu.memory_space<vmem_shared>>) offsets(%dma_start3A_24 : memref<128xi32, #tpu.memory_space<vmem>>) semaphore(%arg10 : memref<!tpu.dma_semaphore, #tpu.memory_space<semaphore_mem>>) {add = true}
    }
    %scan3A_7 = arith.constant 80 : i32
    %scan3A_8 = arith.constant 0 : i32
    %scan3A_9 = arith.constant 0 : i32
    %scan3A_10 = arith.constant 80 : i32
    %scan3A_11 = arith.addi %scan3A_9, %scan3A_10 : i32
    %scan3A_12 = arith.constant 1 : i32
    scf.for %scan3A_22 = %scan3A_9 to %scan3A_11 step %scan3A_12  : i32 {
      %dma_wait3A = arith.constant 0 : i32
      %dma_wait3A_23 = tpu.memref_slice %arg8[%scan3A_22, %dma_wait3A] : memref<80x128xi32, #tpu.memory_space<vmem>> -> memref<1x128xi32, #tpu.memory_space<vmem>>
      %dma_wait3A_24 = tpu.memref_squeeze %dma_wait3A_23 : memref<1x128xi32, #tpu.memory_space<vmem>> -> memref<128xi32, #tpu.memory_space<vmem>>
      %dma_wait3A_25 = arith.constant 0 : i32
      %dma_wait3A_26 = arith.constant 0 : i32
      %dma_wait3A_27 = tpu.memref_slice %arg7[%dma_wait3A_25, %dma_wait3A_26] : memref<10240x128xf32, #tpu.memory_space<vmem_shared>> -> memref<10240x128xf32, #tpu.memory_space<vmem_shared>>
      tpu.wait_indirect_dma semaphore(%arg10 : memref<!tpu.dma_semaphore, #tpu.memory_space<semaphore_mem>>) src(%arg9 : memref<128x128xf32, #tpu.memory_space<vmem>>) dst(%dma_wait3A_27 : memref<10240x128xf32, #tpu.memory_space<vmem_shared>>)
    }
    %scan3A_13 = arith.constant 80 : i32
    %barrier3A_14 = arith.constant 0 : index
    tpu.barrier barrier_id(%barrier3A_14)
    %eq3A = arith.constant 0 : i32
    %eq3A_15 = arith.cmpi eq, %arg0, %eq3A : i32
    %convert_element_type3A = arith.extui %eq3A_15 : i1 to i32
    %cond3A = arith.constant 0 : i32
    %cond3A_16 = arith.cmpi ne, %convert_element_type3A, %cond3A : i32
    scf.if %cond3A_16 {
      "tpu.region"() ({
        %run_scoped3A = tpu.sem_alloc : memref<!tpu.dma_semaphore, #tpu.memory_space<semaphore_mem>>
        %dma_start3A = arith.constant 0 : i32
        %dma_start3A_22 = tpu.memref_slice %arg5[%mul3A_2, %dma_start3A] : memref<10240x128xf32, #tpu.memory_space<hbm>> -> memref<640x128xf32, #tpu.memory_space<hbm>>
        %dma_start3A_23 = arith.constant 0 : i32
        %dma_start3A_24 = tpu.memref_slice %arg7[%mul3A_2, %dma_start3A_23] : memref<10240x128xf32, #tpu.memory_space<vmem_shared>> -> memref<640x128xf32, #tpu.memory_space<vmem_shared>>
        tpu.enqueue_dma source(%dma_start3A_24 : memref<640x128xf32, #tpu.memory_space<vmem_shared>>) target(%dma_start3A_22 : memref<640x128xf32, #tpu.memory_space<hbm>>) target_semaphore(%run_scoped3A : memref<!tpu.dma_semaphore, #tpu.memory_space<semaphore_mem>>)
        %dma_wait3A = arith.constant 0 : i32
        %dma_wait3A_25 = tpu.memref_slice %arg5[%mul3A_2, %dma_wait3A] : memref<10240x128xf32, #tpu.memory_space<hbm>> -> memref<640x128xf32, #tpu.memory_space<hbm>>
        %dma_wait3A_26 = arith.constant 0 : i32
        %dma_wait3A_27 = tpu.memref_slice %arg7[%mul3A_2, %dma_wait3A_26] : memref<10240x128xf32, #tpu.memory_space<vmem_shared>> -> memref<640x128xf32, #tpu.memory_space<vmem_shared>>
        tpu.wait_dma2 semaphore(%run_scoped3A : memref<!tpu.dma_semaphore, #tpu.memory_space<semaphore_mem>>) src(%dma_wait3A_27 : memref<640x128xf32, #tpu.memory_space<vmem_shared>>) dst(%dma_wait3A_25 : memref<640x128xf32, #tpu.memory_space<hbm>>)
        tpu.yield
      }) : () -> ()
    } else {
    }
    %eq3A_17 = arith.constant 1 : i32
    %eq3A_18 = arith.cmpi eq, %arg0, %eq3A_17 : i32
    %convert_element_type3A_19 = arith.extui %eq3A_18 : i1 to i32
    %cond3A_20 = arith.constant 0 : i32
    %cond3A_21 = arith.cmpi ne, %convert_element_type3A_19, %cond3A_20 : i32
    scf.if %cond3A_21 {
      "tpu.region"() ({
        %run_scoped3A = tpu.sem_alloc : memref<!tpu.dma_semaphore, #tpu.memory_space<semaphore_mem>>
        %dma_start3A = arith.constant 0 : i32
        %dma_start3A_22 = tpu.memref_slice %arg6[%mul3A_2, %dma_start3A] : memref<10240x128xf32, #tpu.memory_space<hbm>> -> memref<640x128xf32, #tpu.memory_space<hbm>>
        %dma_start3A_23 = arith.constant 0 : i32
        %dma_start3A_24 = tpu.memref_slice %arg7[%mul3A_2, %dma_start3A_23] : memref<10240x128xf32, #tpu.memory_space<vmem_shared>> -> memref<640x128xf32, #tpu.memory_space<vmem_shared>>
        tpu.enqueue_dma source(%dma_start3A_24 : memref<640x128xf32, #tpu.memory_space<vmem_shared>>) target(%dma_start3A_22 : memref<640x128xf32, #tpu.memory_space<hbm>>) target_semaphore(%run_scoped3A : memref<!tpu.dma_semaphore, #tpu.memory_space<semaphore_mem>>)
        %dma_wait3A = arith.constant 0 : i32
        %dma_wait3A_25 = tpu.memref_slice %arg6[%mul3A_2, %dma_wait3A] : memref<10240x128xf32, #tpu.memory_space<hbm>> -> memref<640x128xf32, #tpu.memory_space<hbm>>
        %dma_wait3A_26 = arith.constant 0 : i32
        %dma_wait3A_27 = tpu.memref_slice %arg7[%mul3A_2, %dma_wait3A_26] : memref<10240x128xf32, #tpu.memory_space<vmem_shared>> -> memref<640x128xf32, #tpu.memory_space<vmem_shared>>
        tpu.wait_dma2 semaphore(%run_scoped3A : memref<!tpu.dma_semaphore, #tpu.memory_space<semaphore_mem>>) src(%dma_wait3A_27 : memref<640x128xf32, #tpu.memory_space<vmem_shared>>) dst(%dma_wait3A_25 : memref<640x128xf32, #tpu.memory_space<hbm>>)
        tpu.yield
      }) : () -> ()
    } else {
    }
    return
  }
}

#map = affine_map<(d0, d1) -> (0, 0)>
#map1 = affine_map<(d0, d1) -> (0, 0, 0)>
#map2 = affine_map<(d0, d1) -> (0)>
module attributes {stable_mosaic.version = 14 : i64} {
  func.func @_edge_body(%arg0: i32, %arg1: i32, %arg2: memref<10000x128xf32, #tpu.memory_space<hbm>>, %arg3: memref<32x80x128xi32, #tpu.memory_space<hbm>>, %arg4: memref<327680xi32, #tpu.memory_space<hbm>>, %arg5: memref<640x128xf32, #tpu.memory_space<hbm>>, %arg6: memref<10240x128xf32, #tpu.memory_space<hbm>>, %arg7: memref<10240x128xf32, #tpu.memory_space<hbm>>, %arg8: memref<10240x128xf32, #tpu.memory_space<vmem_shared>>, %arg9: memref<80x128xi32, #tpu.memory_space<vmem>>, %arg10: memref<128xi32, #tpu.memory_space<vmem>>, %arg11: memref<128xi32, #tpu.memory_space<vmem>>, %arg12: memref<128x128xf32, #tpu.memory_space<vmem>>, %arg13: memref<128x128xf32, #tpu.memory_space<vmem>>, %arg14: memref<!tpu.dma_semaphore, #tpu.memory_space<semaphore_mem>>, %arg15: memref<!tpu.dma_semaphore, #tpu.memory_space<semaphore_mem>>, %arg16: memref<!tpu.dma_semaphore, #tpu.memory_space<semaphore_mem>>, %arg17: memref<!tpu.dma_semaphore, #tpu.memory_space<semaphore_mem>>) attributes {dimension_semantics = [#tpu.dimension_semantics<core_parallel>, #tpu.dimension_semantics<subcore_parallel>], iteration_bounds = array<i64: 2, 16>, scalar_prefetch = 0 : i64, scratch_operands = 10 : i64, tpu.core_type = #tpu.core_type<sc_vector_subcore>, window_params = [{transform_indices = #map}, {transform_indices = #map1}, {transform_indices = #map2}, {transform_indices = #map}, {transform_indices = #map}, {transform_indices = #map}]} {
    %mul3A = arith.constant 16 : i32
    %mul3A_0 = arith.muli %arg0, %mul3A : i32
    %add3A = arith.addi %mul3A_0, %arg1 : i32
    %mul3A_1 = arith.constant 640 : i32
    %mul3A_2 = arith.muli %arg1, %mul3A_1 : i32
    %mul3A_3 = arith.constant 10240 : i32
    %mul3A_4 = arith.muli %add3A, %mul3A_3 : i32
    "tpu.region"() ({
      %run_scoped3A = tpu.sem_alloc : memref<!tpu.dma_semaphore, #tpu.memory_space<semaphore_mem>>
      %dma_start3A_37 = arith.constant 0 : i32
      %dma_start3A_38 = tpu.memref_slice %arg8[%mul3A_2, %dma_start3A_37] : memref<10240x128xf32, #tpu.memory_space<vmem_shared>> -> memref<640x128xf32, #tpu.memory_space<vmem_shared>>
      tpu.enqueue_dma source(%arg5 : memref<640x128xf32, #tpu.memory_space<hbm>>) target(%dma_start3A_38 : memref<640x128xf32, #tpu.memory_space<vmem_shared>>) target_semaphore(%run_scoped3A : memref<!tpu.dma_semaphore, #tpu.memory_space<semaphore_mem>>)
      %dma_wait3A = arith.constant 0 : i32
      %dma_wait3A_39 = tpu.memref_slice %arg8[%mul3A_2, %dma_wait3A] : memref<10240x128xf32, #tpu.memory_space<vmem_shared>> -> memref<640x128xf32, #tpu.memory_space<vmem_shared>>
      tpu.wait_dma2 semaphore(%run_scoped3A : memref<!tpu.dma_semaphore, #tpu.memory_space<semaphore_mem>>) src(%arg5 : memref<640x128xf32, #tpu.memory_space<hbm>>) dst(%dma_wait3A_39 : memref<640x128xf32, #tpu.memory_space<vmem_shared>>)
      tpu.yield
    }) : () -> ()
    "tpu.region"() ({
      %run_scoped3A = tpu.sem_alloc : memref<!tpu.dma_semaphore, #tpu.memory_space<semaphore_mem>>
      %dma_start3A_37 = arith.constant 0 : i32
      %dma_start3A_38 = arith.constant 0 : i32
      %dma_start3A_39 = tpu.memref_slice %arg3[%add3A, %dma_start3A_37, %dma_start3A_38] : memref<32x80x128xi32, #tpu.memory_space<hbm>> -> memref<1x80x128xi32, #tpu.memory_space<hbm>>
      %dma_start3A_40 = tpu.memref_squeeze %dma_start3A_39 : memref<1x80x128xi32, #tpu.memory_space<hbm>> -> memref<80x128xi32, #tpu.memory_space<hbm>>
      %dma_start3A_41 = arith.constant 0 : i32
      %dma_start3A_42 = arith.constant 0 : i32
      %dma_start3A_43 = tpu.memref_slice %arg3[%add3A, %dma_start3A_41, %dma_start3A_42] : memref<32x80x128xi32, #tpu.memory_space<hbm>> -> memref<1x80x128xi32, #tpu.memory_space<hbm>>
      %dma_start3A_44 = tpu.memref_squeeze %dma_start3A_43 : memref<1x80x128xi32, #tpu.memory_space<hbm>> -> memref<80x128xi32, #tpu.memory_space<hbm>>
      tpu.enqueue_dma source(%dma_start3A_44 : memref<80x128xi32, #tpu.memory_space<hbm>>) target(%arg9 : memref<80x128xi32, #tpu.memory_space<vmem>>) target_semaphore(%run_scoped3A : memref<!tpu.dma_semaphore, #tpu.memory_space<semaphore_mem>>)
      %dma_wait3A = arith.constant 0 : i32
      %dma_wait3A_45 = arith.constant 0 : i32
      %dma_wait3A_46 = tpu.memref_slice %arg3[%add3A, %dma_wait3A, %dma_wait3A_45] : memref<32x80x128xi32, #tpu.memory_space<hbm>> -> memref<1x80x128xi32, #tpu.memory_space<hbm>>
      %dma_wait3A_47 = tpu.memref_squeeze %dma_wait3A_46 : memref<1x80x128xi32, #tpu.memory_space<hbm>> -> memref<80x128xi32, #tpu.memory_space<hbm>>
      %dma_wait3A_48 = arith.constant 0 : i32
      %dma_wait3A_49 = arith.constant 0 : i32
      %dma_wait3A_50 = tpu.memref_slice %arg3[%add3A, %dma_wait3A_48, %dma_wait3A_49] : memref<32x80x128xi32, #tpu.memory_space<hbm>> -> memref<1x80x128xi32, #tpu.memory_space<hbm>>
      %dma_wait3A_51 = tpu.memref_squeeze %dma_wait3A_50 : memref<1x80x128xi32, #tpu.memory_space<hbm>> -> memref<80x128xi32, #tpu.memory_space<hbm>>
      tpu.wait_dma2 semaphore(%run_scoped3A : memref<!tpu.dma_semaphore, #tpu.memory_space<semaphore_mem>>) src(%dma_wait3A_51 : memref<80x128xi32, #tpu.memory_space<hbm>>) dst(%arg9 : memref<80x128xi32, #tpu.memory_space<vmem>>)
      tpu.yield
    }) : () -> ()
    %barrier3A = arith.constant 0 : index
    tpu.barrier barrier_id(%barrier3A)
    %dma_start3A = tpu.memref_slice %arg4[%mul3A_4] : memref<327680xi32, #tpu.memory_space<hbm>> -> memref<128xi32, #tpu.memory_space<hbm>>
    %dma_start3A_5 = tpu.memref_slice %arg4[%mul3A_4] : memref<327680xi32, #tpu.memory_space<hbm>> -> memref<128xi32, #tpu.memory_space<hbm>>
    tpu.enqueue_dma source(%dma_start3A_5 : memref<128xi32, #tpu.memory_space<hbm>>) target(%arg10 : memref<128xi32, #tpu.memory_space<vmem>>) target_semaphore(%arg16 : memref<!tpu.dma_semaphore, #tpu.memory_space<semaphore_mem>>)
    %add3A_6 = arith.constant 128 : i32
    %add3A_7 = arith.addi %mul3A_4, %add3A_6 : i32
    %dma_start3A_8 = tpu.memref_slice %arg4[%add3A_7] : memref<327680xi32, #tpu.memory_space<hbm>> -> memref<128xi32, #tpu.memory_space<hbm>>
    %dma_start3A_9 = tpu.memref_slice %arg4[%add3A_7] : memref<327680xi32, #tpu.memory_space<hbm>> -> memref<128xi32, #tpu.memory_space<hbm>>
    tpu.enqueue_dma source(%dma_start3A_9 : memref<128xi32, #tpu.memory_space<hbm>>) target(%arg11 : memref<128xi32, #tpu.memory_space<vmem>>) target_semaphore(%arg17 : memref<!tpu.dma_semaphore, #tpu.memory_space<semaphore_mem>>)
    %dma_start3A_10 = arith.constant 0 : i32
    %dma_start3A_11 = arith.constant 0 : i32
    %dma_start3A_12 = tpu.memref_slice %arg9[%dma_start3A_10, %dma_start3A_11] : memref<80x128xi32, #tpu.memory_space<vmem>> -> memref<1x128xi32, #tpu.memory_space<vmem>>
    %dma_start3A_13 = tpu.memref_squeeze %dma_start3A_12 : memref<1x128xi32, #tpu.memory_space<vmem>> -> memref<128xi32, #tpu.memory_space<vmem>>
    %dma_start3A_14 = arith.constant 0 : i32
    %dma_start3A_15 = arith.constant 0 : i32
    %dma_start3A_16 = tpu.memref_slice %arg2[%dma_start3A_14, %dma_start3A_15] : memref<10000x128xf32, #tpu.memory_space<hbm>> -> memref<10000x128xf32, #tpu.memory_space<hbm>>
    tpu.enqueue_indirect_dma source(%dma_start3A_16 : memref<10000x128xf32, #tpu.memory_space<hbm>>) target(%arg12 : memref<128x128xf32, #tpu.memory_space<vmem>>) offsets(%dma_start3A_13 : memref<128xi32, #tpu.memory_space<vmem>>) semaphore(%arg14 : memref<!tpu.dma_semaphore, #tpu.memory_space<semaphore_mem>>)
    %dma_start3A_17 = arith.constant 1 : i32
    %dma_start3A_18 = arith.constant 0 : i32
    %dma_start3A_19 = tpu.memref_slice %arg9[%dma_start3A_17, %dma_start3A_18] : memref<80x128xi32, #tpu.memory_space<vmem>> -> memref<1x128xi32, #tpu.memory_space<vmem>>
    %dma_start3A_20 = tpu.memref_squeeze %dma_start3A_19 : memref<1x128xi32, #tpu.memory_space<vmem>> -> memref<128xi32, #tpu.memory_space<vmem>>
    %dma_start3A_21 = arith.constant 0 : i32
    %dma_start3A_22 = arith.constant 0 : i32
    %dma_start3A_23 = tpu.memref_slice %arg2[%dma_start3A_21, %dma_start3A_22] : memref<10000x128xf32, #tpu.memory_space<hbm>> -> memref<10000x128xf32, #tpu.memory_space<hbm>>
    tpu.enqueue_indirect_dma source(%dma_start3A_23 : memref<10000x128xf32, #tpu.memory_space<hbm>>) target(%arg13 : memref<128x128xf32, #tpu.memory_space<vmem>>) offsets(%dma_start3A_20 : memref<128xi32, #tpu.memory_space<vmem>>) semaphore(%arg15 : memref<!tpu.dma_semaphore, #tpu.memory_space<semaphore_mem>>)
    %scan3A = arith.constant 0 : i32
    %scan3A_24 = arith.constant 0 : i32
    %scan3A_25 = arith.constant 40 : i32
    %scan3A_26 = arith.addi %scan3A_24, %scan3A_25 : i32
    %scan3A_27 = arith.constant 1 : i32
    scf.for %scan3A_37 = %scan3A_24 to %scan3A_26 step %scan3A_27  : i32 {
      %mul3A_38 = arith.constant 2 : i32
      %mul3A_39 = arith.muli %mul3A_38, %scan3A_37 : i32
      %add3A_40 = arith.constant 1 : i32
      %add3A_41 = arith.addi %mul3A_39, %add3A_40 : i32
      %dma_wait3A = arith.constant 0 : i32
      %dma_wait3A_42 = tpu.memref_slice %arg9[%mul3A_39, %dma_wait3A] : memref<80x128xi32, #tpu.memory_space<vmem>> -> memref<1x128xi32, #tpu.memory_space<vmem>>
      %dma_wait3A_43 = tpu.memref_squeeze %dma_wait3A_42 : memref<1x128xi32, #tpu.memory_space<vmem>> -> memref<128xi32, #tpu.memory_space<vmem>>
      %dma_wait3A_44 = arith.constant 0 : i32
      %dma_wait3A_45 = arith.constant 0 : i32
      %dma_wait3A_46 = tpu.memref_slice %arg2[%dma_wait3A_44, %dma_wait3A_45] : memref<10000x128xf32, #tpu.memory_space<hbm>> -> memref<10000x128xf32, #tpu.memory_space<hbm>>
      tpu.wait_indirect_dma semaphore(%arg14 : memref<!tpu.dma_semaphore, #tpu.memory_space<semaphore_mem>>) src(%dma_wait3A_46 : memref<10000x128xf32, #tpu.memory_space<hbm>>) dst(%arg12 : memref<128x128xf32, #tpu.memory_space<vmem>>)
      %mul3A_47 = arith.constant 128 : i32
      %mul3A_48 = arith.muli %mul3A_39, %mul3A_47 : i32
      %add3A_49 = arith.addi %mul3A_4, %mul3A_48 : i32
      %dma_wait3A_50 = tpu.memref_slice %arg4[%add3A_49] : memref<327680xi32, #tpu.memory_space<hbm>> -> memref<128xi32, #tpu.memory_space<hbm>>
      %dma_wait3A_51 = tpu.memref_slice %arg4[%add3A_49] : memref<327680xi32, #tpu.memory_space<hbm>> -> memref<128xi32, #tpu.memory_space<hbm>>
      tpu.wait_dma2 semaphore(%arg16 : memref<!tpu.dma_semaphore, #tpu.memory_space<semaphore_mem>>) src(%dma_wait3A_51 : memref<128xi32, #tpu.memory_space<hbm>>) dst(%arg10 : memref<128xi32, #tpu.memory_space<vmem>>)
      "tpu.region"() ({
        %run_scoped3A = tpu.sem_alloc : memref<!tpu.dma_semaphore, #tpu.memory_space<semaphore_mem>>
        %dma_start3A_72 = arith.constant 0 : i32
        %dma_start3A_73 = arith.constant 0 : i32
        %dma_start3A_74 = tpu.memref_slice %arg8[%dma_start3A_72, %dma_start3A_73] : memref<10240x128xf32, #tpu.memory_space<vmem_shared>> -> memref<10240x128xf32, #tpu.memory_space<vmem_shared>>
        tpu.enqueue_indirect_dma source(%arg12 : memref<128x128xf32, #tpu.memory_space<vmem>>) target(%dma_start3A_74 : memref<10240x128xf32, #tpu.memory_space<vmem_shared>>) offsets(%arg10 : memref<128xi32, #tpu.memory_space<vmem>>) semaphore(%run_scoped3A : memref<!tpu.dma_semaphore, #tpu.memory_space<semaphore_mem>>) {add = true}
        %dma_wait3A_75 = arith.constant 0 : i32
        %dma_wait3A_76 = arith.constant 0 : i32
        %dma_wait3A_77 = tpu.memref_slice %arg8[%dma_wait3A_75, %dma_wait3A_76] : memref<10240x128xf32, #tpu.memory_space<vmem_shared>> -> memref<10240x128xf32, #tpu.memory_space<vmem_shared>>
        tpu.wait_indirect_dma semaphore(%run_scoped3A : memref<!tpu.dma_semaphore, #tpu.memory_space<semaphore_mem>>) src(%arg12 : memref<128x128xf32, #tpu.memory_space<vmem>>) dst(%dma_wait3A_77 : memref<10240x128xf32, #tpu.memory_space<vmem_shared>>)
        tpu.yield
      }) : () -> ()
      %lt3A = arith.constant 39 : i32
      %lt3A_52 = arith.cmpi slt, %scan3A_37, %lt3A : i32
      %convert_element_type3A_53 = arith.extui %lt3A_52 : i1 to i32
      %cond3A_54 = arith.constant 0 : i32
      %cond3A_55 = arith.cmpi ne, %convert_element_type3A_53, %cond3A_54 : i32
      scf.if %cond3A_55 {
        %add3A_72 = arith.constant 2 : i32
        %add3A_73 = arith.addi %mul3A_39, %add3A_72 : i32
        %dma_start3A_74 = arith.constant 0 : i32
        %dma_start3A_75 = tpu.memref_slice %arg9[%add3A_73, %dma_start3A_74] : memref<80x128xi32, #tpu.memory_space<vmem>> -> memref<1x128xi32, #tpu.memory_space<vmem>>
        %dma_start3A_76 = tpu.memref_squeeze %dma_start3A_75 : memref<1x128xi32, #tpu.memory_space<vmem>> -> memref<128xi32, #tpu.memory_space<vmem>>
        %dma_start3A_77 = arith.constant 0 : i32
        %dma_start3A_78 = arith.constant 0 : i32
        %dma_start3A_79 = tpu.memref_slice %arg2[%dma_start3A_77, %dma_start3A_78] : memref<10000x128xf32, #tpu.memory_space<hbm>> -> memref<10000x128xf32, #tpu.memory_space<hbm>>
        tpu.enqueue_indirect_dma source(%dma_start3A_79 : memref<10000x128xf32, #tpu.memory_space<hbm>>) target(%arg12 : memref<128x128xf32, #tpu.memory_space<vmem>>) offsets(%dma_start3A_76 : memref<128xi32, #tpu.memory_space<vmem>>) semaphore(%arg14 : memref<!tpu.dma_semaphore, #tpu.memory_space<semaphore_mem>>)
        %add3A_80 = arith.constant 2 : i32
        %add3A_81 = arith.addi %mul3A_39, %add3A_80 : i32
        %mul3A_82 = arith.constant 128 : i32
        %mul3A_83 = arith.muli %add3A_81, %mul3A_82 : i32
        %add3A_84 = arith.addi %mul3A_4, %mul3A_83 : i32
        %dma_start3A_85 = tpu.memref_slice %arg4[%add3A_84] : memref<327680xi32, #tpu.memory_space<hbm>> -> memref<128xi32, #tpu.memory_space<hbm>>
        %dma_start3A_86 = tpu.memref_slice %arg4[%add3A_84] : memref<327680xi32, #tpu.memory_space<hbm>> -> memref<128xi32, #tpu.memory_space<hbm>>
        tpu.enqueue_dma source(%dma_start3A_86 : memref<128xi32, #tpu.memory_space<hbm>>) target(%arg10 : memref<128xi32, #tpu.memory_space<vmem>>) target_semaphore(%arg16 : memref<!tpu.dma_semaphore, #tpu.memory_space<semaphore_mem>>)
      } else {
      }
      %dma_wait3A_56 = arith.constant 0 : i32
      %dma_wait3A_57 = tpu.memref_slice %arg9[%add3A_41, %dma_wait3A_56] : memref<80x128xi32, #tpu.memory_space<vmem>> -> memref<1x128xi32, #tpu.memory_space<vmem>>
      %dma_wait3A_58 = tpu.memref_squeeze %dma_wait3A_57 : memref<1x128xi32, #tpu.memory_space<vmem>> -> memref<128xi32, #tpu.memory_space<vmem>>
      %dma_wait3A_59 = arith.constant 0 : i32
      %dma_wait3A_60 = arith.constant 0 : i32
      %dma_wait3A_61 = tpu.memref_slice %arg2[%dma_wait3A_59, %dma_wait3A_60] : memref<10000x128xf32, #tpu.memory_space<hbm>> -> memref<10000x128xf32, #tpu.memory_space<hbm>>
      tpu.wait_indirect_dma semaphore(%arg15 : memref<!tpu.dma_semaphore, #tpu.memory_space<semaphore_mem>>) src(%dma_wait3A_61 : memref<10000x128xf32, #tpu.memory_space<hbm>>) dst(%arg13 : memref<128x128xf32, #tpu.memory_space<vmem>>)
      %mul3A_62 = arith.constant 128 : i32
      %mul3A_63 = arith.muli %add3A_41, %mul3A_62 : i32
      %add3A_64 = arith.addi %mul3A_4, %mul3A_63 : i32
      %dma_wait3A_65 = tpu.memref_slice %arg4[%add3A_64] : memref<327680xi32, #tpu.memory_space<hbm>> -> memref<128xi32, #tpu.memory_space<hbm>>
      %dma_wait3A_66 = tpu.memref_slice %arg4[%add3A_64] : memref<327680xi32, #tpu.memory_space<hbm>> -> memref<128xi32, #tpu.memory_space<hbm>>
      tpu.wait_dma2 semaphore(%arg17 : memref<!tpu.dma_semaphore, #tpu.memory_space<semaphore_mem>>) src(%dma_wait3A_66 : memref<128xi32, #tpu.memory_space<hbm>>) dst(%arg11 : memref<128xi32, #tpu.memory_space<vmem>>)
      "tpu.region"() ({
        %run_scoped3A = tpu.sem_alloc : memref<!tpu.dma_semaphore, #tpu.memory_space<semaphore_mem>>
        %dma_start3A_72 = arith.constant 0 : i32
        %dma_start3A_73 = arith.constant 0 : i32
        %dma_start3A_74 = tpu.memref_slice %arg8[%dma_start3A_72, %dma_start3A_73] : memref<10240x128xf32, #tpu.memory_space<vmem_shared>> -> memref<10240x128xf32, #tpu.memory_space<vmem_shared>>
        tpu.enqueue_indirect_dma source(%arg13 : memref<128x128xf32, #tpu.memory_space<vmem>>) target(%dma_start3A_74 : memref<10240x128xf32, #tpu.memory_space<vmem_shared>>) offsets(%arg11 : memref<128xi32, #tpu.memory_space<vmem>>) semaphore(%run_scoped3A : memref<!tpu.dma_semaphore, #tpu.memory_space<semaphore_mem>>) {add = true}
        %dma_wait3A_75 = arith.constant 0 : i32
        %dma_wait3A_76 = arith.constant 0 : i32
        %dma_wait3A_77 = tpu.memref_slice %arg8[%dma_wait3A_75, %dma_wait3A_76] : memref<10240x128xf32, #tpu.memory_space<vmem_shared>> -> memref<10240x128xf32, #tpu.memory_space<vmem_shared>>
        tpu.wait_indirect_dma semaphore(%run_scoped3A : memref<!tpu.dma_semaphore, #tpu.memory_space<semaphore_mem>>) src(%arg13 : memref<128x128xf32, #tpu.memory_space<vmem>>) dst(%dma_wait3A_77 : memref<10240x128xf32, #tpu.memory_space<vmem_shared>>)
        tpu.yield
      }) : () -> ()
      %lt3A_67 = arith.constant 39 : i32
      %lt3A_68 = arith.cmpi slt, %scan3A_37, %lt3A_67 : i32
      %convert_element_type3A_69 = arith.extui %lt3A_68 : i1 to i32
      %cond3A_70 = arith.constant 0 : i32
      %cond3A_71 = arith.cmpi ne, %convert_element_type3A_69, %cond3A_70 : i32
      scf.if %cond3A_71 {
        %add3A_72 = arith.constant 2 : i32
        %add3A_73 = arith.addi %add3A_41, %add3A_72 : i32
        %dma_start3A_74 = arith.constant 0 : i32
        %dma_start3A_75 = tpu.memref_slice %arg9[%add3A_73, %dma_start3A_74] : memref<80x128xi32, #tpu.memory_space<vmem>> -> memref<1x128xi32, #tpu.memory_space<vmem>>
        %dma_start3A_76 = tpu.memref_squeeze %dma_start3A_75 : memref<1x128xi32, #tpu.memory_space<vmem>> -> memref<128xi32, #tpu.memory_space<vmem>>
        %dma_start3A_77 = arith.constant 0 : i32
        %dma_start3A_78 = arith.constant 0 : i32
        %dma_start3A_79 = tpu.memref_slice %arg2[%dma_start3A_77, %dma_start3A_78] : memref<10000x128xf32, #tpu.memory_space<hbm>> -> memref<10000x128xf32, #tpu.memory_space<hbm>>
        tpu.enqueue_indirect_dma source(%dma_start3A_79 : memref<10000x128xf32, #tpu.memory_space<hbm>>) target(%arg13 : memref<128x128xf32, #tpu.memory_space<vmem>>) offsets(%dma_start3A_76 : memref<128xi32, #tpu.memory_space<vmem>>) semaphore(%arg15 : memref<!tpu.dma_semaphore, #tpu.memory_space<semaphore_mem>>)
        %add3A_80 = arith.constant 2 : i32
        %add3A_81 = arith.addi %add3A_41, %add3A_80 : i32
        %mul3A_82 = arith.constant 128 : i32
        %mul3A_83 = arith.muli %add3A_81, %mul3A_82 : i32
        %add3A_84 = arith.addi %mul3A_4, %mul3A_83 : i32
        %dma_start3A_85 = tpu.memref_slice %arg4[%add3A_84] : memref<327680xi32, #tpu.memory_space<hbm>> -> memref<128xi32, #tpu.memory_space<hbm>>
        %dma_start3A_86 = tpu.memref_slice %arg4[%add3A_84] : memref<327680xi32, #tpu.memory_space<hbm>> -> memref<128xi32, #tpu.memory_space<hbm>>
        tpu.enqueue_dma source(%dma_start3A_86 : memref<128xi32, #tpu.memory_space<hbm>>) target(%arg11 : memref<128xi32, #tpu.memory_space<vmem>>) target_semaphore(%arg17 : memref<!tpu.dma_semaphore, #tpu.memory_space<semaphore_mem>>)
      } else {
      }
    }
    %scan3A_28 = arith.constant 40 : i32
    %barrier3A_29 = arith.constant 0 : index
    tpu.barrier barrier_id(%barrier3A_29)
    %eq3A = arith.constant 0 : i32
    %eq3A_30 = arith.cmpi eq, %arg0, %eq3A : i32
    %convert_element_type3A = arith.extui %eq3A_30 : i1 to i32
    %cond3A = arith.constant 0 : i32
    %cond3A_31 = arith.cmpi ne, %convert_element_type3A, %cond3A : i32
    scf.if %cond3A_31 {
      "tpu.region"() ({
        %run_scoped3A = tpu.sem_alloc : memref<!tpu.dma_semaphore, #tpu.memory_space<semaphore_mem>>
        %dma_start3A_37 = arith.constant 0 : i32
        %dma_start3A_38 = tpu.memref_slice %arg6[%mul3A_2, %dma_start3A_37] : memref<10240x128xf32, #tpu.memory_space<hbm>> -> memref<640x128xf32, #tpu.memory_space<hbm>>
        %dma_start3A_39 = arith.constant 0 : i32
        %dma_start3A_40 = tpu.memref_slice %arg8[%mul3A_2, %dma_start3A_39] : memref<10240x128xf32, #tpu.memory_space<vmem_shared>> -> memref<640x128xf32, #tpu.memory_space<vmem_shared>>
        tpu.enqueue_dma source(%dma_start3A_40 : memref<640x128xf32, #tpu.memory_space<vmem_shared>>) target(%dma_start3A_38 : memref<640x128xf32, #tpu.memory_space<hbm>>) target_semaphore(%run_scoped3A : memref<!tpu.dma_semaphore, #tpu.memory_space<semaphore_mem>>)
        %dma_wait3A = arith.constant 0 : i32
        %dma_wait3A_41 = tpu.memref_slice %arg6[%mul3A_2, %dma_wait3A] : memref<10240x128xf32, #tpu.memory_space<hbm>> -> memref<640x128xf32, #tpu.memory_space<hbm>>
        %dma_wait3A_42 = arith.constant 0 : i32
        %dma_wait3A_43 = tpu.memref_slice %arg8[%mul3A_2, %dma_wait3A_42] : memref<10240x128xf32, #tpu.memory_space<vmem_shared>> -> memref<640x128xf32, #tpu.memory_space<vmem_shared>>
        tpu.wait_dma2 semaphore(%run_scoped3A : memref<!tpu.dma_semaphore, #tpu.memory_space<semaphore_mem>>) src(%dma_wait3A_43 : memref<640x128xf32, #tpu.memory_space<vmem_shared>>) dst(%dma_wait3A_41 : memref<640x128xf32, #tpu.memory_space<hbm>>)
        tpu.yield
      }) : () -> ()
    } else {
    }
    %eq3A_32 = arith.constant 1 : i32
    %eq3A_33 = arith.cmpi eq, %arg0, %eq3A_32 : i32
    %convert_element_type3A_34 = arith.extui %eq3A_33 : i1 to i32
    %cond3A_35 = arith.constant 0 : i32
    %cond3A_36 = arith.cmpi ne, %convert_element_type3A_34, %cond3A_35 : i32
    scf.if %cond3A_36 {
      "tpu.region"() ({
        %run_scoped3A = tpu.sem_alloc : memref<!tpu.dma_semaphore, #tpu.memory_space<semaphore_mem>>
        %dma_start3A_37 = arith.constant 0 : i32
        %dma_start3A_38 = tpu.memref_slice %arg7[%mul3A_2, %dma_start3A_37] : memref<10240x128xf32, #tpu.memory_space<hbm>> -> memref<640x128xf32, #tpu.memory_space<hbm>>
        %dma_start3A_39 = arith.constant 0 : i32
        %dma_start3A_40 = tpu.memref_slice %arg8[%mul3A_2, %dma_start3A_39] : memref<10240x128xf32, #tpu.memory_space<vmem_shared>> -> memref<640x128xf32, #tpu.memory_space<vmem_shared>>
        tpu.enqueue_dma source(%dma_start3A_40 : memref<640x128xf32, #tpu.memory_space<vmem_shared>>) target(%dma_start3A_38 : memref<640x128xf32, #tpu.memory_space<hbm>>) target_semaphore(%run_scoped3A : memref<!tpu.dma_semaphore, #tpu.memory_space<semaphore_mem>>)
        %dma_wait3A = arith.constant 0 : i32
        %dma_wait3A_41 = tpu.memref_slice %arg7[%mul3A_2, %dma_wait3A] : memref<10240x128xf32, #tpu.memory_space<hbm>> -> memref<640x128xf32, #tpu.memory_space<hbm>>
        %dma_wait3A_42 = arith.constant 0 : i32
        %dma_wait3A_43 = tpu.memref_slice %arg8[%mul3A_2, %dma_wait3A_42] : memref<10240x128xf32, #tpu.memory_space<vmem_shared>> -> memref<640x128xf32, #tpu.memory_space<vmem_shared>>
        tpu.wait_dma2 semaphore(%run_scoped3A : memref<!tpu.dma_semaphore, #tpu.memory_space<semaphore_mem>>) src(%dma_wait3A_43 : memref<640x128xf32, #tpu.memory_space<vmem_shared>>) dst(%dma_wait3A_41 : memref<640x128xf32, #tpu.memory_space<hbm>>)
        tpu.yield
      }) : () -> ()
    } else {
    }
    return
  }
}

#map = affine_map<(d0, d1) -> (0, 0)>
#map1 = affine_map<(d0, d1) -> (0, 0, 0)>
#map2 = affine_map<(d0, d1) -> (0)>
module attributes {stable_mosaic.version = 14 : i64} {
  func.func @_edge_body(%arg0: i32, %arg1: i32, %arg2: memref<10000x128xf32, #tpu.memory_space<hbm>>, %arg3: memref<32x80x128xi32, #tpu.memory_space<hbm>>, %arg4: memref<327680xi32, #tpu.memory_space<hbm>>, %arg5: memref<640x128xf32, #tpu.memory_space<hbm>>, %arg6: memref<10240x128xf32, #tpu.memory_space<hbm>>, %arg7: memref<10240x128xf32, #tpu.memory_space<hbm>>, %arg8: memref<10240x128xf32, #tpu.memory_space<vmem_shared>>, %arg9: memref<80x128xi32, #tpu.memory_space<vmem>>, %arg10: memref<128xi32, #tpu.memory_space<vmem>>, %arg11: memref<128xi32, #tpu.memory_space<vmem>>, %arg12: memref<128x128xf32, #tpu.memory_space<vmem>>, %arg13: memref<128x128xf32, #tpu.memory_space<vmem>>, %arg14: memref<!tpu.dma_semaphore, #tpu.memory_space<semaphore_mem>>, %arg15: memref<!tpu.dma_semaphore, #tpu.memory_space<semaphore_mem>>, %arg16: memref<!tpu.dma_semaphore, #tpu.memory_space<semaphore_mem>>, %arg17: memref<!tpu.dma_semaphore, #tpu.memory_space<semaphore_mem>>) attributes {dimension_semantics = [#tpu.dimension_semantics<core_parallel>, #tpu.dimension_semantics<subcore_parallel>], iteration_bounds = array<i64: 2, 16>, scalar_prefetch = 0 : i64, scratch_operands = 10 : i64, tpu.core_type = #tpu.core_type<sc_vector_subcore>, window_params = [{transform_indices = #map}, {transform_indices = #map1}, {transform_indices = #map2}, {transform_indices = #map}, {transform_indices = #map}, {transform_indices = #map}]} {
    %mul3A = arith.constant 16 : i32
    %mul3A_0 = arith.muli %arg0, %mul3A : i32
    %add3A = arith.addi %mul3A_0, %arg1 : i32
    %mul3A_1 = arith.constant 640 : i32
    %mul3A_2 = arith.muli %arg1, %mul3A_1 : i32
    %mul3A_3 = arith.constant 10240 : i32
    %mul3A_4 = arith.muli %add3A, %mul3A_3 : i32
    "tpu.region"() ({
      %run_scoped3A = tpu.sem_alloc : memref<!tpu.dma_semaphore, #tpu.memory_space<semaphore_mem>>
      %dma_start3A_37 = arith.constant 0 : i32
      %dma_start3A_38 = tpu.memref_slice %arg8[%mul3A_2, %dma_start3A_37] : memref<10240x128xf32, #tpu.memory_space<vmem_shared>> -> memref<640x128xf32, #tpu.memory_space<vmem_shared>>
      tpu.enqueue_dma source(%arg5 : memref<640x128xf32, #tpu.memory_space<hbm>>) target(%dma_start3A_38 : memref<640x128xf32, #tpu.memory_space<vmem_shared>>) target_semaphore(%run_scoped3A : memref<!tpu.dma_semaphore, #tpu.memory_space<semaphore_mem>>)
      %dma_wait3A = arith.constant 0 : i32
      %dma_wait3A_39 = tpu.memref_slice %arg8[%mul3A_2, %dma_wait3A] : memref<10240x128xf32, #tpu.memory_space<vmem_shared>> -> memref<640x128xf32, #tpu.memory_space<vmem_shared>>
      tpu.wait_dma2 semaphore(%run_scoped3A : memref<!tpu.dma_semaphore, #tpu.memory_space<semaphore_mem>>) src(%arg5 : memref<640x128xf32, #tpu.memory_space<hbm>>) dst(%dma_wait3A_39 : memref<640x128xf32, #tpu.memory_space<vmem_shared>>)
      tpu.yield
    }) : () -> ()
    "tpu.region"() ({
      %run_scoped3A = tpu.sem_alloc : memref<!tpu.dma_semaphore, #tpu.memory_space<semaphore_mem>>
      %dma_start3A_37 = arith.constant 0 : i32
      %dma_start3A_38 = arith.constant 0 : i32
      %dma_start3A_39 = tpu.memref_slice %arg3[%add3A, %dma_start3A_37, %dma_start3A_38] : memref<32x80x128xi32, #tpu.memory_space<hbm>> -> memref<1x80x128xi32, #tpu.memory_space<hbm>>
      %dma_start3A_40 = tpu.memref_squeeze %dma_start3A_39 : memref<1x80x128xi32, #tpu.memory_space<hbm>> -> memref<80x128xi32, #tpu.memory_space<hbm>>
      %dma_start3A_41 = arith.constant 0 : i32
      %dma_start3A_42 = arith.constant 0 : i32
      %dma_start3A_43 = tpu.memref_slice %arg3[%add3A, %dma_start3A_41, %dma_start3A_42] : memref<32x80x128xi32, #tpu.memory_space<hbm>> -> memref<1x80x128xi32, #tpu.memory_space<hbm>>
      %dma_start3A_44 = tpu.memref_squeeze %dma_start3A_43 : memref<1x80x128xi32, #tpu.memory_space<hbm>> -> memref<80x128xi32, #tpu.memory_space<hbm>>
      tpu.enqueue_dma source(%dma_start3A_44 : memref<80x128xi32, #tpu.memory_space<hbm>>) target(%arg9 : memref<80x128xi32, #tpu.memory_space<vmem>>) target_semaphore(%run_scoped3A : memref<!tpu.dma_semaphore, #tpu.memory_space<semaphore_mem>>)
      %dma_wait3A = arith.constant 0 : i32
      %dma_wait3A_45 = arith.constant 0 : i32
      %dma_wait3A_46 = tpu.memref_slice %arg3[%add3A, %dma_wait3A, %dma_wait3A_45] : memref<32x80x128xi32, #tpu.memory_space<hbm>> -> memref<1x80x128xi32, #tpu.memory_space<hbm>>
      %dma_wait3A_47 = tpu.memref_squeeze %dma_wait3A_46 : memref<1x80x128xi32, #tpu.memory_space<hbm>> -> memref<80x128xi32, #tpu.memory_space<hbm>>
      %dma_wait3A_48 = arith.constant 0 : i32
      %dma_wait3A_49 = arith.constant 0 : i32
      %dma_wait3A_50 = tpu.memref_slice %arg3[%add3A, %dma_wait3A_48, %dma_wait3A_49] : memref<32x80x128xi32, #tpu.memory_space<hbm>> -> memref<1x80x128xi32, #tpu.memory_space<hbm>>
      %dma_wait3A_51 = tpu.memref_squeeze %dma_wait3A_50 : memref<1x80x128xi32, #tpu.memory_space<hbm>> -> memref<80x128xi32, #tpu.memory_space<hbm>>
      tpu.wait_dma2 semaphore(%run_scoped3A : memref<!tpu.dma_semaphore, #tpu.memory_space<semaphore_mem>>) src(%dma_wait3A_51 : memref<80x128xi32, #tpu.memory_space<hbm>>) dst(%arg9 : memref<80x128xi32, #tpu.memory_space<vmem>>)
      tpu.yield
    }) : () -> ()
    %barrier3A = arith.constant 0 : index
    tpu.barrier barrier_id(%barrier3A)
    %dma_start3A = tpu.memref_slice %arg4[%mul3A_4] : memref<327680xi32, #tpu.memory_space<hbm>> -> memref<128xi32, #tpu.memory_space<hbm>>
    %dma_start3A_5 = tpu.memref_slice %arg4[%mul3A_4] : memref<327680xi32, #tpu.memory_space<hbm>> -> memref<128xi32, #tpu.memory_space<hbm>>
    tpu.enqueue_dma source(%dma_start3A_5 : memref<128xi32, #tpu.memory_space<hbm>>) target(%arg10 : memref<128xi32, #tpu.memory_space<vmem>>) target_semaphore(%arg16 : memref<!tpu.dma_semaphore, #tpu.memory_space<semaphore_mem>>)
    %add3A_6 = arith.constant 128 : i32
    %add3A_7 = arith.addi %mul3A_4, %add3A_6 : i32
    %dma_start3A_8 = tpu.memref_slice %arg4[%add3A_7] : memref<327680xi32, #tpu.memory_space<hbm>> -> memref<128xi32, #tpu.memory_space<hbm>>
    %dma_start3A_9 = tpu.memref_slice %arg4[%add3A_7] : memref<327680xi32, #tpu.memory_space<hbm>> -> memref<128xi32, #tpu.memory_space<hbm>>
    tpu.enqueue_dma source(%dma_start3A_9 : memref<128xi32, #tpu.memory_space<hbm>>) target(%arg11 : memref<128xi32, #tpu.memory_space<vmem>>) target_semaphore(%arg17 : memref<!tpu.dma_semaphore, #tpu.memory_space<semaphore_mem>>)
    %dma_start3A_10 = arith.constant 0 : i32
    %dma_start3A_11 = arith.constant 0 : i32
    %dma_start3A_12 = tpu.memref_slice %arg9[%dma_start3A_10, %dma_start3A_11] : memref<80x128xi32, #tpu.memory_space<vmem>> -> memref<1x128xi32, #tpu.memory_space<vmem>>
    %dma_start3A_13 = tpu.memref_squeeze %dma_start3A_12 : memref<1x128xi32, #tpu.memory_space<vmem>> -> memref<128xi32, #tpu.memory_space<vmem>>
    %dma_start3A_14 = arith.constant 0 : i32
    %dma_start3A_15 = arith.constant 0 : i32
    %dma_start3A_16 = tpu.memref_slice %arg2[%dma_start3A_14, %dma_start3A_15] : memref<10000x128xf32, #tpu.memory_space<hbm>> -> memref<10000x128xf32, #tpu.memory_space<hbm>>
    tpu.enqueue_indirect_dma source(%dma_start3A_16 : memref<10000x128xf32, #tpu.memory_space<hbm>>) target(%arg12 : memref<128x128xf32, #tpu.memory_space<vmem>>) offsets(%dma_start3A_13 : memref<128xi32, #tpu.memory_space<vmem>>) semaphore(%arg14 : memref<!tpu.dma_semaphore, #tpu.memory_space<semaphore_mem>>)
    %dma_start3A_17 = arith.constant 1 : i32
    %dma_start3A_18 = arith.constant 0 : i32
    %dma_start3A_19 = tpu.memref_slice %arg9[%dma_start3A_17, %dma_start3A_18] : memref<80x128xi32, #tpu.memory_space<vmem>> -> memref<1x128xi32, #tpu.memory_space<vmem>>
    %dma_start3A_20 = tpu.memref_squeeze %dma_start3A_19 : memref<1x128xi32, #tpu.memory_space<vmem>> -> memref<128xi32, #tpu.memory_space<vmem>>
    %dma_start3A_21 = arith.constant 0 : i32
    %dma_start3A_22 = arith.constant 0 : i32
    %dma_start3A_23 = tpu.memref_slice %arg2[%dma_start3A_21, %dma_start3A_22] : memref<10000x128xf32, #tpu.memory_space<hbm>> -> memref<10000x128xf32, #tpu.memory_space<hbm>>
    tpu.enqueue_indirect_dma source(%dma_start3A_23 : memref<10000x128xf32, #tpu.memory_space<hbm>>) target(%arg13 : memref<128x128xf32, #tpu.memory_space<vmem>>) offsets(%dma_start3A_20 : memref<128xi32, #tpu.memory_space<vmem>>) semaphore(%arg15 : memref<!tpu.dma_semaphore, #tpu.memory_space<semaphore_mem>>)
    %scan3A = arith.constant 0 : i32
    %scan3A_24 = arith.constant 0 : i32
    %scan3A_25 = arith.constant 40 : i32
    %scan3A_26 = arith.addi %scan3A_24, %scan3A_25 : i32
    %scan3A_27 = arith.constant 1 : i32
    scf.for %scan3A_37 = %scan3A_24 to %scan3A_26 step %scan3A_27  : i32 {
      %mul3A_38 = arith.constant 2 : i32
      %mul3A_39 = arith.muli %mul3A_38, %scan3A_37 : i32
      %add3A_40 = arith.constant 1 : i32
      %add3A_41 = arith.addi %mul3A_39, %add3A_40 : i32
      %dma_wait3A = arith.constant 0 : i32
      %dma_wait3A_42 = tpu.memref_slice %arg9[%mul3A_39, %dma_wait3A] : memref<80x128xi32, #tpu.memory_space<vmem>> -> memref<1x128xi32, #tpu.memory_space<vmem>>
      %dma_wait3A_43 = tpu.memref_squeeze %dma_wait3A_42 : memref<1x128xi32, #tpu.memory_space<vmem>> -> memref<128xi32, #tpu.memory_space<vmem>>
      %dma_wait3A_44 = arith.constant 0 : i32
      %dma_wait3A_45 = arith.constant 0 : i32
      %dma_wait3A_46 = tpu.memref_slice %arg2[%dma_wait3A_44, %dma_wait3A_45] : memref<10000x128xf32, #tpu.memory_space<hbm>> -> memref<10000x128xf32, #tpu.memory_space<hbm>>
      tpu.wait_indirect_dma semaphore(%arg14 : memref<!tpu.dma_semaphore, #tpu.memory_space<semaphore_mem>>) src(%dma_wait3A_46 : memref<10000x128xf32, #tpu.memory_space<hbm>>) dst(%arg12 : memref<128x128xf32, #tpu.memory_space<vmem>>)
      %mul3A_47 = arith.constant 128 : i32
      %mul3A_48 = arith.muli %mul3A_39, %mul3A_47 : i32
      %add3A_49 = arith.addi %mul3A_4, %mul3A_48 : i32
      %dma_wait3A_50 = tpu.memref_slice %arg4[%add3A_49] : memref<327680xi32, #tpu.memory_space<hbm>> -> memref<128xi32, #tpu.memory_space<hbm>>
      %dma_wait3A_51 = tpu.memref_slice %arg4[%add3A_49] : memref<327680xi32, #tpu.memory_space<hbm>> -> memref<128xi32, #tpu.memory_space<hbm>>
      tpu.wait_dma2 semaphore(%arg16 : memref<!tpu.dma_semaphore, #tpu.memory_space<semaphore_mem>>) src(%dma_wait3A_51 : memref<128xi32, #tpu.memory_space<hbm>>) dst(%arg10 : memref<128xi32, #tpu.memory_space<vmem>>)
      "tpu.region"() ({
        %run_scoped3A = tpu.sem_alloc : memref<!tpu.dma_semaphore, #tpu.memory_space<semaphore_mem>>
        %dma_start3A_72 = arith.constant 0 : i32
        %dma_start3A_73 = arith.constant 0 : i32
        %dma_start3A_74 = tpu.memref_slice %arg8[%dma_start3A_72, %dma_start3A_73] : memref<10240x128xf32, #tpu.memory_space<vmem_shared>> -> memref<10240x128xf32, #tpu.memory_space<vmem_shared>>
        tpu.enqueue_indirect_dma source(%arg12 : memref<128x128xf32, #tpu.memory_space<vmem>>) target(%dma_start3A_74 : memref<10240x128xf32, #tpu.memory_space<vmem_shared>>) offsets(%arg10 : memref<128xi32, #tpu.memory_space<vmem>>) semaphore(%run_scoped3A : memref<!tpu.dma_semaphore, #tpu.memory_space<semaphore_mem>>) {add = true}
        %dma_wait3A_75 = arith.constant 0 : i32
        %dma_wait3A_76 = arith.constant 0 : i32
        %dma_wait3A_77 = tpu.memref_slice %arg8[%dma_wait3A_75, %dma_wait3A_76] : memref<10240x128xf32, #tpu.memory_space<vmem_shared>> -> memref<10240x128xf32, #tpu.memory_space<vmem_shared>>
        tpu.wait_indirect_dma semaphore(%run_scoped3A : memref<!tpu.dma_semaphore, #tpu.memory_space<semaphore_mem>>) src(%arg12 : memref<128x128xf32, #tpu.memory_space<vmem>>) dst(%dma_wait3A_77 : memref<10240x128xf32, #tpu.memory_space<vmem_shared>>)
        tpu.yield
      }) : () -> ()
      %lt3A = arith.constant 39 : i32
      %lt3A_52 = arith.cmpi slt, %scan3A_37, %lt3A : i32
      %convert_element_type3A_53 = arith.extui %lt3A_52 : i1 to i32
      %cond3A_54 = arith.constant 0 : i32
      %cond3A_55 = arith.cmpi ne, %convert_element_type3A_53, %cond3A_54 : i32
      scf.if %cond3A_55 {
        %add3A_72 = arith.constant 2 : i32
        %add3A_73 = arith.addi %mul3A_39, %add3A_72 : i32
        %dma_start3A_74 = arith.constant 0 : i32
        %dma_start3A_75 = tpu.memref_slice %arg9[%add3A_73, %dma_start3A_74] : memref<80x128xi32, #tpu.memory_space<vmem>> -> memref<1x128xi32, #tpu.memory_space<vmem>>
        %dma_start3A_76 = tpu.memref_squeeze %dma_start3A_75 : memref<1x128xi32, #tpu.memory_space<vmem>> -> memref<128xi32, #tpu.memory_space<vmem>>
        %dma_start3A_77 = arith.constant 0 : i32
        %dma_start3A_78 = arith.constant 0 : i32
        %dma_start3A_79 = tpu.memref_slice %arg2[%dma_start3A_77, %dma_start3A_78] : memref<10000x128xf32, #tpu.memory_space<hbm>> -> memref<10000x128xf32, #tpu.memory_space<hbm>>
        tpu.enqueue_indirect_dma source(%dma_start3A_79 : memref<10000x128xf32, #tpu.memory_space<hbm>>) target(%arg12 : memref<128x128xf32, #tpu.memory_space<vmem>>) offsets(%dma_start3A_76 : memref<128xi32, #tpu.memory_space<vmem>>) semaphore(%arg14 : memref<!tpu.dma_semaphore, #tpu.memory_space<semaphore_mem>>)
        %add3A_80 = arith.constant 2 : i32
        %add3A_81 = arith.addi %mul3A_39, %add3A_80 : i32
        %mul3A_82 = arith.constant 128 : i32
        %mul3A_83 = arith.muli %add3A_81, %mul3A_82 : i32
        %add3A_84 = arith.addi %mul3A_4, %mul3A_83 : i32
        %dma_start3A_85 = tpu.memref_slice %arg4[%add3A_84] : memref<327680xi32, #tpu.memory_space<hbm>> -> memref<128xi32, #tpu.memory_space<hbm>>
        %dma_start3A_86 = tpu.memref_slice %arg4[%add3A_84] : memref<327680xi32, #tpu.memory_space<hbm>> -> memref<128xi32, #tpu.memory_space<hbm>>
        tpu.enqueue_dma source(%dma_start3A_86 : memref<128xi32, #tpu.memory_space<hbm>>) target(%arg10 : memref<128xi32, #tpu.memory_space<vmem>>) target_semaphore(%arg16 : memref<!tpu.dma_semaphore, #tpu.memory_space<semaphore_mem>>)
      } else {
      }
      %dma_wait3A_56 = arith.constant 0 : i32
      %dma_wait3A_57 = tpu.memref_slice %arg9[%add3A_41, %dma_wait3A_56] : memref<80x128xi32, #tpu.memory_space<vmem>> -> memref<1x128xi32, #tpu.memory_space<vmem>>
      %dma_wait3A_58 = tpu.memref_squeeze %dma_wait3A_57 : memref<1x128xi32, #tpu.memory_space<vmem>> -> memref<128xi32, #tpu.memory_space<vmem>>
      %dma_wait3A_59 = arith.constant 0 : i32
      %dma_wait3A_60 = arith.constant 0 : i32
      %dma_wait3A_61 = tpu.memref_slice %arg2[%dma_wait3A_59, %dma_wait3A_60] : memref<10000x128xf32, #tpu.memory_space<hbm>> -> memref<10000x128xf32, #tpu.memory_space<hbm>>
      tpu.wait_indirect_dma semaphore(%arg15 : memref<!tpu.dma_semaphore, #tpu.memory_space<semaphore_mem>>) src(%dma_wait3A_61 : memref<10000x128xf32, #tpu.memory_space<hbm>>) dst(%arg13 : memref<128x128xf32, #tpu.memory_space<vmem>>)
      %mul3A_62 = arith.constant 128 : i32
      %mul3A_63 = arith.muli %add3A_41, %mul3A_62 : i32
      %add3A_64 = arith.addi %mul3A_4, %mul3A_63 : i32
      %dma_wait3A_65 = tpu.memref_slice %arg4[%add3A_64] : memref<327680xi32, #tpu.memory_space<hbm>> -> memref<128xi32, #tpu.memory_space<hbm>>
      %dma_wait3A_66 = tpu.memref_slice %arg4[%add3A_64] : memref<327680xi32, #tpu.memory_space<hbm>> -> memref<128xi32, #tpu.memory_space<hbm>>
      tpu.wait_dma2 semaphore(%arg17 : memref<!tpu.dma_semaphore, #tpu.memory_space<semaphore_mem>>) src(%dma_wait3A_66 : memref<128xi32, #tpu.memory_space<hbm>>) dst(%arg11 : memref<128xi32, #tpu.memory_space<vmem>>)
      "tpu.region"() ({
        %run_scoped3A = tpu.sem_alloc : memref<!tpu.dma_semaphore, #tpu.memory_space<semaphore_mem>>
        %dma_start3A_72 = arith.constant 0 : i32
        %dma_start3A_73 = arith.constant 0 : i32
        %dma_start3A_74 = tpu.memref_slice %arg8[%dma_start3A_72, %dma_start3A_73] : memref<10240x128xf32, #tpu.memory_space<vmem_shared>> -> memref<10240x128xf32, #tpu.memory_space<vmem_shared>>
        tpu.enqueue_indirect_dma source(%arg13 : memref<128x128xf32, #tpu.memory_space<vmem>>) target(%dma_start3A_74 : memref<10240x128xf32, #tpu.memory_space<vmem_shared>>) offsets(%arg11 : memref<128xi32, #tpu.memory_space<vmem>>) semaphore(%run_scoped3A : memref<!tpu.dma_semaphore, #tpu.memory_space<semaphore_mem>>) {add = true}
        %dma_wait3A_75 = arith.constant 0 : i32
        %dma_wait3A_76 = arith.constant 0 : i32
        %dma_wait3A_77 = tpu.memref_slice %arg8[%dma_wait3A_75, %dma_wait3A_76] : memref<10240x128xf32, #tpu.memory_space<vmem_shared>> -> memref<10240x128xf32, #tpu.memory_space<vmem_shared>>
        tpu.wait_indirect_dma semaphore(%run_scoped3A : memref<!tpu.dma_semaphore, #tpu.memory_space<semaphore_mem>>) src(%arg13 : memref<128x128xf32, #tpu.memory_space<vmem>>) dst(%dma_wait3A_77 : memref<10240x128xf32, #tpu.memory_space<vmem_shared>>)
        tpu.yield
      }) : () -> ()
      %lt3A_67 = arith.constant 39 : i32
      %lt3A_68 = arith.cmpi slt, %scan3A_37, %lt3A_67 : i32
      %convert_element_type3A_69 = arith.extui %lt3A_68 : i1 to i32
      %cond3A_70 = arith.constant 0 : i32
      %cond3A_71 = arith.cmpi ne, %convert_element_type3A_69, %cond3A_70 : i32
      scf.if %cond3A_71 {
        %add3A_72 = arith.constant 2 : i32
        %add3A_73 = arith.addi %add3A_41, %add3A_72 : i32
        %dma_start3A_74 = arith.constant 0 : i32
        %dma_start3A_75 = tpu.memref_slice %arg9[%add3A_73, %dma_start3A_74] : memref<80x128xi32, #tpu.memory_space<vmem>> -> memref<1x128xi32, #tpu.memory_space<vmem>>
        %dma_start3A_76 = tpu.memref_squeeze %dma_start3A_75 : memref<1x128xi32, #tpu.memory_space<vmem>> -> memref<128xi32, #tpu.memory_space<vmem>>
        %dma_start3A_77 = arith.constant 0 : i32
        %dma_start3A_78 = arith.constant 0 : i32
        %dma_start3A_79 = tpu.memref_slice %arg2[%dma_start3A_77, %dma_start3A_78] : memref<10000x128xf32, #tpu.memory_space<hbm>> -> memref<10000x128xf32, #tpu.memory_space<hbm>>
        tpu.enqueue_indirect_dma source(%dma_start3A_79 : memref<10000x128xf32, #tpu.memory_space<hbm>>) target(%arg13 : memref<128x128xf32, #tpu.memory_space<vmem>>) offsets(%dma_start3A_76 : memref<128xi32, #tpu.memory_space<vmem>>) semaphore(%arg15 : memref<!tpu.dma_semaphore, #tpu.memory_space<semaphore_mem>>)
        %add3A_80 = arith.constant 2 : i32
        %add3A_81 = arith.addi %add3A_41, %add3A_80 : i32
        %mul3A_82 = arith.constant 128 : i32
        %mul3A_83 = arith.muli %add3A_81, %mul3A_82 : i32
        %add3A_84 = arith.addi %mul3A_4, %mul3A_83 : i32
        %dma_start3A_85 = tpu.memref_slice %arg4[%add3A_84] : memref<327680xi32, #tpu.memory_space<hbm>> -> memref<128xi32, #tpu.memory_space<hbm>>
        %dma_start3A_86 = tpu.memref_slice %arg4[%add3A_84] : memref<327680xi32, #tpu.memory_space<hbm>> -> memref<128xi32, #tpu.memory_space<hbm>>
        tpu.enqueue_dma source(%dma_start3A_86 : memref<128xi32, #tpu.memory_space<hbm>>) target(%arg11 : memref<128xi32, #tpu.memory_space<vmem>>) target_semaphore(%arg17 : memref<!tpu.dma_semaphore, #tpu.memory_space<semaphore_mem>>)
      } else {
      }
    }
    %scan3A_28 = arith.constant 40 : i32
    %barrier3A_29 = arith.constant 0 : index
    tpu.barrier barrier_id(%barrier3A_29)
    %eq3A = arith.constant 0 : i32
    %eq3A_30 = arith.cmpi eq, %arg0, %eq3A : i32
    %convert_element_type3A = arith.extui %eq3A_30 : i1 to i32
    %cond3A = arith.constant 0 : i32
    %cond3A_31 = arith.cmpi ne, %convert_element_type3A, %cond3A : i32
    scf.if %cond3A_31 {
      "tpu.region"() ({
        %run_scoped3A = tpu.sem_alloc : memref<!tpu.dma_semaphore, #tpu.memory_space<semaphore_mem>>
        %dma_start3A_37 = arith.constant 0 : i32
        %dma_start3A_38 = tpu.memref_slice %arg6[%mul3A_2, %dma_start3A_37] : memref<10240x128xf32, #tpu.memory_space<hbm>> -> memref<640x128xf32, #tpu.memory_space<hbm>>
        %dma_start3A_39 = arith.constant 0 : i32
        %dma_start3A_40 = tpu.memref_slice %arg8[%mul3A_2, %dma_start3A_39] : memref<10240x128xf32, #tpu.memory_space<vmem_shared>> -> memref<640x128xf32, #tpu.memory_space<vmem_shared>>
        tpu.enqueue_dma source(%dma_start3A_40 : memref<640x128xf32, #tpu.memory_space<vmem_shared>>) target(%dma_start3A_38 : memref<640x128xf32, #tpu.memory_space<hbm>>) target_semaphore(%run_scoped3A : memref<!tpu.dma_semaphore, #tpu.memory_space<semaphore_mem>>)
        %dma_wait3A = arith.constant 0 : i32
        %dma_wait3A_41 = tpu.memref_slice %arg6[%mul3A_2, %dma_wait3A] : memref<10240x128xf32, #tpu.memory_space<hbm>> -> memref<640x128xf32, #tpu.memory_space<hbm>>
        %dma_wait3A_42 = arith.constant 0 : i32
        %dma_wait3A_43 = tpu.memref_slice %arg8[%mul3A_2, %dma_wait3A_42] : memref<10240x128xf32, #tpu.memory_space<vmem_shared>> -> memref<640x128xf32, #tpu.memory_space<vmem_shared>>
        tpu.wait_dma2 semaphore(%run_scoped3A : memref<!tpu.dma_semaphore, #tpu.memory_space<semaphore_mem>>) src(%dma_wait3A_43 : memref<640x128xf32, #tpu.memory_space<vmem_shared>>) dst(%dma_wait3A_41 : memref<640x128xf32, #tpu.memory_space<hbm>>)
        tpu.yield
      }) : () -> ()
    } else {
    }
    %eq3A_32 = arith.constant 1 : i32
    %eq3A_33 = arith.cmpi eq, %arg0, %eq3A_32 : i32
    %convert_element_type3A_34 = arith.extui %eq3A_33 : i1 to i32
    %cond3A_35 = arith.constant 0 : i32
    %cond3A_36 = arith.cmpi ne, %convert_element_type3A_34, %cond3A_35 : i32
    scf.if %cond3A_36 {
      "tpu.region"() ({
        %run_scoped3A = tpu.sem_alloc : memref<!tpu.dma_semaphore, #tpu.memory_space<semaphore_mem>>
        %dma_start3A_37 = arith.constant 0 : i32
        %dma_start3A_38 = tpu.memref_slice %arg7[%mul3A_2, %dma_start3A_37] : memref<10240x128xf32, #tpu.memory_space<hbm>> -> memref<640x128xf32, #tpu.memory_space<hbm>>
        %dma_start3A_39 = arith.constant 0 : i32
        %dma_start3A_40 = tpu.memref_slice %arg8[%mul3A_2, %dma_start3A_39] : memref<10240x128xf32, #tpu.memory_space<vmem_shared>> -> memref<640x128xf32, #tpu.memory_space<vmem_shared>>
        tpu.enqueue_dma source(%dma_start3A_40 : memref<640x128xf32, #tpu.memory_space<vmem_shared>>) target(%dma_start3A_38 : memref<640x128xf32, #tpu.memory_space<hbm>>) target_semaphore(%run_scoped3A : memref<!tpu.dma_semaphore, #tpu.memory_space<semaphore_mem>>)
        %dma_wait3A = arith.constant 0 : i32
        %dma_wait3A_41 = tpu.memref_slice %arg7[%mul3A_2, %dma_wait3A] : memref<10240x128xf32, #tpu.memory_space<hbm>> -> memref<640x128xf32, #tpu.memory_space<hbm>>
        %dma_wait3A_42 = arith.constant 0 : i32
        %dma_wait3A_43 = tpu.memref_slice %arg8[%mul3A_2, %dma_wait3A_42] : memref<10240x128xf32, #tpu.memory_space<vmem_shared>> -> memref<640x128xf32, #tpu.memory_space<vmem_shared>>
        tpu.wait_dma2 semaphore(%run_scoped3A : memref<!tpu.dma_semaphore, #tpu.memory_space<semaphore_mem>>) src(%dma_wait3A_43 : memref<640x128xf32, #tpu.memory_space<vmem_shared>>) dst(%dma_wait3A_41 : memref<640x128xf32, #tpu.memory_space<hbm>>)
        tpu.yield
      }) : () -> ()
    } else {
    }
    return
  }
}

#map = affine_map<(d0, d1) -> (0, 0)>
#map1 = affine_map<(d0, d1) -> (0, 0, 0)>
#map2 = affine_map<(d0, d1) -> (0)>
module attributes {stable_mosaic.version = 14 : i64} {
  func.func @_edge_body(%arg0: i32, %arg1: i32, %arg2: memref<10000x128xf32, #tpu.memory_space<hbm>>, %arg3: memref<32x80x128xi32, #tpu.memory_space<hbm>>, %arg4: memref<327680xi32, #tpu.memory_space<hbm>>, %arg5: memref<640x128xf32, #tpu.memory_space<hbm>>, %arg6: memref<10240x128xf32, #tpu.memory_space<hbm>>, %arg7: memref<10240x128xf32, #tpu.memory_space<hbm>>, %arg8: memref<10240x128xf32, #tpu.memory_space<vmem_shared>>, %arg9: memref<80x128xi32, #tpu.memory_space<vmem>>, %arg10: memref<128xi32, #tpu.memory_space<vmem>>, %arg11: memref<128xi32, #tpu.memory_space<vmem>>, %arg12: memref<128x128xf32, #tpu.memory_space<vmem>>, %arg13: memref<128x128xf32, #tpu.memory_space<vmem>>, %arg14: memref<!tpu.dma_semaphore, #tpu.memory_space<semaphore_mem>>, %arg15: memref<!tpu.dma_semaphore, #tpu.memory_space<semaphore_mem>>, %arg16: memref<!tpu.dma_semaphore, #tpu.memory_space<semaphore_mem>>, %arg17: memref<!tpu.dma_semaphore, #tpu.memory_space<semaphore_mem>>) attributes {dimension_semantics = [#tpu.dimension_semantics<core_parallel>, #tpu.dimension_semantics<subcore_parallel>], iteration_bounds = array<i64: 2, 16>, scalar_prefetch = 0 : i64, scratch_operands = 10 : i64, tpu.core_type = #tpu.core_type<sc_vector_subcore>, window_params = [{transform_indices = #map}, {transform_indices = #map1}, {transform_indices = #map2}, {transform_indices = #map}, {transform_indices = #map}, {transform_indices = #map}]} {
    %mul3A = arith.constant 16 : i32
    %mul3A_0 = arith.muli %arg0, %mul3A : i32
    %add3A = arith.addi %mul3A_0, %arg1 : i32
    %mul3A_1 = arith.constant 640 : i32
    %mul3A_2 = arith.muli %arg1, %mul3A_1 : i32
    %mul3A_3 = arith.constant 10240 : i32
    %mul3A_4 = arith.muli %add3A, %mul3A_3 : i32
    "tpu.region"() ({
      %run_scoped3A = tpu.sem_alloc : memref<!tpu.dma_semaphore, #tpu.memory_space<semaphore_mem>>
      %dma_start3A_37 = arith.constant 0 : i32
      %dma_start3A_38 = tpu.memref_slice %arg8[%mul3A_2, %dma_start3A_37] : memref<10240x128xf32, #tpu.memory_space<vmem_shared>> -> memref<640x128xf32, #tpu.memory_space<vmem_shared>>
      tpu.enqueue_dma source(%arg5 : memref<640x128xf32, #tpu.memory_space<hbm>>) target(%dma_start3A_38 : memref<640x128xf32, #tpu.memory_space<vmem_shared>>) target_semaphore(%run_scoped3A : memref<!tpu.dma_semaphore, #tpu.memory_space<semaphore_mem>>)
      %dma_wait3A = arith.constant 0 : i32
      %dma_wait3A_39 = tpu.memref_slice %arg8[%mul3A_2, %dma_wait3A] : memref<10240x128xf32, #tpu.memory_space<vmem_shared>> -> memref<640x128xf32, #tpu.memory_space<vmem_shared>>
      tpu.wait_dma2 semaphore(%run_scoped3A : memref<!tpu.dma_semaphore, #tpu.memory_space<semaphore_mem>>) src(%arg5 : memref<640x128xf32, #tpu.memory_space<hbm>>) dst(%dma_wait3A_39 : memref<640x128xf32, #tpu.memory_space<vmem_shared>>)
      tpu.yield
    }) : () -> ()
    "tpu.region"() ({
      %run_scoped3A = tpu.sem_alloc : memref<!tpu.dma_semaphore, #tpu.memory_space<semaphore_mem>>
      %dma_start3A_37 = arith.constant 0 : i32
      %dma_start3A_38 = arith.constant 0 : i32
      %dma_start3A_39 = tpu.memref_slice %arg3[%add3A, %dma_start3A_37, %dma_start3A_38] : memref<32x80x128xi32, #tpu.memory_space<hbm>> -> memref<1x80x128xi32, #tpu.memory_space<hbm>>
      %dma_start3A_40 = tpu.memref_squeeze %dma_start3A_39 : memref<1x80x128xi32, #tpu.memory_space<hbm>> -> memref<80x128xi32, #tpu.memory_space<hbm>>
      %dma_start3A_41 = arith.constant 0 : i32
      %dma_start3A_42 = arith.constant 0 : i32
      %dma_start3A_43 = tpu.memref_slice %arg3[%add3A, %dma_start3A_41, %dma_start3A_42] : memref<32x80x128xi32, #tpu.memory_space<hbm>> -> memref<1x80x128xi32, #tpu.memory_space<hbm>>
      %dma_start3A_44 = tpu.memref_squeeze %dma_start3A_43 : memref<1x80x128xi32, #tpu.memory_space<hbm>> -> memref<80x128xi32, #tpu.memory_space<hbm>>
      tpu.enqueue_dma source(%dma_start3A_44 : memref<80x128xi32, #tpu.memory_space<hbm>>) target(%arg9 : memref<80x128xi32, #tpu.memory_space<vmem>>) target_semaphore(%run_scoped3A : memref<!tpu.dma_semaphore, #tpu.memory_space<semaphore_mem>>)
      %dma_wait3A = arith.constant 0 : i32
      %dma_wait3A_45 = arith.constant 0 : i32
      %dma_wait3A_46 = tpu.memref_slice %arg3[%add3A, %dma_wait3A, %dma_wait3A_45] : memref<32x80x128xi32, #tpu.memory_space<hbm>> -> memref<1x80x128xi32, #tpu.memory_space<hbm>>
      %dma_wait3A_47 = tpu.memref_squeeze %dma_wait3A_46 : memref<1x80x128xi32, #tpu.memory_space<hbm>> -> memref<80x128xi32, #tpu.memory_space<hbm>>
      %dma_wait3A_48 = arith.constant 0 : i32
      %dma_wait3A_49 = arith.constant 0 : i32
      %dma_wait3A_50 = tpu.memref_slice %arg3[%add3A, %dma_wait3A_48, %dma_wait3A_49] : memref<32x80x128xi32, #tpu.memory_space<hbm>> -> memref<1x80x128xi32, #tpu.memory_space<hbm>>
      %dma_wait3A_51 = tpu.memref_squeeze %dma_wait3A_50 : memref<1x80x128xi32, #tpu.memory_space<hbm>> -> memref<80x128xi32, #tpu.memory_space<hbm>>
      tpu.wait_dma2 semaphore(%run_scoped3A : memref<!tpu.dma_semaphore, #tpu.memory_space<semaphore_mem>>) src(%dma_wait3A_51 : memref<80x128xi32, #tpu.memory_space<hbm>>) dst(%arg9 : memref<80x128xi32, #tpu.memory_space<vmem>>)
      tpu.yield
    }) : () -> ()
    %barrier3A = arith.constant 0 : index
    tpu.barrier barrier_id(%barrier3A)
    %dma_start3A = tpu.memref_slice %arg4[%mul3A_4] : memref<327680xi32, #tpu.memory_space<hbm>> -> memref<128xi32, #tpu.memory_space<hbm>>
    %dma_start3A_5 = tpu.memref_slice %arg4[%mul3A_4] : memref<327680xi32, #tpu.memory_space<hbm>> -> memref<128xi32, #tpu.memory_space<hbm>>
    tpu.enqueue_dma source(%dma_start3A_5 : memref<128xi32, #tpu.memory_space<hbm>>) target(%arg10 : memref<128xi32, #tpu.memory_space<vmem>>) target_semaphore(%arg16 : memref<!tpu.dma_semaphore, #tpu.memory_space<semaphore_mem>>)
    %add3A_6 = arith.constant 128 : i32
    %add3A_7 = arith.addi %mul3A_4, %add3A_6 : i32
    %dma_start3A_8 = tpu.memref_slice %arg4[%add3A_7] : memref<327680xi32, #tpu.memory_space<hbm>> -> memref<128xi32, #tpu.memory_space<hbm>>
    %dma_start3A_9 = tpu.memref_slice %arg4[%add3A_7] : memref<327680xi32, #tpu.memory_space<hbm>> -> memref<128xi32, #tpu.memory_space<hbm>>
    tpu.enqueue_dma source(%dma_start3A_9 : memref<128xi32, #tpu.memory_space<hbm>>) target(%arg11 : memref<128xi32, #tpu.memory_space<vmem>>) target_semaphore(%arg17 : memref<!tpu.dma_semaphore, #tpu.memory_space<semaphore_mem>>)
    %dma_start3A_10 = arith.constant 0 : i32
    %dma_start3A_11 = arith.constant 0 : i32
    %dma_start3A_12 = tpu.memref_slice %arg9[%dma_start3A_10, %dma_start3A_11] : memref<80x128xi32, #tpu.memory_space<vmem>> -> memref<1x128xi32, #tpu.memory_space<vmem>>
    %dma_start3A_13 = tpu.memref_squeeze %dma_start3A_12 : memref<1x128xi32, #tpu.memory_space<vmem>> -> memref<128xi32, #tpu.memory_space<vmem>>
    %dma_start3A_14 = arith.constant 0 : i32
    %dma_start3A_15 = arith.constant 0 : i32
    %dma_start3A_16 = tpu.memref_slice %arg2[%dma_start3A_14, %dma_start3A_15] : memref<10000x128xf32, #tpu.memory_space<hbm>> -> memref<10000x128xf32, #tpu.memory_space<hbm>>
    tpu.enqueue_indirect_dma source(%dma_start3A_16 : memref<10000x128xf32, #tpu.memory_space<hbm>>) target(%arg12 : memref<128x128xf32, #tpu.memory_space<vmem>>) offsets(%dma_start3A_13 : memref<128xi32, #tpu.memory_space<vmem>>) semaphore(%arg14 : memref<!tpu.dma_semaphore, #tpu.memory_space<semaphore_mem>>)
    %dma_start3A_17 = arith.constant 1 : i32
    %dma_start3A_18 = arith.constant 0 : i32
    %dma_start3A_19 = tpu.memref_slice %arg9[%dma_start3A_17, %dma_start3A_18] : memref<80x128xi32, #tpu.memory_space<vmem>> -> memref<1x128xi32, #tpu.memory_space<vmem>>
    %dma_start3A_20 = tpu.memref_squeeze %dma_start3A_19 : memref<1x128xi32, #tpu.memory_space<vmem>> -> memref<128xi32, #tpu.memory_space<vmem>>
    %dma_start3A_21 = arith.constant 0 : i32
    %dma_start3A_22 = arith.constant 0 : i32
    %dma_start3A_23 = tpu.memref_slice %arg2[%dma_start3A_21, %dma_start3A_22] : memref<10000x128xf32, #tpu.memory_space<hbm>> -> memref<10000x128xf32, #tpu.memory_space<hbm>>
    tpu.enqueue_indirect_dma source(%dma_start3A_23 : memref<10000x128xf32, #tpu.memory_space<hbm>>) target(%arg13 : memref<128x128xf32, #tpu.memory_space<vmem>>) offsets(%dma_start3A_20 : memref<128xi32, #tpu.memory_space<vmem>>) semaphore(%arg15 : memref<!tpu.dma_semaphore, #tpu.memory_space<semaphore_mem>>)
    %scan3A = arith.constant 0 : i32
    %scan3A_24 = arith.constant 0 : i32
    %scan3A_25 = arith.constant 40 : i32
    %scan3A_26 = arith.addi %scan3A_24, %scan3A_25 : i32
    %scan3A_27 = arith.constant 1 : i32
    scf.for %scan3A_37 = %scan3A_24 to %scan3A_26 step %scan3A_27  : i32 {
      %mul3A_38 = arith.constant 2 : i32
      %mul3A_39 = arith.muli %mul3A_38, %scan3A_37 : i32
      %add3A_40 = arith.constant 1 : i32
      %add3A_41 = arith.addi %mul3A_39, %add3A_40 : i32
      %dma_wait3A = arith.constant 0 : i32
      %dma_wait3A_42 = tpu.memref_slice %arg9[%mul3A_39, %dma_wait3A] : memref<80x128xi32, #tpu.memory_space<vmem>> -> memref<1x128xi32, #tpu.memory_space<vmem>>
      %dma_wait3A_43 = tpu.memref_squeeze %dma_wait3A_42 : memref<1x128xi32, #tpu.memory_space<vmem>> -> memref<128xi32, #tpu.memory_space<vmem>>
      %dma_wait3A_44 = arith.constant 0 : i32
      %dma_wait3A_45 = arith.constant 0 : i32
      %dma_wait3A_46 = tpu.memref_slice %arg2[%dma_wait3A_44, %dma_wait3A_45] : memref<10000x128xf32, #tpu.memory_space<hbm>> -> memref<10000x128xf32, #tpu.memory_space<hbm>>
      tpu.wait_indirect_dma semaphore(%arg14 : memref<!tpu.dma_semaphore, #tpu.memory_space<semaphore_mem>>) src(%dma_wait3A_46 : memref<10000x128xf32, #tpu.memory_space<hbm>>) dst(%arg12 : memref<128x128xf32, #tpu.memory_space<vmem>>)
      %mul3A_47 = arith.constant 128 : i32
      %mul3A_48 = arith.muli %mul3A_39, %mul3A_47 : i32
      %add3A_49 = arith.addi %mul3A_4, %mul3A_48 : i32
      %dma_wait3A_50 = tpu.memref_slice %arg4[%add3A_49] : memref<327680xi32, #tpu.memory_space<hbm>> -> memref<128xi32, #tpu.memory_space<hbm>>
      %dma_wait3A_51 = tpu.memref_slice %arg4[%add3A_49] : memref<327680xi32, #tpu.memory_space<hbm>> -> memref<128xi32, #tpu.memory_space<hbm>>
      tpu.wait_dma2 semaphore(%arg16 : memref<!tpu.dma_semaphore, #tpu.memory_space<semaphore_mem>>) src(%dma_wait3A_51 : memref<128xi32, #tpu.memory_space<hbm>>) dst(%arg10 : memref<128xi32, #tpu.memory_space<vmem>>)
      "tpu.region"() ({
        %run_scoped3A = tpu.sem_alloc : memref<!tpu.dma_semaphore, #tpu.memory_space<semaphore_mem>>
        %dma_start3A_72 = arith.constant 0 : i32
        %dma_start3A_73 = arith.constant 0 : i32
        %dma_start3A_74 = tpu.memref_slice %arg8[%dma_start3A_72, %dma_start3A_73] : memref<10240x128xf32, #tpu.memory_space<vmem_shared>> -> memref<10240x128xf32, #tpu.memory_space<vmem_shared>>
        tpu.enqueue_indirect_dma source(%arg12 : memref<128x128xf32, #tpu.memory_space<vmem>>) target(%dma_start3A_74 : memref<10240x128xf32, #tpu.memory_space<vmem_shared>>) offsets(%arg10 : memref<128xi32, #tpu.memory_space<vmem>>) semaphore(%run_scoped3A : memref<!tpu.dma_semaphore, #tpu.memory_space<semaphore_mem>>) {add = true}
        %dma_wait3A_75 = arith.constant 0 : i32
        %dma_wait3A_76 = arith.constant 0 : i32
        %dma_wait3A_77 = tpu.memref_slice %arg8[%dma_wait3A_75, %dma_wait3A_76] : memref<10240x128xf32, #tpu.memory_space<vmem_shared>> -> memref<10240x128xf32, #tpu.memory_space<vmem_shared>>
        tpu.wait_indirect_dma semaphore(%run_scoped3A : memref<!tpu.dma_semaphore, #tpu.memory_space<semaphore_mem>>) src(%arg12 : memref<128x128xf32, #tpu.memory_space<vmem>>) dst(%dma_wait3A_77 : memref<10240x128xf32, #tpu.memory_space<vmem_shared>>)
        tpu.yield
      }) : () -> ()
      %lt3A = arith.constant 39 : i32
      %lt3A_52 = arith.cmpi slt, %scan3A_37, %lt3A : i32
      %convert_element_type3A_53 = arith.extui %lt3A_52 : i1 to i32
      %cond3A_54 = arith.constant 0 : i32
      %cond3A_55 = arith.cmpi ne, %convert_element_type3A_53, %cond3A_54 : i32
      scf.if %cond3A_55 {
        %add3A_72 = arith.constant 2 : i32
        %add3A_73 = arith.addi %mul3A_39, %add3A_72 : i32
        %dma_start3A_74 = arith.constant 0 : i32
        %dma_start3A_75 = tpu.memref_slice %arg9[%add3A_73, %dma_start3A_74] : memref<80x128xi32, #tpu.memory_space<vmem>> -> memref<1x128xi32, #tpu.memory_space<vmem>>
        %dma_start3A_76 = tpu.memref_squeeze %dma_start3A_75 : memref<1x128xi32, #tpu.memory_space<vmem>> -> memref<128xi32, #tpu.memory_space<vmem>>
        %dma_start3A_77 = arith.constant 0 : i32
        %dma_start3A_78 = arith.constant 0 : i32
        %dma_start3A_79 = tpu.memref_slice %arg2[%dma_start3A_77, %dma_start3A_78] : memref<10000x128xf32, #tpu.memory_space<hbm>> -> memref<10000x128xf32, #tpu.memory_space<hbm>>
        tpu.enqueue_indirect_dma source(%dma_start3A_79 : memref<10000x128xf32, #tpu.memory_space<hbm>>) target(%arg12 : memref<128x128xf32, #tpu.memory_space<vmem>>) offsets(%dma_start3A_76 : memref<128xi32, #tpu.memory_space<vmem>>) semaphore(%arg14 : memref<!tpu.dma_semaphore, #tpu.memory_space<semaphore_mem>>)
        %add3A_80 = arith.constant 2 : i32
        %add3A_81 = arith.addi %mul3A_39, %add3A_80 : i32
        %mul3A_82 = arith.constant 128 : i32
        %mul3A_83 = arith.muli %add3A_81, %mul3A_82 : i32
        %add3A_84 = arith.addi %mul3A_4, %mul3A_83 : i32
        %dma_start3A_85 = tpu.memref_slice %arg4[%add3A_84] : memref<327680xi32, #tpu.memory_space<hbm>> -> memref<128xi32, #tpu.memory_space<hbm>>
        %dma_start3A_86 = tpu.memref_slice %arg4[%add3A_84] : memref<327680xi32, #tpu.memory_space<hbm>> -> memref<128xi32, #tpu.memory_space<hbm>>
        tpu.enqueue_dma source(%dma_start3A_86 : memref<128xi32, #tpu.memory_space<hbm>>) target(%arg10 : memref<128xi32, #tpu.memory_space<vmem>>) target_semaphore(%arg16 : memref<!tpu.dma_semaphore, #tpu.memory_space<semaphore_mem>>)
      } else {
      }
      %dma_wait3A_56 = arith.constant 0 : i32
      %dma_wait3A_57 = tpu.memref_slice %arg9[%add3A_41, %dma_wait3A_56] : memref<80x128xi32, #tpu.memory_space<vmem>> -> memref<1x128xi32, #tpu.memory_space<vmem>>
      %dma_wait3A_58 = tpu.memref_squeeze %dma_wait3A_57 : memref<1x128xi32, #tpu.memory_space<vmem>> -> memref<128xi32, #tpu.memory_space<vmem>>
      %dma_wait3A_59 = arith.constant 0 : i32
      %dma_wait3A_60 = arith.constant 0 : i32
      %dma_wait3A_61 = tpu.memref_slice %arg2[%dma_wait3A_59, %dma_wait3A_60] : memref<10000x128xf32, #tpu.memory_space<hbm>> -> memref<10000x128xf32, #tpu.memory_space<hbm>>
      tpu.wait_indirect_dma semaphore(%arg15 : memref<!tpu.dma_semaphore, #tpu.memory_space<semaphore_mem>>) src(%dma_wait3A_61 : memref<10000x128xf32, #tpu.memory_space<hbm>>) dst(%arg13 : memref<128x128xf32, #tpu.memory_space<vmem>>)
      %mul3A_62 = arith.constant 128 : i32
      %mul3A_63 = arith.muli %add3A_41, %mul3A_62 : i32
      %add3A_64 = arith.addi %mul3A_4, %mul3A_63 : i32
      %dma_wait3A_65 = tpu.memref_slice %arg4[%add3A_64] : memref<327680xi32, #tpu.memory_space<hbm>> -> memref<128xi32, #tpu.memory_space<hbm>>
      %dma_wait3A_66 = tpu.memref_slice %arg4[%add3A_64] : memref<327680xi32, #tpu.memory_space<hbm>> -> memref<128xi32, #tpu.memory_space<hbm>>
      tpu.wait_dma2 semaphore(%arg17 : memref<!tpu.dma_semaphore, #tpu.memory_space<semaphore_mem>>) src(%dma_wait3A_66 : memref<128xi32, #tpu.memory_space<hbm>>) dst(%arg11 : memref<128xi32, #tpu.memory_space<vmem>>)
      "tpu.region"() ({
        %run_scoped3A = tpu.sem_alloc : memref<!tpu.dma_semaphore, #tpu.memory_space<semaphore_mem>>
        %dma_start3A_72 = arith.constant 0 : i32
        %dma_start3A_73 = arith.constant 0 : i32
        %dma_start3A_74 = tpu.memref_slice %arg8[%dma_start3A_72, %dma_start3A_73] : memref<10240x128xf32, #tpu.memory_space<vmem_shared>> -> memref<10240x128xf32, #tpu.memory_space<vmem_shared>>
        tpu.enqueue_indirect_dma source(%arg13 : memref<128x128xf32, #tpu.memory_space<vmem>>) target(%dma_start3A_74 : memref<10240x128xf32, #tpu.memory_space<vmem_shared>>) offsets(%arg11 : memref<128xi32, #tpu.memory_space<vmem>>) semaphore(%run_scoped3A : memref<!tpu.dma_semaphore, #tpu.memory_space<semaphore_mem>>) {add = true}
        %dma_wait3A_75 = arith.constant 0 : i32
        %dma_wait3A_76 = arith.constant 0 : i32
        %dma_wait3A_77 = tpu.memref_slice %arg8[%dma_wait3A_75, %dma_wait3A_76] : memref<10240x128xf32, #tpu.memory_space<vmem_shared>> -> memref<10240x128xf32, #tpu.memory_space<vmem_shared>>
        tpu.wait_indirect_dma semaphore(%run_scoped3A : memref<!tpu.dma_semaphore, #tpu.memory_space<semaphore_mem>>) src(%arg13 : memref<128x128xf32, #tpu.memory_space<vmem>>) dst(%dma_wait3A_77 : memref<10240x128xf32, #tpu.memory_space<vmem_shared>>)
        tpu.yield
      }) : () -> ()
      %lt3A_67 = arith.constant 39 : i32
      %lt3A_68 = arith.cmpi slt, %scan3A_37, %lt3A_67 : i32
      %convert_element_type3A_69 = arith.extui %lt3A_68 : i1 to i32
      %cond3A_70 = arith.constant 0 : i32
      %cond3A_71 = arith.cmpi ne, %convert_element_type3A_69, %cond3A_70 : i32
      scf.if %cond3A_71 {
        %add3A_72 = arith.constant 2 : i32
        %add3A_73 = arith.addi %add3A_41, %add3A_72 : i32
        %dma_start3A_74 = arith.constant 0 : i32
        %dma_start3A_75 = tpu.memref_slice %arg9[%add3A_73, %dma_start3A_74] : memref<80x128xi32, #tpu.memory_space<vmem>> -> memref<1x128xi32, #tpu.memory_space<vmem>>
        %dma_start3A_76 = tpu.memref_squeeze %dma_start3A_75 : memref<1x128xi32, #tpu.memory_space<vmem>> -> memref<128xi32, #tpu.memory_space<vmem>>
        %dma_start3A_77 = arith.constant 0 : i32
        %dma_start3A_78 = arith.constant 0 : i32
        %dma_start3A_79 = tpu.memref_slice %arg2[%dma_start3A_77, %dma_start3A_78] : memref<10000x128xf32, #tpu.memory_space<hbm>> -> memref<10000x128xf32, #tpu.memory_space<hbm>>
        tpu.enqueue_indirect_dma source(%dma_start3A_79 : memref<10000x128xf32, #tpu.memory_space<hbm>>) target(%arg13 : memref<128x128xf32, #tpu.memory_space<vmem>>) offsets(%dma_start3A_76 : memref<128xi32, #tpu.memory_space<vmem>>) semaphore(%arg15 : memref<!tpu.dma_semaphore, #tpu.memory_space<semaphore_mem>>)
        %add3A_80 = arith.constant 2 : i32
        %add3A_81 = arith.addi %add3A_41, %add3A_80 : i32
        %mul3A_82 = arith.constant 128 : i32
        %mul3A_83 = arith.muli %add3A_81, %mul3A_82 : i32
        %add3A_84 = arith.addi %mul3A_4, %mul3A_83 : i32
        %dma_start3A_85 = tpu.memref_slice %arg4[%add3A_84] : memref<327680xi32, #tpu.memory_space<hbm>> -> memref<128xi32, #tpu.memory_space<hbm>>
        %dma_start3A_86 = tpu.memref_slice %arg4[%add3A_84] : memref<327680xi32, #tpu.memory_space<hbm>> -> memref<128xi32, #tpu.memory_space<hbm>>
        tpu.enqueue_dma source(%dma_start3A_86 : memref<128xi32, #tpu.memory_space<hbm>>) target(%arg11 : memref<128xi32, #tpu.memory_space<vmem>>) target_semaphore(%arg17 : memref<!tpu.dma_semaphore, #tpu.memory_space<semaphore_mem>>)
      } else {
      }
    }
    %scan3A_28 = arith.constant 40 : i32
    %barrier3A_29 = arith.constant 0 : index
    tpu.barrier barrier_id(%barrier3A_29)
    %eq3A = arith.constant 0 : i32
    %eq3A_30 = arith.cmpi eq, %arg0, %eq3A : i32
    %convert_element_type3A = arith.extui %eq3A_30 : i1 to i32
    %cond3A = arith.constant 0 : i32
    %cond3A_31 = arith.cmpi ne, %convert_element_type3A, %cond3A : i32
    scf.if %cond3A_31 {
      "tpu.region"() ({
        %run_scoped3A = tpu.sem_alloc : memref<!tpu.dma_semaphore, #tpu.memory_space<semaphore_mem>>
        %dma_start3A_37 = arith.constant 0 : i32
        %dma_start3A_38 = tpu.memref_slice %arg6[%mul3A_2, %dma_start3A_37] : memref<10240x128xf32, #tpu.memory_space<hbm>> -> memref<640x128xf32, #tpu.memory_space<hbm>>
        %dma_start3A_39 = arith.constant 0 : i32
        %dma_start3A_40 = tpu.memref_slice %arg8[%mul3A_2, %dma_start3A_39] : memref<10240x128xf32, #tpu.memory_space<vmem_shared>> -> memref<640x128xf32, #tpu.memory_space<vmem_shared>>
        tpu.enqueue_dma source(%dma_start3A_40 : memref<640x128xf32, #tpu.memory_space<vmem_shared>>) target(%dma_start3A_38 : memref<640x128xf32, #tpu.memory_space<hbm>>) target_semaphore(%run_scoped3A : memref<!tpu.dma_semaphore, #tpu.memory_space<semaphore_mem>>)
        %dma_wait3A = arith.constant 0 : i32
        %dma_wait3A_41 = tpu.memref_slice %arg6[%mul3A_2, %dma_wait3A] : memref<10240x128xf32, #tpu.memory_space<hbm>> -> memref<640x128xf32, #tpu.memory_space<hbm>>
        %dma_wait3A_42 = arith.constant 0 : i32
        %dma_wait3A_43 = tpu.memref_slice %arg8[%mul3A_2, %dma_wait3A_42] : memref<10240x128xf32, #tpu.memory_space<vmem_shared>> -> memref<640x128xf32, #tpu.memory_space<vmem_shared>>
        tpu.wait_dma2 semaphore(%run_scoped3A : memref<!tpu.dma_semaphore, #tpu.memory_space<semaphore_mem>>) src(%dma_wait3A_43 : memref<640x128xf32, #tpu.memory_space<vmem_shared>>) dst(%dma_wait3A_41 : memref<640x128xf32, #tpu.memory_space<hbm>>)
        tpu.yield
      }) : () -> ()
    } else {
    }
    %eq3A_32 = arith.constant 1 : i32
    %eq3A_33 = arith.cmpi eq, %arg0, %eq3A_32 : i32
    %convert_element_type3A_34 = arith.extui %eq3A_33 : i1 to i32
    %cond3A_35 = arith.constant 0 : i32
    %cond3A_36 = arith.cmpi ne, %convert_element_type3A_34, %cond3A_35 : i32
    scf.if %cond3A_36 {
      "tpu.region"() ({
        %run_scoped3A = tpu.sem_alloc : memref<!tpu.dma_semaphore, #tpu.memory_space<semaphore_mem>>
        %dma_start3A_37 = arith.constant 0 : i32
        %dma_start3A_38 = tpu.memref_slice %arg7[%mul3A_2, %dma_start3A_37] : memref<10240x128xf32, #tpu.memory_space<hbm>> -> memref<640x128xf32, #tpu.memory_space<hbm>>
        %dma_start3A_39 = arith.constant 0 : i32
        %dma_start3A_40 = tpu.memref_slice %arg8[%mul3A_2, %dma_start3A_39] : memref<10240x128xf32, #tpu.memory_space<vmem_shared>> -> memref<640x128xf32, #tpu.memory_space<vmem_shared>>
        tpu.enqueue_dma source(%dma_start3A_40 : memref<640x128xf32, #tpu.memory_space<vmem_shared>>) target(%dma_start3A_38 : memref<640x128xf32, #tpu.memory_space<hbm>>) target_semaphore(%run_scoped3A : memref<!tpu.dma_semaphore, #tpu.memory_space<semaphore_mem>>)
        %dma_wait3A = arith.constant 0 : i32
        %dma_wait3A_41 = tpu.memref_slice %arg7[%mul3A_2, %dma_wait3A] : memref<10240x128xf32, #tpu.memory_space<hbm>> -> memref<640x128xf32, #tpu.memory_space<hbm>>
        %dma_wait3A_42 = arith.constant 0 : i32
        %dma_wait3A_43 = tpu.memref_slice %arg8[%mul3A_2, %dma_wait3A_42] : memref<10240x128xf32, #tpu.memory_space<vmem_shared>> -> memref<640x128xf32, #tpu.memory_space<vmem_shared>>
        tpu.wait_dma2 semaphore(%run_scoped3A : memref<!tpu.dma_semaphore, #tpu.memory_space<semaphore_mem>>) src(%dma_wait3A_43 : memref<640x128xf32, #tpu.memory_space<vmem_shared>>) dst(%dma_wait3A_41 : memref<640x128xf32, #tpu.memory_space<hbm>>)
        tpu.yield
      }) : () -> ()
    } else {
    }
    return
  }
}

#map = affine_map<(d0, d1) -> (0, 0)>
#map1 = affine_map<(d0, d1) -> (0, 0, 0)>
#map2 = affine_map<(d0, d1) -> (0)>
module attributes {stable_mosaic.version = 14 : i64} {
  func.func @_edge_body(%arg0: i32, %arg1: i32, %arg2: memref<10000x128xf32, #tpu.memory_space<hbm>>, %arg3: memref<32x80x128xi32, #tpu.memory_space<hbm>>, %arg4: memref<327680xi32, #tpu.memory_space<hbm>>, %arg5: memref<640x128xf32, #tpu.memory_space<hbm>>, %arg6: memref<10240x128xf32, #tpu.memory_space<hbm>>, %arg7: memref<10240x128xf32, #tpu.memory_space<hbm>>, %arg8: memref<10240x128xf32, #tpu.memory_space<vmem_shared>>, %arg9: memref<80x128xi32, #tpu.memory_space<vmem>>, %arg10: memref<128xi32, #tpu.memory_space<vmem>>, %arg11: memref<128xi32, #tpu.memory_space<vmem>>, %arg12: memref<128x128xf32, #tpu.memory_space<vmem>>, %arg13: memref<128x128xf32, #tpu.memory_space<vmem>>, %arg14: memref<!tpu.dma_semaphore, #tpu.memory_space<semaphore_mem>>, %arg15: memref<!tpu.dma_semaphore, #tpu.memory_space<semaphore_mem>>, %arg16: memref<!tpu.dma_semaphore, #tpu.memory_space<semaphore_mem>>, %arg17: memref<!tpu.dma_semaphore, #tpu.memory_space<semaphore_mem>>) attributes {dimension_semantics = [#tpu.dimension_semantics<core_parallel>, #tpu.dimension_semantics<subcore_parallel>], iteration_bounds = array<i64: 2, 16>, scalar_prefetch = 0 : i64, scratch_operands = 10 : i64, tpu.core_type = #tpu.core_type<sc_vector_subcore>, window_params = [{transform_indices = #map}, {transform_indices = #map1}, {transform_indices = #map2}, {transform_indices = #map}, {transform_indices = #map}, {transform_indices = #map}]} {
    %mul3A = arith.constant 16 : i32
    %mul3A_0 = arith.muli %arg0, %mul3A : i32
    %add3A = arith.addi %mul3A_0, %arg1 : i32
    %mul3A_1 = arith.constant 640 : i32
    %mul3A_2 = arith.muli %arg1, %mul3A_1 : i32
    %mul3A_3 = arith.constant 10240 : i32
    %mul3A_4 = arith.muli %add3A, %mul3A_3 : i32
    "tpu.region"() ({
      %run_scoped3A = tpu.sem_alloc : memref<!tpu.dma_semaphore, #tpu.memory_space<semaphore_mem>>
      %dma_start3A_37 = arith.constant 0 : i32
      %dma_start3A_38 = tpu.memref_slice %arg8[%mul3A_2, %dma_start3A_37] : memref<10240x128xf32, #tpu.memory_space<vmem_shared>> -> memref<640x128xf32, #tpu.memory_space<vmem_shared>>
      tpu.enqueue_dma source(%arg5 : memref<640x128xf32, #tpu.memory_space<hbm>>) target(%dma_start3A_38 : memref<640x128xf32, #tpu.memory_space<vmem_shared>>) target_semaphore(%run_scoped3A : memref<!tpu.dma_semaphore, #tpu.memory_space<semaphore_mem>>)
      %dma_wait3A = arith.constant 0 : i32
      %dma_wait3A_39 = tpu.memref_slice %arg8[%mul3A_2, %dma_wait3A] : memref<10240x128xf32, #tpu.memory_space<vmem_shared>> -> memref<640x128xf32, #tpu.memory_space<vmem_shared>>
      tpu.wait_dma2 semaphore(%run_scoped3A : memref<!tpu.dma_semaphore, #tpu.memory_space<semaphore_mem>>) src(%arg5 : memref<640x128xf32, #tpu.memory_space<hbm>>) dst(%dma_wait3A_39 : memref<640x128xf32, #tpu.memory_space<vmem_shared>>)
      tpu.yield
    }) : () -> ()
    "tpu.region"() ({
      %run_scoped3A = tpu.sem_alloc : memref<!tpu.dma_semaphore, #tpu.memory_space<semaphore_mem>>
      %dma_start3A_37 = arith.constant 0 : i32
      %dma_start3A_38 = arith.constant 0 : i32
      %dma_start3A_39 = tpu.memref_slice %arg3[%add3A, %dma_start3A_37, %dma_start3A_38] : memref<32x80x128xi32, #tpu.memory_space<hbm>> -> memref<1x80x128xi32, #tpu.memory_space<hbm>>
      %dma_start3A_40 = tpu.memref_squeeze %dma_start3A_39 : memref<1x80x128xi32, #tpu.memory_space<hbm>> -> memref<80x128xi32, #tpu.memory_space<hbm>>
      %dma_start3A_41 = arith.constant 0 : i32
      %dma_start3A_42 = arith.constant 0 : i32
      %dma_start3A_43 = tpu.memref_slice %arg3[%add3A, %dma_start3A_41, %dma_start3A_42] : memref<32x80x128xi32, #tpu.memory_space<hbm>> -> memref<1x80x128xi32, #tpu.memory_space<hbm>>
      %dma_start3A_44 = tpu.memref_squeeze %dma_start3A_43 : memref<1x80x128xi32, #tpu.memory_space<hbm>> -> memref<80x128xi32, #tpu.memory_space<hbm>>
      tpu.enqueue_dma source(%dma_start3A_44 : memref<80x128xi32, #tpu.memory_space<hbm>>) target(%arg9 : memref<80x128xi32, #tpu.memory_space<vmem>>) target_semaphore(%run_scoped3A : memref<!tpu.dma_semaphore, #tpu.memory_space<semaphore_mem>>)
      %dma_wait3A = arith.constant 0 : i32
      %dma_wait3A_45 = arith.constant 0 : i32
      %dma_wait3A_46 = tpu.memref_slice %arg3[%add3A, %dma_wait3A, %dma_wait3A_45] : memref<32x80x128xi32, #tpu.memory_space<hbm>> -> memref<1x80x128xi32, #tpu.memory_space<hbm>>
      %dma_wait3A_47 = tpu.memref_squeeze %dma_wait3A_46 : memref<1x80x128xi32, #tpu.memory_space<hbm>> -> memref<80x128xi32, #tpu.memory_space<hbm>>
      %dma_wait3A_48 = arith.constant 0 : i32
      %dma_wait3A_49 = arith.constant 0 : i32
      %dma_wait3A_50 = tpu.memref_slice %arg3[%add3A, %dma_wait3A_48, %dma_wait3A_49] : memref<32x80x128xi32, #tpu.memory_space<hbm>> -> memref<1x80x128xi32, #tpu.memory_space<hbm>>
      %dma_wait3A_51 = tpu.memref_squeeze %dma_wait3A_50 : memref<1x80x128xi32, #tpu.memory_space<hbm>> -> memref<80x128xi32, #tpu.memory_space<hbm>>
      tpu.wait_dma2 semaphore(%run_scoped3A : memref<!tpu.dma_semaphore, #tpu.memory_space<semaphore_mem>>) src(%dma_wait3A_51 : memref<80x128xi32, #tpu.memory_space<hbm>>) dst(%arg9 : memref<80x128xi32, #tpu.memory_space<vmem>>)
      tpu.yield
    }) : () -> ()
    %barrier3A = arith.constant 0 : index
    tpu.barrier barrier_id(%barrier3A)
    %dma_start3A = tpu.memref_slice %arg4[%mul3A_4] : memref<327680xi32, #tpu.memory_space<hbm>> -> memref<128xi32, #tpu.memory_space<hbm>>
    %dma_start3A_5 = tpu.memref_slice %arg4[%mul3A_4] : memref<327680xi32, #tpu.memory_space<hbm>> -> memref<128xi32, #tpu.memory_space<hbm>>
    tpu.enqueue_dma source(%dma_start3A_5 : memref<128xi32, #tpu.memory_space<hbm>>) target(%arg10 : memref<128xi32, #tpu.memory_space<vmem>>) target_semaphore(%arg16 : memref<!tpu.dma_semaphore, #tpu.memory_space<semaphore_mem>>)
    %add3A_6 = arith.constant 128 : i32
    %add3A_7 = arith.addi %mul3A_4, %add3A_6 : i32
    %dma_start3A_8 = tpu.memref_slice %arg4[%add3A_7] : memref<327680xi32, #tpu.memory_space<hbm>> -> memref<128xi32, #tpu.memory_space<hbm>>
    %dma_start3A_9 = tpu.memref_slice %arg4[%add3A_7] : memref<327680xi32, #tpu.memory_space<hbm>> -> memref<128xi32, #tpu.memory_space<hbm>>
    tpu.enqueue_dma source(%dma_start3A_9 : memref<128xi32, #tpu.memory_space<hbm>>) target(%arg11 : memref<128xi32, #tpu.memory_space<vmem>>) target_semaphore(%arg17 : memref<!tpu.dma_semaphore, #tpu.memory_space<semaphore_mem>>)
    %dma_start3A_10 = arith.constant 0 : i32
    %dma_start3A_11 = arith.constant 0 : i32
    %dma_start3A_12 = tpu.memref_slice %arg9[%dma_start3A_10, %dma_start3A_11] : memref<80x128xi32, #tpu.memory_space<vmem>> -> memref<1x128xi32, #tpu.memory_space<vmem>>
    %dma_start3A_13 = tpu.memref_squeeze %dma_start3A_12 : memref<1x128xi32, #tpu.memory_space<vmem>> -> memref<128xi32, #tpu.memory_space<vmem>>
    %dma_start3A_14 = arith.constant 0 : i32
    %dma_start3A_15 = arith.constant 0 : i32
    %dma_start3A_16 = tpu.memref_slice %arg2[%dma_start3A_14, %dma_start3A_15] : memref<10000x128xf32, #tpu.memory_space<hbm>> -> memref<10000x128xf32, #tpu.memory_space<hbm>>
    tpu.enqueue_indirect_dma source(%dma_start3A_16 : memref<10000x128xf32, #tpu.memory_space<hbm>>) target(%arg12 : memref<128x128xf32, #tpu.memory_space<vmem>>) offsets(%dma_start3A_13 : memref<128xi32, #tpu.memory_space<vmem>>) semaphore(%arg14 : memref<!tpu.dma_semaphore, #tpu.memory_space<semaphore_mem>>)
    %dma_start3A_17 = arith.constant 1 : i32
    %dma_start3A_18 = arith.constant 0 : i32
    %dma_start3A_19 = tpu.memref_slice %arg9[%dma_start3A_17, %dma_start3A_18] : memref<80x128xi32, #tpu.memory_space<vmem>> -> memref<1x128xi32, #tpu.memory_space<vmem>>
    %dma_start3A_20 = tpu.memref_squeeze %dma_start3A_19 : memref<1x128xi32, #tpu.memory_space<vmem>> -> memref<128xi32, #tpu.memory_space<vmem>>
    %dma_start3A_21 = arith.constant 0 : i32
    %dma_start3A_22 = arith.constant 0 : i32
    %dma_start3A_23 = tpu.memref_slice %arg2[%dma_start3A_21, %dma_start3A_22] : memref<10000x128xf32, #tpu.memory_space<hbm>> -> memref<10000x128xf32, #tpu.memory_space<hbm>>
    tpu.enqueue_indirect_dma source(%dma_start3A_23 : memref<10000x128xf32, #tpu.memory_space<hbm>>) target(%arg13 : memref<128x128xf32, #tpu.memory_space<vmem>>) offsets(%dma_start3A_20 : memref<128xi32, #tpu.memory_space<vmem>>) semaphore(%arg15 : memref<!tpu.dma_semaphore, #tpu.memory_space<semaphore_mem>>)
    %scan3A = arith.constant 0 : i32
    %scan3A_24 = arith.constant 0 : i32
    %scan3A_25 = arith.constant 40 : i32
    %scan3A_26 = arith.addi %scan3A_24, %scan3A_25 : i32
    %scan3A_27 = arith.constant 1 : i32
    scf.for %scan3A_37 = %scan3A_24 to %scan3A_26 step %scan3A_27  : i32 {
      %mul3A_38 = arith.constant 2 : i32
      %mul3A_39 = arith.muli %mul3A_38, %scan3A_37 : i32
      %add3A_40 = arith.constant 1 : i32
      %add3A_41 = arith.addi %mul3A_39, %add3A_40 : i32
      %dma_wait3A = arith.constant 0 : i32
      %dma_wait3A_42 = tpu.memref_slice %arg9[%mul3A_39, %dma_wait3A] : memref<80x128xi32, #tpu.memory_space<vmem>> -> memref<1x128xi32, #tpu.memory_space<vmem>>
      %dma_wait3A_43 = tpu.memref_squeeze %dma_wait3A_42 : memref<1x128xi32, #tpu.memory_space<vmem>> -> memref<128xi32, #tpu.memory_space<vmem>>
      %dma_wait3A_44 = arith.constant 0 : i32
      %dma_wait3A_45 = arith.constant 0 : i32
      %dma_wait3A_46 = tpu.memref_slice %arg2[%dma_wait3A_44, %dma_wait3A_45] : memref<10000x128xf32, #tpu.memory_space<hbm>> -> memref<10000x128xf32, #tpu.memory_space<hbm>>
      tpu.wait_indirect_dma semaphore(%arg14 : memref<!tpu.dma_semaphore, #tpu.memory_space<semaphore_mem>>) src(%dma_wait3A_46 : memref<10000x128xf32, #tpu.memory_space<hbm>>) dst(%arg12 : memref<128x128xf32, #tpu.memory_space<vmem>>)
      %mul3A_47 = arith.constant 128 : i32
      %mul3A_48 = arith.muli %mul3A_39, %mul3A_47 : i32
      %add3A_49 = arith.addi %mul3A_4, %mul3A_48 : i32
      %dma_wait3A_50 = tpu.memref_slice %arg4[%add3A_49] : memref<327680xi32, #tpu.memory_space<hbm>> -> memref<128xi32, #tpu.memory_space<hbm>>
      %dma_wait3A_51 = tpu.memref_slice %arg4[%add3A_49] : memref<327680xi32, #tpu.memory_space<hbm>> -> memref<128xi32, #tpu.memory_space<hbm>>
      tpu.wait_dma2 semaphore(%arg16 : memref<!tpu.dma_semaphore, #tpu.memory_space<semaphore_mem>>) src(%dma_wait3A_51 : memref<128xi32, #tpu.memory_space<hbm>>) dst(%arg10 : memref<128xi32, #tpu.memory_space<vmem>>)
      "tpu.region"() ({
        %run_scoped3A = tpu.sem_alloc : memref<!tpu.dma_semaphore, #tpu.memory_space<semaphore_mem>>
        %dma_start3A_72 = arith.constant 0 : i32
        %dma_start3A_73 = arith.constant 0 : i32
        %dma_start3A_74 = tpu.memref_slice %arg8[%dma_start3A_72, %dma_start3A_73] : memref<10240x128xf32, #tpu.memory_space<vmem_shared>> -> memref<10240x128xf32, #tpu.memory_space<vmem_shared>>
        tpu.enqueue_indirect_dma source(%arg12 : memref<128x128xf32, #tpu.memory_space<vmem>>) target(%dma_start3A_74 : memref<10240x128xf32, #tpu.memory_space<vmem_shared>>) offsets(%arg10 : memref<128xi32, #tpu.memory_space<vmem>>) semaphore(%run_scoped3A : memref<!tpu.dma_semaphore, #tpu.memory_space<semaphore_mem>>) {add = true}
        %dma_wait3A_75 = arith.constant 0 : i32
        %dma_wait3A_76 = arith.constant 0 : i32
        %dma_wait3A_77 = tpu.memref_slice %arg8[%dma_wait3A_75, %dma_wait3A_76] : memref<10240x128xf32, #tpu.memory_space<vmem_shared>> -> memref<10240x128xf32, #tpu.memory_space<vmem_shared>>
        tpu.wait_indirect_dma semaphore(%run_scoped3A : memref<!tpu.dma_semaphore, #tpu.memory_space<semaphore_mem>>) src(%arg12 : memref<128x128xf32, #tpu.memory_space<vmem>>) dst(%dma_wait3A_77 : memref<10240x128xf32, #tpu.memory_space<vmem_shared>>)
        tpu.yield
      }) : () -> ()
      %lt3A = arith.constant 39 : i32
      %lt3A_52 = arith.cmpi slt, %scan3A_37, %lt3A : i32
      %convert_element_type3A_53 = arith.extui %lt3A_52 : i1 to i32
      %cond3A_54 = arith.constant 0 : i32
      %cond3A_55 = arith.cmpi ne, %convert_element_type3A_53, %cond3A_54 : i32
      scf.if %cond3A_55 {
        %add3A_72 = arith.constant 2 : i32
        %add3A_73 = arith.addi %mul3A_39, %add3A_72 : i32
        %dma_start3A_74 = arith.constant 0 : i32
        %dma_start3A_75 = tpu.memref_slice %arg9[%add3A_73, %dma_start3A_74] : memref<80x128xi32, #tpu.memory_space<vmem>> -> memref<1x128xi32, #tpu.memory_space<vmem>>
        %dma_start3A_76 = tpu.memref_squeeze %dma_start3A_75 : memref<1x128xi32, #tpu.memory_space<vmem>> -> memref<128xi32, #tpu.memory_space<vmem>>
        %dma_start3A_77 = arith.constant 0 : i32
        %dma_start3A_78 = arith.constant 0 : i32
        %dma_start3A_79 = tpu.memref_slice %arg2[%dma_start3A_77, %dma_start3A_78] : memref<10000x128xf32, #tpu.memory_space<hbm>> -> memref<10000x128xf32, #tpu.memory_space<hbm>>
        tpu.enqueue_indirect_dma source(%dma_start3A_79 : memref<10000x128xf32, #tpu.memory_space<hbm>>) target(%arg12 : memref<128x128xf32, #tpu.memory_space<vmem>>) offsets(%dma_start3A_76 : memref<128xi32, #tpu.memory_space<vmem>>) semaphore(%arg14 : memref<!tpu.dma_semaphore, #tpu.memory_space<semaphore_mem>>)
        %add3A_80 = arith.constant 2 : i32
        %add3A_81 = arith.addi %mul3A_39, %add3A_80 : i32
        %mul3A_82 = arith.constant 128 : i32
        %mul3A_83 = arith.muli %add3A_81, %mul3A_82 : i32
        %add3A_84 = arith.addi %mul3A_4, %mul3A_83 : i32
        %dma_start3A_85 = tpu.memref_slice %arg4[%add3A_84] : memref<327680xi32, #tpu.memory_space<hbm>> -> memref<128xi32, #tpu.memory_space<hbm>>
        %dma_start3A_86 = tpu.memref_slice %arg4[%add3A_84] : memref<327680xi32, #tpu.memory_space<hbm>> -> memref<128xi32, #tpu.memory_space<hbm>>
        tpu.enqueue_dma source(%dma_start3A_86 : memref<128xi32, #tpu.memory_space<hbm>>) target(%arg10 : memref<128xi32, #tpu.memory_space<vmem>>) target_semaphore(%arg16 : memref<!tpu.dma_semaphore, #tpu.memory_space<semaphore_mem>>)
      } else {
      }
      %dma_wait3A_56 = arith.constant 0 : i32
      %dma_wait3A_57 = tpu.memref_slice %arg9[%add3A_41, %dma_wait3A_56] : memref<80x128xi32, #tpu.memory_space<vmem>> -> memref<1x128xi32, #tpu.memory_space<vmem>>
      %dma_wait3A_58 = tpu.memref_squeeze %dma_wait3A_57 : memref<1x128xi32, #tpu.memory_space<vmem>> -> memref<128xi32, #tpu.memory_space<vmem>>
      %dma_wait3A_59 = arith.constant 0 : i32
      %dma_wait3A_60 = arith.constant 0 : i32
      %dma_wait3A_61 = tpu.memref_slice %arg2[%dma_wait3A_59, %dma_wait3A_60] : memref<10000x128xf32, #tpu.memory_space<hbm>> -> memref<10000x128xf32, #tpu.memory_space<hbm>>
      tpu.wait_indirect_dma semaphore(%arg15 : memref<!tpu.dma_semaphore, #tpu.memory_space<semaphore_mem>>) src(%dma_wait3A_61 : memref<10000x128xf32, #tpu.memory_space<hbm>>) dst(%arg13 : memref<128x128xf32, #tpu.memory_space<vmem>>)
      %mul3A_62 = arith.constant 128 : i32
      %mul3A_63 = arith.muli %add3A_41, %mul3A_62 : i32
      %add3A_64 = arith.addi %mul3A_4, %mul3A_63 : i32
      %dma_wait3A_65 = tpu.memref_slice %arg4[%add3A_64] : memref<327680xi32, #tpu.memory_space<hbm>> -> memref<128xi32, #tpu.memory_space<hbm>>
      %dma_wait3A_66 = tpu.memref_slice %arg4[%add3A_64] : memref<327680xi32, #tpu.memory_space<hbm>> -> memref<128xi32, #tpu.memory_space<hbm>>
      tpu.wait_dma2 semaphore(%arg17 : memref<!tpu.dma_semaphore, #tpu.memory_space<semaphore_mem>>) src(%dma_wait3A_66 : memref<128xi32, #tpu.memory_space<hbm>>) dst(%arg11 : memref<128xi32, #tpu.memory_space<vmem>>)
      "tpu.region"() ({
        %run_scoped3A = tpu.sem_alloc : memref<!tpu.dma_semaphore, #tpu.memory_space<semaphore_mem>>
        %dma_start3A_72 = arith.constant 0 : i32
        %dma_start3A_73 = arith.constant 0 : i32
        %dma_start3A_74 = tpu.memref_slice %arg8[%dma_start3A_72, %dma_start3A_73] : memref<10240x128xf32, #tpu.memory_space<vmem_shared>> -> memref<10240x128xf32, #tpu.memory_space<vmem_shared>>
        tpu.enqueue_indirect_dma source(%arg13 : memref<128x128xf32, #tpu.memory_space<vmem>>) target(%dma_start3A_74 : memref<10240x128xf32, #tpu.memory_space<vmem_shared>>) offsets(%arg11 : memref<128xi32, #tpu.memory_space<vmem>>) semaphore(%run_scoped3A : memref<!tpu.dma_semaphore, #tpu.memory_space<semaphore_mem>>) {add = true}
        %dma_wait3A_75 = arith.constant 0 : i32
        %dma_wait3A_76 = arith.constant 0 : i32
        %dma_wait3A_77 = tpu.memref_slice %arg8[%dma_wait3A_75, %dma_wait3A_76] : memref<10240x128xf32, #tpu.memory_space<vmem_shared>> -> memref<10240x128xf32, #tpu.memory_space<vmem_shared>>
        tpu.wait_indirect_dma semaphore(%run_scoped3A : memref<!tpu.dma_semaphore, #tpu.memory_space<semaphore_mem>>) src(%arg13 : memref<128x128xf32, #tpu.memory_space<vmem>>) dst(%dma_wait3A_77 : memref<10240x128xf32, #tpu.memory_space<vmem_shared>>)
        tpu.yield
      }) : () -> ()
      %lt3A_67 = arith.constant 39 : i32
      %lt3A_68 = arith.cmpi slt, %scan3A_37, %lt3A_67 : i32
      %convert_element_type3A_69 = arith.extui %lt3A_68 : i1 to i32
      %cond3A_70 = arith.constant 0 : i32
      %cond3A_71 = arith.cmpi ne, %convert_element_type3A_69, %cond3A_70 : i32
      scf.if %cond3A_71 {
        %add3A_72 = arith.constant 2 : i32
        %add3A_73 = arith.addi %add3A_41, %add3A_72 : i32
        %dma_start3A_74 = arith.constant 0 : i32
        %dma_start3A_75 = tpu.memref_slice %arg9[%add3A_73, %dma_start3A_74] : memref<80x128xi32, #tpu.memory_space<vmem>> -> memref<1x128xi32, #tpu.memory_space<vmem>>
        %dma_start3A_76 = tpu.memref_squeeze %dma_start3A_75 : memref<1x128xi32, #tpu.memory_space<vmem>> -> memref<128xi32, #tpu.memory_space<vmem>>
        %dma_start3A_77 = arith.constant 0 : i32
        %dma_start3A_78 = arith.constant 0 : i32
        %dma_start3A_79 = tpu.memref_slice %arg2[%dma_start3A_77, %dma_start3A_78] : memref<10000x128xf32, #tpu.memory_space<hbm>> -> memref<10000x128xf32, #tpu.memory_space<hbm>>
        tpu.enqueue_indirect_dma source(%dma_start3A_79 : memref<10000x128xf32, #tpu.memory_space<hbm>>) target(%arg13 : memref<128x128xf32, #tpu.memory_space<vmem>>) offsets(%dma_start3A_76 : memref<128xi32, #tpu.memory_space<vmem>>) semaphore(%arg15 : memref<!tpu.dma_semaphore, #tpu.memory_space<semaphore_mem>>)
        %add3A_80 = arith.constant 2 : i32
        %add3A_81 = arith.addi %add3A_41, %add3A_80 : i32
        %mul3A_82 = arith.constant 128 : i32
        %mul3A_83 = arith.muli %add3A_81, %mul3A_82 : i32
        %add3A_84 = arith.addi %mul3A_4, %mul3A_83 : i32
        %dma_start3A_85 = tpu.memref_slice %arg4[%add3A_84] : memref<327680xi32, #tpu.memory_space<hbm>> -> memref<128xi32, #tpu.memory_space<hbm>>
        %dma_start3A_86 = tpu.memref_slice %arg4[%add3A_84] : memref<327680xi32, #tpu.memory_space<hbm>> -> memref<128xi32, #tpu.memory_space<hbm>>
        tpu.enqueue_dma source(%dma_start3A_86 : memref<128xi32, #tpu.memory_space<hbm>>) target(%arg11 : memref<128xi32, #tpu.memory_space<vmem>>) target_semaphore(%arg17 : memref<!tpu.dma_semaphore, #tpu.memory_space<semaphore_mem>>)
      } else {
      }
    }
    %scan3A_28 = arith.constant 40 : i32
    %barrier3A_29 = arith.constant 0 : index
    tpu.barrier barrier_id(%barrier3A_29)
    %eq3A = arith.constant 0 : i32
    %eq3A_30 = arith.cmpi eq, %arg0, %eq3A : i32
    %convert_element_type3A = arith.extui %eq3A_30 : i1 to i32
    %cond3A = arith.constant 0 : i32
    %cond3A_31 = arith.cmpi ne, %convert_element_type3A, %cond3A : i32
    scf.if %cond3A_31 {
      "tpu.region"() ({
        %run_scoped3A = tpu.sem_alloc : memref<!tpu.dma_semaphore, #tpu.memory_space<semaphore_mem>>
        %dma_start3A_37 = arith.constant 0 : i32
        %dma_start3A_38 = tpu.memref_slice %arg6[%mul3A_2, %dma_start3A_37] : memref<10240x128xf32, #tpu.memory_space<hbm>> -> memref<640x128xf32, #tpu.memory_space<hbm>>
        %dma_start3A_39 = arith.constant 0 : i32
        %dma_start3A_40 = tpu.memref_slice %arg8[%mul3A_2, %dma_start3A_39] : memref<10240x128xf32, #tpu.memory_space<vmem_shared>> -> memref<640x128xf32, #tpu.memory_space<vmem_shared>>
        tpu.enqueue_dma source(%dma_start3A_40 : memref<640x128xf32, #tpu.memory_space<vmem_shared>>) target(%dma_start3A_38 : memref<640x128xf32, #tpu.memory_space<hbm>>) target_semaphore(%run_scoped3A : memref<!tpu.dma_semaphore, #tpu.memory_space<semaphore_mem>>)
        %dma_wait3A = arith.constant 0 : i32
        %dma_wait3A_41 = tpu.memref_slice %arg6[%mul3A_2, %dma_wait3A] : memref<10240x128xf32, #tpu.memory_space<hbm>> -> memref<640x128xf32, #tpu.memory_space<hbm>>
        %dma_wait3A_42 = arith.constant 0 : i32
        %dma_wait3A_43 = tpu.memref_slice %arg8[%mul3A_2, %dma_wait3A_42] : memref<10240x128xf32, #tpu.memory_space<vmem_shared>> -> memref<640x128xf32, #tpu.memory_space<vmem_shared>>
        tpu.wait_dma2 semaphore(%run_scoped3A : memref<!tpu.dma_semaphore, #tpu.memory_space<semaphore_mem>>) src(%dma_wait3A_43 : memref<640x128xf32, #tpu.memory_space<vmem_shared>>) dst(%dma_wait3A_41 : memref<640x128xf32, #tpu.memory_space<hbm>>)
        tpu.yield
      }) : () -> ()
    } else {
    }
    %eq3A_32 = arith.constant 1 : i32
    %eq3A_33 = arith.cmpi eq, %arg0, %eq3A_32 : i32
    %convert_element_type3A_34 = arith.extui %eq3A_33 : i1 to i32
    %cond3A_35 = arith.constant 0 : i32
    %cond3A_36 = arith.cmpi ne, %convert_element_type3A_34, %cond3A_35 : i32
    scf.if %cond3A_36 {
      "tpu.region"() ({
        %run_scoped3A = tpu.sem_alloc : memref<!tpu.dma_semaphore, #tpu.memory_space<semaphore_mem>>
        %dma_start3A_37 = arith.constant 0 : i32
        %dma_start3A_38 = tpu.memref_slice %arg7[%mul3A_2, %dma_start3A_37] : memref<10240x128xf32, #tpu.memory_space<hbm>> -> memref<640x128xf32, #tpu.memory_space<hbm>>
        %dma_start3A_39 = arith.constant 0 : i32
        %dma_start3A_40 = tpu.memref_slice %arg8[%mul3A_2, %dma_start3A_39] : memref<10240x128xf32, #tpu.memory_space<vmem_shared>> -> memref<640x128xf32, #tpu.memory_space<vmem_shared>>
        tpu.enqueue_dma source(%dma_start3A_40 : memref<640x128xf32, #tpu.memory_space<vmem_shared>>) target(%dma_start3A_38 : memref<640x128xf32, #tpu.memory_space<hbm>>) target_semaphore(%run_scoped3A : memref<!tpu.dma_semaphore, #tpu.memory_space<semaphore_mem>>)
        %dma_wait3A = arith.constant 0 : i32
        %dma_wait3A_41 = tpu.memref_slice %arg7[%mul3A_2, %dma_wait3A] : memref<10240x128xf32, #tpu.memory_space<hbm>> -> memref<640x128xf32, #tpu.memory_space<hbm>>
        %dma_wait3A_42 = arith.constant 0 : i32
        %dma_wait3A_43 = tpu.memref_slice %arg8[%mul3A_2, %dma_wait3A_42] : memref<10240x128xf32, #tpu.memory_space<vmem_shared>> -> memref<640x128xf32, #tpu.memory_space<vmem_shared>>
        tpu.wait_dma2 semaphore(%run_scoped3A : memref<!tpu.dma_semaphore, #tpu.memory_space<semaphore_mem>>) src(%dma_wait3A_43 : memref<640x128xf32, #tpu.memory_space<vmem_shared>>) dst(%dma_wait3A_41 : memref<640x128xf32, #tpu.memory_space<hbm>>)
        tpu.yield
      }) : () -> ()
    } else {
    }
    return
  }
}

module attributes {stable_mosaic.version = 14 : i64} {
  func.func @_prologue_tc(%arg0: memref<10000x128xf32, #tpu.memory_space<vmem>>, %arg1: memref<10000x128xf32, #tpu.memory_space<vmem>>, %arg2: memref<10000x128xf32, #tpu.memory_space<vmem>>, %arg3: memref<10000x1xf32, #tpu.memory_space<vmem>>, %arg4: memref<10000x128xf32, #tpu.memory_space<vmem>>, %arg5: memref<1x128xf32, #tpu.memory_space<vmem>>) attributes {dimension_semantics = [], scalar_prefetch = 0 : i64, scratch_operands = 0 : i64, tpu.core_type = #tpu.core_type<tc>} {
    %get3A = arith.constant 0 : index
    %get3A_0 = arith.constant 0 : index
    %get3A_1 = vector.load %arg0[%get3A, %get3A_0] : memref<10000x128xf32, #tpu.memory_space<vmem>>, vector<10000x1xf32>
    %get3A_2 = arith.constant 0 : index
    %get3A_3 = arith.constant 0 : index
    %get3A_4 = vector.load %arg1[%get3A_2, %get3A_3] : memref<10000x128xf32, #tpu.memory_space<vmem>>, vector<10000x1xf32>
    %add3A = arith.addf %get3A_1, %get3A_4 : vector<10000x1xf32>
    %max3A = arith.constant 1.000000e+00 : f32
    %max3A_5 = vector.broadcast %max3A : f32 to vector<10000x1xf32>
    %max3A_6 = arith.maximumf %add3A, %max3A_5 : vector<10000x1xf32>
    %rsqrt3A = math.rsqrt %max3A_6 : vector<10000x1xf32>
    %get3A_7 = arith.constant 0 : index
    %get3A_8 = arith.constant 0 : index
    %get3A_9 = vector.load %arg2[%get3A_7, %get3A_8] : memref<10000x128xf32, #tpu.memory_space<vmem>>, vector<10000x128xf32>
    %swap3A = arith.constant 0 : index
    %swap3A_10 = arith.constant 0 : index
    %swap3A_11 = vector.load %arg3[%swap3A, %swap3A_10] : memref<10000x1xf32, #tpu.memory_space<vmem>>, vector<10000x1xf32>
    tpu.vector_store %arg3[%swap3A, %swap3A_10], %rsqrt3A {strides = array<i32>} : memref<10000x1xf32, #tpu.memory_space<vmem>>, vector<10000x1xf32>,
    %mul3A = vector.broadcast %rsqrt3A : vector<10000x1xf32> to vector<10000x128xf32>
    %mul3A_12 = arith.mulf %get3A_9, %mul3A : vector<10000x128xf32>
    %swap3A_13 = arith.constant 0 : index
    %swap3A_14 = arith.constant 0 : index
    %swap3A_15 = vector.load %arg4[%swap3A_13, %swap3A_14] : memref<10000x128xf32, #tpu.memory_space<vmem>>, vector<10000x128xf32>
    tpu.vector_store %arg4[%swap3A_13, %swap3A_14], %mul3A_12 {strides = array<i32>} : memref<10000x128xf32, #tpu.memory_space<vmem>>, vector<10000x128xf32>,
    %reduce_sum3A = arith.constant dense<0.000000e+00> : vector<128xf32>
    %reduce_sum3A_16 = vector.multi_reduction <add>, %get3A_9, %reduce_sum3A [0] : vector<10000x128xf32> to vector<128xf32>
    %broadcast_in_dim3A = vector.shape_cast %reduce_sum3A_16 : vector<128xf32> to vector<1x128xf32>
    %swap3A_17 = arith.constant 0 : index
    %swap3A_18 = arith.constant 0 : index
    %swap3A_19 = vector.load %arg5[%swap3A_17, %swap3A_18] : memref<1x128xf32, #tpu.memory_space<vmem>>, vector<1x128xf32>
    tpu.vector_store %arg5[%swap3A_17, %swap3A_18], %broadcast_in_dim3A {strides = array<i32>} : memref<1x128xf32, #tpu.memory_space<vmem>>, vector<1x128xf32>,
    return
  }
}

module attributes {stable_mosaic.version = 14 : i64} {
  func.func @_layer_tc(%arg0: memref<10000x128xf32, #tpu.memory_space<vmem>>, %arg1: memref<10000x128xf32, #tpu.memory_space<vmem>>, %arg2: memref<10000x128xf32, #tpu.memory_space<vmem>>, %arg3: memref<10000x1xf32, #tpu.memory_space<vmem>>, %arg4: memref<128x128xf32, #tpu.memory_space<vmem>>, %arg5: memref<1x128xf32, #tpu.memory_space<vmem>>, %arg6: memref<1x128xf32, #tpu.memory_space<vmem>>, %arg7: memref<1x128xf32, #tpu.memory_space<vmem>>, %arg8: memref<10000x128xf32, #tpu.memory_space<vmem>>, %arg9: memref<10000x128xf32, #tpu.memory_space<vmem>>, %arg10: memref<1x128xf32, #tpu.memory_space<vmem>>) attributes {dimension_semantics = [], scalar_prefetch = 0 : i64, scratch_operands = 0 : i64, tpu.core_type = #tpu.core_type<tc>} {
    %get3A = arith.constant 0 : index
    %get3A_0 = arith.constant 0 : index
    %get3A_1 = vector.load %arg3[%get3A, %get3A_0] : memref<10000x1xf32, #tpu.memory_space<vmem>>, vector<10000x1xf32>
    %get3A_2 = arith.constant 0 : index
    %get3A_3 = arith.constant 0 : index
    %get3A_4 = vector.load %arg0[%get3A_2, %get3A_3] : memref<10000x128xf32, #tpu.memory_space<vmem>>, vector<10000x128xf32>
    %get3A_5 = arith.constant 0 : index
    %get3A_6 = arith.constant 0 : index
    %get3A_7 = vector.load %arg1[%get3A_5, %get3A_6] : memref<10000x128xf32, #tpu.memory_space<vmem>>, vector<10000x128xf32>
    %add3A = arith.addf %get3A_4, %get3A_7 : vector<10000x128xf32>
    %mul3A = vector.broadcast %get3A_1 : vector<10000x1xf32> to vector<10000x128xf32>
    %mul3A_8 = arith.mulf %add3A, %mul3A : vector<10000x128xf32>
    %get3A_9 = arith.constant 0 : index
    %get3A_10 = arith.constant 0 : index
    %get3A_11 = vector.load %arg2[%get3A_9, %get3A_10] : memref<10000x128xf32, #tpu.memory_space<vmem>>, vector<10000x128xf32>
    %mul3A_12 = arith.constant 0.899999976 : f32
    %mul3A_13 = vector.broadcast %mul3A_12 : f32 to vector<10000x128xf32>
    %mul3A_14 = arith.mulf %mul3A_13, %mul3A_8 : vector<10000x128xf32>
    %mul3A_15 = arith.constant 1.000000e-01 : f32
    %mul3A_16 = vector.broadcast %mul3A_15 : f32 to vector<10000x128xf32>
    %mul3A_17 = arith.mulf %mul3A_16, %get3A_11 : vector<10000x128xf32>
    %add3A_18 = arith.addf %mul3A_14, %mul3A_17 : vector<10000x128xf32>
    %mul3A_19 = arith.constant 0.992217838 : f32
    %mul3A_20 = vector.broadcast %mul3A_19 : f32 to vector<10000x128xf32>
    %mul3A_21 = arith.mulf %mul3A_20, %add3A_18 : vector<10000x128xf32>
    %get3A_22 = arith.constant 0 : index
    %get3A_23 = arith.constant 0 : index
    %get3A_24 = vector.load %arg4[%get3A_22, %get3A_23] : memref<128x128xf32, #tpu.memory_space<vmem>>, vector<128x128xf32>
    %dot_general3A = arith.constant dense<0.000000e+00> : vector<10000x128xf32>
    %dot_general3A_25 = tpu.matmul %add3A_18, %get3A_24, %dot_general3A {dimension_numbers = #tpu.dot_dimension_numbers<[1], [0], [0], [1], [0, 0, 1, 1], [], []>, transpose_lhs_hint = false} : vector<10000x128xf32>, vector<128x128xf32>, vector<10000x128xf32> -> vector<10000x128xf32>
    %mul3A_26 = arith.constant 0.00778214028 : f32
    %mul3A_27 = vector.broadcast %mul3A_26 : f32 to vector<10000x128xf32>
    %mul3A_28 = arith.mulf %mul3A_27, %dot_general3A_25 : vector<10000x128xf32>
    %add3A_29 = arith.addf %mul3A_21, %mul3A_28 : vector<10000x128xf32>
    %get3A_30 = arith.constant 0 : index
    %get3A_31 = arith.constant 0 : index
    %get3A_32 = vector.load %arg5[%get3A_30, %get3A_31] : memref<1x128xf32, #tpu.memory_space<vmem>>, vector<1x128xf32>
    %add3A_33 = vector.broadcast %get3A_32 : vector<1x128xf32> to vector<10000x128xf32>
    %add3A_34 = arith.addf %add3A_29, %add3A_33 : vector<10000x128xf32>
    %reduce_sum3A = arith.constant dense<0.000000e+00> : vector<128xf32>
    %reduce_sum3A_35 = vector.multi_reduction <add>, %add3A_34, %reduce_sum3A [0] : vector<10000x128xf32> to vector<128xf32>
    %broadcast_in_dim3A = vector.shape_cast %reduce_sum3A_35 : vector<128xf32> to vector<1x128xf32>
    %div3A = arith.constant 1.000000e+04 : f32
    %div3A_36 = vector.broadcast %div3A : f32 to vector<1x128xf32>
    %div3A_37 = arith.divf %broadcast_in_dim3A, %div3A_36 : vector<1x128xf32>
    %sub3A = vector.broadcast %div3A_37 : vector<1x128xf32> to vector<10000x128xf32>
    %sub3A_38 = arith.subf %add3A_34, %sub3A : vector<10000x128xf32>
    %integer_pow3A = arith.mulf %sub3A_38, %sub3A_38 : vector<10000x128xf32>
    %reduce_sum3A_39 = arith.constant dense<0.000000e+00> : vector<128xf32>
    %reduce_sum3A_40 = vector.multi_reduction <add>, %integer_pow3A, %reduce_sum3A_39 [0] : vector<10000x128xf32> to vector<128xf32>
    %broadcast_in_dim3A_41 = vector.shape_cast %reduce_sum3A_40 : vector<128xf32> to vector<1x128xf32>
    %div3A_42 = arith.constant 1.000000e+04 : f32
    %div3A_43 = vector.broadcast %div3A_42 : f32 to vector<1x128xf32>
    %div3A_44 = arith.divf %broadcast_in_dim3A_41, %div3A_43 : vector<1x128xf32>
    %sub3A_45 = vector.broadcast %div3A_37 : vector<1x128xf32> to vector<10000x128xf32>
    %sub3A_46 = arith.subf %add3A_34, %sub3A_45 : vector<10000x128xf32>
    %add3A_47 = arith.constant 9.99999974E-6 : f32
    %add3A_48 = vector.broadcast %add3A_47 : f32 to vector<1x128xf32>
    %add3A_49 = arith.addf %div3A_44, %add3A_48 : vector<1x128xf32>
    %rsqrt3A = math.rsqrt %add3A_49 : vector<1x128xf32>
    %mul3A_50 = vector.broadcast %rsqrt3A : vector<1x128xf32> to vector<10000x128xf32>
    %mul3A_51 = arith.mulf %sub3A_46, %mul3A_50 : vector<10000x128xf32>
    %get3A_52 = arith.constant 0 : index
    %get3A_53 = arith.constant 0 : index
    %get3A_54 = vector.load %arg6[%get3A_52, %get3A_53] : memref<1x128xf32, #tpu.memory_space<vmem>>, vector<1x128xf32>
    %mul3A_55 = vector.broadcast %get3A_54 : vector<1x128xf32> to vector<10000x128xf32>
    %mul3A_56 = arith.mulf %mul3A_51, %mul3A_55 : vector<10000x128xf32>
    %get3A_57 = arith.constant 0 : index
    %get3A_58 = arith.constant 0 : index
    %get3A_59 = vector.load %arg7[%get3A_57, %get3A_58] : memref<1x128xf32, #tpu.memory_space<vmem>>, vector<1x128xf32>
    %add3A_60 = vector.broadcast %get3A_59 : vector<1x128xf32> to vector<10000x128xf32>
    %add3A_61 = arith.addf %mul3A_56, %add3A_60 : vector<10000x128xf32>
    %max3A = arith.constant 0.000000e+00 : f32
    %max3A_62 = vector.broadcast %max3A : f32 to vector<10000x128xf32>
    %max3A_63 = arith.maximumf %add3A_61, %max3A_62 : vector<10000x128xf32>
    %swap3A = arith.constant 0 : index
    %swap3A_64 = arith.constant 0 : index
    %swap3A_65 = vector.load %arg8[%swap3A, %swap3A_64] : memref<10000x128xf32, #tpu.memory_space<vmem>>, vector<10000x128xf32>
    tpu.vector_store %arg8[%swap3A, %swap3A_64], %max3A_63 {strides = array<i32>} : memref<10000x128xf32, #tpu.memory_space<vmem>>, vector<10000x128xf32>,
    %mul3A_66 = vector.broadcast %get3A_1 : vector<10000x1xf32> to vector<10000x128xf32>
    %mul3A_67 = arith.mulf %max3A_63, %mul3A_66 : vector<10000x128xf32>
    %swap3A_68 = arith.constant 0 : index
    %swap3A_69 = arith.constant 0 : index
    %swap3A_70 = vector.load %arg9[%swap3A_68, %swap3A_69] : memref<10000x128xf32, #tpu.memory_space<vmem>>, vector<10000x128xf32>
    tpu.vector_store %arg9[%swap3A_68, %swap3A_69], %mul3A_67 {strides = array<i32>} : memref<10000x128xf32, #tpu.memory_space<vmem>>, vector<10000x128xf32>,
    %reduce_sum3A_71 = arith.constant dense<0.000000e+00> : vector<128xf32>
    %reduce_sum3A_72 = vector.multi_reduction <add>, %max3A_63, %reduce_sum3A_71 [0] : vector<10000x128xf32> to vector<128xf32>
    %broadcast_in_dim3A_73 = vector.shape_cast %reduce_sum3A_72 : vector<128xf32> to vector<1x128xf32>
    %swap3A_74 = arith.constant 0 : index
    %swap3A_75 = arith.constant 0 : index
    %swap3A_76 = vector.load %arg10[%swap3A_74, %swap3A_75] : memref<1x128xf32, #tpu.memory_space<vmem>>, vector<1x128xf32>
    tpu.vector_store %arg10[%swap3A_74, %swap3A_75], %broadcast_in_dim3A_73 {strides = array<i32>} : memref<1x128xf32, #tpu.memory_space<vmem>>, vector<1x128xf32>,
    return
  }
}

module attributes {stable_mosaic.version = 14 : i64} {
  func.func @_layer_tc(%arg0: memref<10000x128xf32, #tpu.memory_space<vmem>>, %arg1: memref<10000x128xf32, #tpu.memory_space<vmem>>, %arg2: memref<10000x128xf32, #tpu.memory_space<vmem>>, %arg3: memref<10000x1xf32, #tpu.memory_space<vmem>>, %arg4: memref<128x128xf32, #tpu.memory_space<vmem>>, %arg5: memref<1x128xf32, #tpu.memory_space<vmem>>, %arg6: memref<1x128xf32, #tpu.memory_space<vmem>>, %arg7: memref<1x128xf32, #tpu.memory_space<vmem>>, %arg8: memref<10000x128xf32, #tpu.memory_space<vmem>>, %arg9: memref<10000x128xf32, #tpu.memory_space<vmem>>, %arg10: memref<1x128xf32, #tpu.memory_space<vmem>>) attributes {dimension_semantics = [], scalar_prefetch = 0 : i64, scratch_operands = 0 : i64, tpu.core_type = #tpu.core_type<tc>} {
    %get3A = arith.constant 0 : index
    %get3A_0 = arith.constant 0 : index
    %get3A_1 = vector.load %arg3[%get3A, %get3A_0] : memref<10000x1xf32, #tpu.memory_space<vmem>>, vector<10000x1xf32>
    %get3A_2 = arith.constant 0 : index
    %get3A_3 = arith.constant 0 : index
    %get3A_4 = vector.load %arg0[%get3A_2, %get3A_3] : memref<10000x128xf32, #tpu.memory_space<vmem>>, vector<10000x128xf32>
    %get3A_5 = arith.constant 0 : index
    %get3A_6 = arith.constant 0 : index
    %get3A_7 = vector.load %arg1[%get3A_5, %get3A_6] : memref<10000x128xf32, #tpu.memory_space<vmem>>, vector<10000x128xf32>
    %add3A = arith.addf %get3A_4, %get3A_7 : vector<10000x128xf32>
    %mul3A = vector.broadcast %get3A_1 : vector<10000x1xf32> to vector<10000x128xf32>
    %mul3A_8 = arith.mulf %add3A, %mul3A : vector<10000x128xf32>
    %get3A_9 = arith.constant 0 : index
    %get3A_10 = arith.constant 0 : index
    %get3A_11 = vector.load %arg2[%get3A_9, %get3A_10] : memref<10000x128xf32, #tpu.memory_space<vmem>>, vector<10000x128xf32>
    %mul3A_12 = arith.constant 0.899999976 : f32
    %mul3A_13 = vector.broadcast %mul3A_12 : f32 to vector<10000x128xf32>
    %mul3A_14 = arith.mulf %mul3A_13, %mul3A_8 : vector<10000x128xf32>
    %mul3A_15 = arith.constant 1.000000e-01 : f32
    %mul3A_16 = vector.broadcast %mul3A_15 : f32 to vector<10000x128xf32>
    %mul3A_17 = arith.mulf %mul3A_16, %get3A_11 : vector<10000x128xf32>
    %add3A_18 = arith.addf %mul3A_14, %mul3A_17 : vector<10000x128xf32>
    %mul3A_19 = arith.constant 0.992217838 : f32
    %mul3A_20 = vector.broadcast %mul3A_19 : f32 to vector<10000x128xf32>
    %mul3A_21 = arith.mulf %mul3A_20, %add3A_18 : vector<10000x128xf32>
    %get3A_22 = arith.constant 0 : index
    %get3A_23 = arith.constant 0 : index
    %get3A_24 = vector.load %arg4[%get3A_22, %get3A_23] : memref<128x128xf32, #tpu.memory_space<vmem>>, vector<128x128xf32>
    %dot_general3A = arith.constant dense<0.000000e+00> : vector<10000x128xf32>
    %dot_general3A_25 = tpu.matmul %add3A_18, %get3A_24, %dot_general3A {dimension_numbers = #tpu.dot_dimension_numbers<[1], [0], [0], [1], [0, 0, 1, 1], [], []>, transpose_lhs_hint = false} : vector<10000x128xf32>, vector<128x128xf32>, vector<10000x128xf32> -> vector<10000x128xf32>
    %mul3A_26 = arith.constant 0.00778214028 : f32
    %mul3A_27 = vector.broadcast %mul3A_26 : f32 to vector<10000x128xf32>
    %mul3A_28 = arith.mulf %mul3A_27, %dot_general3A_25 : vector<10000x128xf32>
    %add3A_29 = arith.addf %mul3A_21, %mul3A_28 : vector<10000x128xf32>
    %get3A_30 = arith.constant 0 : index
    %get3A_31 = arith.constant 0 : index
    %get3A_32 = vector.load %arg5[%get3A_30, %get3A_31] : memref<1x128xf32, #tpu.memory_space<vmem>>, vector<1x128xf32>
    %add3A_33 = vector.broadcast %get3A_32 : vector<1x128xf32> to vector<10000x128xf32>
    %add3A_34 = arith.addf %add3A_29, %add3A_33 : vector<10000x128xf32>
    %reduce_sum3A = arith.constant dense<0.000000e+00> : vector<128xf32>
    %reduce_sum3A_35 = vector.multi_reduction <add>, %add3A_34, %reduce_sum3A [0] : vector<10000x128xf32> to vector<128xf32>
    %broadcast_in_dim3A = vector.shape_cast %reduce_sum3A_35 : vector<128xf32> to vector<1x128xf32>
    %div3A = arith.constant 1.000000e+04 : f32
    %div3A_36 = vector.broadcast %div3A : f32 to vector<1x128xf32>
    %div3A_37 = arith.divf %broadcast_in_dim3A, %div3A_36 : vector<1x128xf32>
    %sub3A = vector.broadcast %div3A_37 : vector<1x128xf32> to vector<10000x128xf32>
    %sub3A_38 = arith.subf %add3A_34, %sub3A : vector<10000x128xf32>
    %integer_pow3A = arith.mulf %sub3A_38, %sub3A_38 : vector<10000x128xf32>
    %reduce_sum3A_39 = arith.constant dense<0.000000e+00> : vector<128xf32>
    %reduce_sum3A_40 = vector.multi_reduction <add>, %integer_pow3A, %reduce_sum3A_39 [0] : vector<10000x128xf32> to vector<128xf32>
    %broadcast_in_dim3A_41 = vector.shape_cast %reduce_sum3A_40 : vector<128xf32> to vector<1x128xf32>
    %div3A_42 = arith.constant 1.000000e+04 : f32
    %div3A_43 = vector.broadcast %div3A_42 : f32 to vector<1x128xf32>
    %div3A_44 = arith.divf %broadcast_in_dim3A_41, %div3A_43 : vector<1x128xf32>
    %sub3A_45 = vector.broadcast %div3A_37 : vector<1x128xf32> to vector<10000x128xf32>
    %sub3A_46 = arith.subf %add3A_34, %sub3A_45 : vector<10000x128xf32>
    %add3A_47 = arith.constant 9.99999974E-6 : f32
    %add3A_48 = vector.broadcast %add3A_47 : f32 to vector<1x128xf32>
    %add3A_49 = arith.addf %div3A_44, %add3A_48 : vector<1x128xf32>
    %rsqrt3A = math.rsqrt %add3A_49 : vector<1x128xf32>
    %mul3A_50 = vector.broadcast %rsqrt3A : vector<1x128xf32> to vector<10000x128xf32>
    %mul3A_51 = arith.mulf %sub3A_46, %mul3A_50 : vector<10000x128xf32>
    %get3A_52 = arith.constant 0 : index
    %get3A_53 = arith.constant 0 : index
    %get3A_54 = vector.load %arg6[%get3A_52, %get3A_53] : memref<1x128xf32, #tpu.memory_space<vmem>>, vector<1x128xf32>
    %mul3A_55 = vector.broadcast %get3A_54 : vector<1x128xf32> to vector<10000x128xf32>
    %mul3A_56 = arith.mulf %mul3A_51, %mul3A_55 : vector<10000x128xf32>
    %get3A_57 = arith.constant 0 : index
    %get3A_58 = arith.constant 0 : index
    %get3A_59 = vector.load %arg7[%get3A_57, %get3A_58] : memref<1x128xf32, #tpu.memory_space<vmem>>, vector<1x128xf32>
    %add3A_60 = vector.broadcast %get3A_59 : vector<1x128xf32> to vector<10000x128xf32>
    %add3A_61 = arith.addf %mul3A_56, %add3A_60 : vector<10000x128xf32>
    %max3A = arith.constant 0.000000e+00 : f32
    %max3A_62 = vector.broadcast %max3A : f32 to vector<10000x128xf32>
    %max3A_63 = arith.maximumf %add3A_61, %max3A_62 : vector<10000x128xf32>
    %swap3A = arith.constant 0 : index
    %swap3A_64 = arith.constant 0 : index
    %swap3A_65 = vector.load %arg8[%swap3A, %swap3A_64] : memref<10000x128xf32, #tpu.memory_space<vmem>>, vector<10000x128xf32>
    tpu.vector_store %arg8[%swap3A, %swap3A_64], %max3A_63 {strides = array<i32>} : memref<10000x128xf32, #tpu.memory_space<vmem>>, vector<10000x128xf32>,
    %mul3A_66 = vector.broadcast %get3A_1 : vector<10000x1xf32> to vector<10000x128xf32>
    %mul3A_67 = arith.mulf %max3A_63, %mul3A_66 : vector<10000x128xf32>
    %swap3A_68 = arith.constant 0 : index
    %swap3A_69 = arith.constant 0 : index
    %swap3A_70 = vector.load %arg9[%swap3A_68, %swap3A_69] : memref<10000x128xf32, #tpu.memory_space<vmem>>, vector<10000x128xf32>
    tpu.vector_store %arg9[%swap3A_68, %swap3A_69], %mul3A_67 {strides = array<i32>} : memref<10000x128xf32, #tpu.memory_space<vmem>>, vector<10000x128xf32>,
    %reduce_sum3A_71 = arith.constant dense<0.000000e+00> : vector<128xf32>
    %reduce_sum3A_72 = vector.multi_reduction <add>, %max3A_63, %reduce_sum3A_71 [0] : vector<10000x128xf32> to vector<128xf32>
    %broadcast_in_dim3A_73 = vector.shape_cast %reduce_sum3A_72 : vector<128xf32> to vector<1x128xf32>
    %swap3A_74 = arith.constant 0 : index
    %swap3A_75 = arith.constant 0 : index
    %swap3A_76 = vector.load %arg10[%swap3A_74, %swap3A_75] : memref<1x128xf32, #tpu.memory_space<vmem>>, vector<1x128xf32>
    tpu.vector_store %arg10[%swap3A_74, %swap3A_75], %broadcast_in_dim3A_73 {strides = array<i32>} : memref<1x128xf32, #tpu.memory_space<vmem>>, vector<1x128xf32>,
    return
  }
}

module attributes {stable_mosaic.version = 14 : i64} {
  func.func @_head_tc(%arg0: memref<6x128xf32, #tpu.memory_space<vmem>>, %arg1: memref<6x64x128xf32, #tpu.memory_space<vmem>>, %arg2: memref<6x64xf32, #tpu.memory_space<vmem>>, %arg3: memref<1x64xf32, #tpu.memory_space<vmem>>, %arg4: memref<1x128xf32, #tpu.memory_space<vmem>>) attributes {dimension_semantics = [], scalar_prefetch = 0 : i64, scratch_operands = 0 : i64, tpu.core_type = #tpu.core_type<tc>} {
    %get3A = arith.constant 0 : index
    %get3A_0 = arith.constant 0 : index
    %get3A_1 = vector.load %arg2[%get3A, %get3A_0] : memref<6x64xf32, #tpu.memory_space<vmem>>, vector<6x64xf32>
    %reduce_sum3A = arith.constant dense<0.000000e+00> : vector<64xf32>
    %reduce_sum3A_2 = vector.multi_reduction <add>, %get3A_1, %reduce_sum3A [0] : vector<6x64xf32> to vector<64xf32>
    %broadcast_in_dim3A = vector.shape_cast %reduce_sum3A_2 : vector<64xf32> to vector<1x64xf32>
    %get3A_3 = arith.constant 0 : index
    %get3A_4 = arith.constant 0 : index
    %get3A_5 = vector.load %arg0[%get3A_3, %get3A_4] : memref<6x128xf32, #tpu.memory_space<vmem>>, vector<1x128xf32>
    %get3A_6 = arith.constant 0 : index
    %get3A_7 = arith.constant 0 : index
    %get3A_8 = arith.constant 0 : index
    %get3A_9 = vector.load %arg1[%get3A_6, %get3A_7, %get3A_8] : memref<6x64x128xf32, #tpu.memory_space<vmem>>, vector<1x64x128xf32>
    %get3A_10 = vector.shape_cast %get3A_9 : vector<1x64x128xf32> to vector<64x128xf32>
    %dot_general3A = arith.constant dense<0.000000e+00> : vector<1x64xf32>
    %dot_general3A_11 = tpu.matmul %get3A_5, %get3A_10, %dot_general3A {dimension_numbers = #tpu.dot_dimension_numbers<[1], [1], [0], [0], [0, 0, 1, 0], [], []>, transpose_lhs_hint = false} : vector<1x128xf32>, vector<64x128xf32>, vector<1x64xf32> -> vector<1x64xf32>
    %add3A = arith.addf %broadcast_in_dim3A, %dot_general3A_11 : vector<1x64xf32>
    %get3A_12 = arith.constant 1 : index
    %get3A_13 = arith.constant 0 : index
    %get3A_14 = vector.load %arg0[%get3A_12, %get3A_13] : memref<6x128xf32, #tpu.memory_space<vmem>>, vector<1x128xf32>
    %get3A_15 = arith.constant 1 : index
    %get3A_16 = arith.constant 0 : index
    %get3A_17 = arith.constant 0 : index
    %get3A_18 = vector.load %arg1[%get3A_15, %get3A_16, %get3A_17] : memref<6x64x128xf32, #tpu.memory_space<vmem>>, vector<1x64x128xf32>
    %get3A_19 = vector.shape_cast %get3A_18 : vector<1x64x128xf32> to vector<64x128xf32>
    %dot_general3A_20 = arith.constant dense<0.000000e+00> : vector<1x64xf32>
    %dot_general3A_21 = tpu.matmul %get3A_14, %get3A_19, %dot_general3A_20 {dimension_numbers = #tpu.dot_dimension_numbers<[1], [1], [0], [0], [0, 0, 1, 0], [], []>, transpose_lhs_hint = false} : vector<1x128xf32>, vector<64x128xf32>, vector<1x64xf32> -> vector<1x64xf32>
    %add3A_22 = arith.addf %add3A, %dot_general3A_21 : vector<1x64xf32>
    %get3A_23 = arith.constant 2 : index
    %get3A_24 = arith.constant 0 : index
    %get3A_25 = vector.load %arg0[%get3A_23, %get3A_24] : memref<6x128xf32, #tpu.memory_space<vmem>>, vector<1x128xf32>
    %get3A_26 = arith.constant 2 : index
    %get3A_27 = arith.constant 0 : index
    %get3A_28 = arith.constant 0 : index
    %get3A_29 = vector.load %arg1[%get3A_26, %get3A_27, %get3A_28] : memref<6x64x128xf32, #tpu.memory_space<vmem>>, vector<1x64x128xf32>
    %get3A_30 = vector.shape_cast %get3A_29 : vector<1x64x128xf32> to vector<64x128xf32>
    %dot_general3A_31 = arith.constant dense<0.000000e+00> : vector<1x64xf32>
    %dot_general3A_32 = tpu.matmul %get3A_25, %get3A_30, %dot_general3A_31 {dimension_numbers = #tpu.dot_dimension_numbers<[1], [1], [0], [0], [0, 0, 1, 0], [], []>, transpose_lhs_hint = false} : vector<1x128xf32>, vector<64x128xf32>, vector<1x64xf32> -> vector<1x64xf32>
    %add3A_33 = arith.addf %add3A_22, %dot_general3A_32 : vector<1x64xf32>
    %get3A_34 = arith.constant 3 : index
    %get3A_35 = arith.constant 0 : index
    %get3A_36 = vector.load %arg0[%get3A_34, %get3A_35] : memref<6x128xf32, #tpu.memory_space<vmem>>, vector<1x128xf32>
    %get3A_37 = arith.constant 3 : index
    %get3A_38 = arith.constant 0 : index
    %get3A_39 = arith.constant 0 : index
    %get3A_40 = vector.load %arg1[%get3A_37, %get3A_38, %get3A_39] : memref<6x64x128xf32, #tpu.memory_space<vmem>>, vector<1x64x128xf32>
    %get3A_41 = vector.shape_cast %get3A_40 : vector<1x64x128xf32> to vector<64x128xf32>
    %dot_general3A_42 = arith.constant dense<0.000000e+00> : vector<1x64xf32>
    %dot_general3A_43 = tpu.matmul %get3A_36, %get3A_41, %dot_general3A_42 {dimension_numbers = #tpu.dot_dimension_numbers<[1], [1], [0], [0], [0, 0, 1, 0], [], []>, transpose_lhs_hint = false} : vector<1x128xf32>, vector<64x128xf32>, vector<1x64xf32> -> vector<1x64xf32>
    %add3A_44 = arith.addf %add3A_33, %dot_general3A_43 : vector<1x64xf32>
    %get3A_45 = arith.constant 4 : index
    %get3A_46 = arith.constant 0 : index
    %get3A_47 = vector.load %arg0[%get3A_45, %get3A_46] : memref<6x128xf32, #tpu.memory_space<vmem>>, vector<1x128xf32>
    %get3A_48 = arith.constant 4 : index
    %get3A_49 = arith.constant 0 : index
    %get3A_50 = arith.constant 0 : index
    %get3A_51 = vector.load %arg1[%get3A_48, %get3A_49, %get3A_50] : memref<6x64x128xf32, #tpu.memory_space<vmem>>, vector<1x64x128xf32>
    %get3A_52 = vector.shape_cast %get3A_51 : vector<1x64x128xf32> to vector<64x128xf32>
    %dot_general3A_53 = arith.constant dense<0.000000e+00> : vector<1x64xf32>
    %dot_general3A_54 = tpu.matmul %get3A_47, %get3A_52, %dot_general3A_53 {dimension_numbers = #tpu.dot_dimension_numbers<[1], [1], [0], [0], [0, 0, 1, 0], [], []>, transpose_lhs_hint = false} : vector<1x128xf32>, vector<64x128xf32>, vector<1x64xf32> -> vector<1x64xf32>
    %add3A_55 = arith.addf %add3A_44, %dot_general3A_54 : vector<1x64xf32>
    %get3A_56 = arith.constant 5 : index
    %get3A_57 = arith.constant 0 : index
    %get3A_58 = vector.load %arg0[%get3A_56, %get3A_57] : memref<6x128xf32, #tpu.memory_space<vmem>>, vector<1x128xf32>
    %get3A_59 = arith.constant 5 : index
    %get3A_60 = arith.constant 0 : index
    %get3A_61 = arith.constant 0 : index
    %get3A_62 = vector.load %arg1[%get3A_59, %get3A_60, %get3A_61] : memref<6x64x128xf32, #tpu.memory_space<vmem>>, vector<1x64x128xf32>
    %get3A_63 = vector.shape_cast %get3A_62 : vector<1x64x128xf32> to vector<64x128xf32>
    %dot_general3A_64 = arith.constant dense<0.000000e+00> : vector<1x64xf32>
    %dot_general3A_65 = tpu.matmul %get3A_58, %get3A_63, %dot_general3A_64 {dimension_numbers = #tpu.dot_dimension_numbers<[1], [1], [0], [0], [0, 0, 1, 0], [], []>, transpose_lhs_hint = false} : vector<1x128xf32>, vector<64x128xf32>, vector<1x64xf32> -> vector<1x64xf32>
    %add3A_66 = arith.addf %add3A_55, %dot_general3A_65 : vector<1x64xf32>
    %reduce_max3A = arith.constant dense<0xFF800000> : vector<1xf32>
    %reduce_max3A_67 = vector.multi_reduction <maximumf>, %add3A_66, %reduce_max3A [1] : vector<1x64xf32> to vector<1xf32>
    %broadcast_in_dim3A_68 = vector.shape_cast %reduce_max3A_67 : vector<1xf32> to vector<1x1xf32>
    %sub3A = vector.broadcast %broadcast_in_dim3A_68 : vector<1x1xf32> to vector<1x64xf32>
    %sub3A_69 = arith.subf %add3A_66, %sub3A : vector<1x64xf32>
    %exp3A = math.exp %sub3A_69 : vector<1x64xf32>
    %reduce_sum3A_70 = arith.constant dense<0.000000e+00> : vector<1xf32>
    %reduce_sum3A_71 = vector.multi_reduction <add>, %exp3A, %reduce_sum3A_70 [1] : vector<1x64xf32> to vector<1xf32>
    %broadcast_in_dim3A_72 = vector.shape_cast %reduce_sum3A_71 : vector<1xf32> to vector<1x1xf32>
    %log3A = math.log %broadcast_in_dim3A_72 : vector<1x1xf32>
    %add3A_73 = arith.addf %broadcast_in_dim3A_68, %log3A : vector<1x1xf32>
    %sub3A_74 = vector.broadcast %add3A_73 : vector<1x1xf32> to vector<1x64xf32>
    %sub3A_75 = arith.subf %add3A_66, %sub3A_74 : vector<1x64xf32>
    %swap3A = arith.constant 0 : index
    %swap3A_76 = arith.constant 0 : index
    %swap3A_77 = vector.load %arg3[%swap3A, %swap3A_76] : memref<1x64xf32, #tpu.memory_space<vmem>>, vector<1x64xf32>
    tpu.vector_store %arg3[%swap3A, %swap3A_76], %sub3A_75 {strides = array<i32>} : memref<1x64xf32, #tpu.memory_space<vmem>>, vector<1x64xf32>,
    %get3A_78 = arith.constant 1 : index
    %get3A_79 = arith.constant 0 : index
    %get3A_80 = vector.load %arg0[%get3A_78, %get3A_79] : memref<6x128xf32, #tpu.memory_space<vmem>>, vector<1x128xf32>
    %get3A_81 = arith.constant 2 : index
    %get3A_82 = arith.constant 0 : index
    %get3A_83 = vector.load %arg0[%get3A_81, %get3A_82] : memref<6x128xf32, #tpu.memory_space<vmem>>, vector<1x128xf32>
    %add3A_84 = arith.addf %get3A_80, %get3A_83 : vector<1x128xf32>
    %get3A_85 = arith.constant 3 : index
    %get3A_86 = arith.constant 0 : index
    %get3A_87 = vector.load %arg0[%get3A_85, %get3A_86] : memref<6x128xf32, #tpu.memory_space<vmem>>, vector<1x128xf32>
    %add3A_88 = arith.addf %add3A_84, %get3A_87 : vector<1x128xf32>
    %get3A_89 = arith.constant 4 : index
    %get3A_90 = arith.constant 0 : index
    %get3A_91 = vector.load %arg0[%get3A_89, %get3A_90] : memref<6x128xf32, #tpu.memory_space<vmem>>, vector<1x128xf32>
    %add3A_92 = arith.addf %add3A_88, %get3A_91 : vector<1x128xf32>
    %get3A_93 = arith.constant 5 : index
    %get3A_94 = arith.constant 0 : index
    %get3A_95 = vector.load %arg0[%get3A_93, %get3A_94] : memref<6x128xf32, #tpu.memory_space<vmem>>, vector<1x128xf32>
    %add3A_96 = arith.addf %add3A_92, %get3A_95 : vector<1x128xf32>
    %mul3A = arith.constant 2.000000e-01 : f32
    %mul3A_97 = vector.broadcast %mul3A : f32 to vector<1x128xf32>
    %mul3A_98 = arith.mulf %add3A_96, %mul3A_97 : vector<1x128xf32>
    %swap3A_99 = arith.constant 0 : index
    %swap3A_100 = arith.constant 0 : index
    %swap3A_101 = vector.load %arg4[%swap3A_99, %swap3A_100] : memref<1x128xf32, #tpu.memory_space<vmem>>, vector<1x128xf32>
    tpu.vector_store %arg4[%swap3A_99, %swap3A_100], %mul3A_98 {strides = array<i32>} : memref<1x128xf32, #tpu.memory_space<vmem>>, vector<1x128xf32>,
    return
  }
}

</mosaic_0001>

<sc_bundles>
// kernel: kernel.15.cloned.1.call-start
scs
__scs_entry_jumppad:
0x0: {  	(pc) =	sbr.rel $0x88, $3  }
0x1: {  	(tag) =	ssettag $0x0;
	lr =	simm.s32 $0x1  }
0x2: {  	[smem:$0x3F99] =	sst lr;
	_ =	strace $0xD0000000  }
0x3: {  	_ = 	snop  }
0x4: {  	_ = 	snop  }
0x5: {  	_ = 	snop  }
0x6: {  	_ = 	snop  }
0x7: {  	_ = 	snop  }
__scs_overlays_trampoline_lowered:
0x8: {  	[smem:$0x3FA8] =	sst s0  }
0x9: {  	[smem:$0x3FA9] =	sst s1  }
0xa: {  	[smem:$0x3FAA] =	sst s2  }
0xb: {  	[smem:$0x3FAB] =	sst s3  }
0xc: {  	[smem:$0x3FAC] =	sst s4  }
0xd: {  	[smem:$0x3FAD] =	sst s5  }
0xe: {  	[smem:$0x3FAE] =	sst s6  }
0xf: {  	[smem:$0x3FAF] =	sst s7  }
0x10: {  	[smem:$0x3FB0] =	sst s8  }
0x11: {  	[smem:$0x3FB1] =	sst s9;
	s0 =	simm.s32 @!p0 $0x0  }
0x12: {  	s1 =	sld [smem:$0x3F97];
	s0 =	simm.s32 @p0 $0x1  }
0x13: {  	[smem:$0x3FB2] =	sst s0;
	s0 =	simm.s32 @!p1 $0x0  }
0x14: {  	s2 =	sld [smem:$0x3F96];
	s0 =	simm.s32 @p1 $0x1  }
0x15: {  	[smem:$0x3FB3] =	sst s0;
	s0 =	simm.s32 @!p2 $0x0  }
0x16: {  	s3 =	sld [smem:$0x3FDB];
	s0 =	simm.s32 @p2 $0x1  }
0x17: {  	s4 =	simm.s32 $0x1BF5;
	[smem:$0x3FB5] =	sst s0  }
0x18: {  	s0 =	sld [smem:$0x3F98];
	_ =	swait.ge [sflag:s4], $0x0  }
0x19: {  	s7 =	sld [smem:$0x3F99]  }
0x1a: {  	s8 =	sadd.s32 $0xFFFFE003, lr  }
0x1b: {  	s9 =	sadd.s32 $0xFFFFFEF7, lr;
	s5 =	simm.s32 $0xFFFFFFFF;
	p2 =	slt.u32 s8, $0xFFFFF086  }
0x1c: {  	p1 =	slt.u32 s9, $0xF7A;
	s5 =	simm.s32 @!p2 $0x0  }
0x1d: {  	s5 =	simm.s32 @p1 $0x1;
	p0 =	seq.s32 s7, s2  }
0x1e: {  	s7 =	smul.u32 @!p0 $0xF7A, s2;
	p2 =	seq.s32 @!p0 s5, $0x0  }
0x1f: {  	s9 =	smul.u32 $0xF7A, s1;
	s8 =	simm.s32 @!p0 $0x1BF5;
	p2 =	por !p2, p0  }
0x20: {  	[sflag:s8] =	ssyncset.s32 @!p0 $0xFFFFF086;
	s6 =	sadd.s32 @!p0 s3, s7;
	s7 =	simm.s32 @!p0 $0x108  }
0x21: {  	s3 =	sadd.s32 s3, s9;
	s6 =	sadd.s32 @!p0 $0x88, s6;
	s7 =	simm.s32 @p2 $0x1082  }
0x22: {  	[simem:s7], [sflag:s8] =	dma.local @!p0 [hbm:s6], $0xF7A  }
0x23: {  	s9 =	sor.u32 $0xD0000000, s2;
	s6 =	simm.s32 $0x108;
	_ =	swait.ge @!p0 [sflag:s8], $0x0  }
0x24: {  	s3 =	sadd.s32 $0x88, s3;
	s6 =	simm.s32 @!p1 $0x1082;
	[sflag:s4] =	ssyncset.s32 $0xFFFFF086  }
0x25: {  	[simem:s6], [sflag:s4] =	dma.local [hbm:s3], $0xF7A  }
0x26: {  	[smem:$0x3F99] =	sst s1;
	(tag) =	ssettag s2;
	_ =	strace s9  }
0x27: {  	s1 =	sld [smem:$0x3FA9]  }
0x28: {  	s2 =	sld [smem:$0x3FAA]  }
0x29: {  	s4 =	sld [smem:$0x3FAC]  }
0x2a: {  	p0 =	seq.s32 s5, $0x0;
	s5 =	sld [smem:$0x3FAD]  }
0x2b: {  	s6 =	sld [smem:$0x3FAE]  }
0x2c: {  	s7 =	sld [smem:$0x3FAF]  }
0x2d: {  	s3 =	simm.s32 $0x108;
	s8 =	sld [smem:$0x3FB0]  }
0x2e: {  	s3 =	simm.s32 @!p0 $0x1082;
	s9 =	sld [smem:$0x3FB1]  }
0x2f: {  	lr =	sadd.s32 s0, s3;
	s0 =	sld [smem:$0x3FA8]  }
0x30: {  	s3 =	sld [smem:$0x3FAB]  }
0x31: {  	[smem:$0x3FB4] =	sst s10  }
0x32: {  	s10 =	sld [smem:$0x3FB2];
	_ =	sdelay $0x3  }
0x33: {  	p0 =	seq.s32 s10, $0x1;
	s10 =	sld [smem:$0x3FB4];
	_ =	sdelay $0x3  }
0x34: {  	[smem:$0x3FB4] =	sst s10  }
0x35: {  	s10 =	sld [smem:$0x3FB3];
	_ =	sdelay $0x3  }
0x36: {  	p1 =	seq.s32 s10, $0x1;
	s10 =	sld [smem:$0x3FB4];
	_ =	sdelay $0x3  }
0x37: {  	[smem:$0x3FB4] =	sst s10  }
0x38: {  	s10 =	sld [smem:$0x3FB5]  }
0x39: {  	_ = 	snop;
	(pc) =	sbr.ind lr, $3  }
0x3a: {  	_ = 	snop  }
0x3b: {  	_ = 	snop  }
0x3c: {  	p2 =	seq.s32 s10, $0x1;
	s10 =	sld [smem:$0x3FB4]  }
0x3d: {  	_ =	shalt  }
0x3e: {  	_ =	shalt  }
0x3f: {  	_ =	shalt  }
0x40: {  	_ =	shalt  }
0x41: {  	_ =	shalt  }
0x42: {  	_ =	shalt  }
0x43: {  	_ =	shalt  }
0x44: {  	_ =	shalt  }
0x45: {  	_ =	shalt  }
0x46: {  	_ =	shalt  }
0x47: {  	_ =	shalt  }
0x48: {  	_ =	shalt  }
0x49: {  	_ =	shalt  }
0x4a: {  	_ =	shalt  }
0x4b: {  	_ =	shalt  }
0x4c: {  	_ =	shalt  }
0x4d: {  	_ =	shalt  }
0x4e: {  	_ =	shalt  }
0x4f: {  	_ =	shalt  }
0x50: {  	_ =	shalt  }
0x51: {  	_ =	shalt  }
0x52: {  	_ =	shalt  }
0x53: {  	_ =	shalt  }
0x54: {  	_ =	shalt  }
0x55: {  	_ =	shalt  }
0x56: {  	_ =	shalt  }
0x57: {  	_ =	shalt  }
0x58: {  	_ =	shalt  }
0x59: {  	_ =	shalt  }
0x5a: {  	_ =	shalt  }
0x5b: {  	_ =	shalt  }
0x5c: {  	_ =	shalt  }
0x5d: {  	_ =	shalt  }
0x5e: {  	_ =	shalt  }
0x5f: {  	_ =	shalt  }
0x60: {  	_ =	shalt  }
0x61: {  	_ =	shalt  }
0x62: {  	_ =	shalt  }
0x63: {  	_ =	shalt  }
0x64: {  	_ =	shalt  }
0x65: {  	_ =	shalt  }
0x66: {  	_ =	shalt  }
0x67: {  	_ =	shalt  }
0x68: {  	_ =	shalt  }
0x69: {  	_ =	shalt  }
0x6a: {  	_ =	shalt  }
0x6b: {  	_ =	shalt  }
0x6c: {  	_ =	shalt  }
0x6d: {  	_ =	shalt  }
0x6e: {  	_ =	shalt  }
0x6f: {  	_ =	shalt  }
0x70: {  	_ =	shalt  }
0x71: {  	_ =	shalt  }
0x72: {  	_ =	shalt  }
0x73: {  	_ =	shalt  }
0x74: {  	_ =	shalt  }
0x75: {  	_ =	shalt  }
0x76: {  	_ =	shalt  }
0x77: {  	_ =	shalt  }
0x78: {  	_ =	shalt  }
0x79: {  	_ =	shalt  }
0x7a: {  	_ =	shalt  }
0x7b: {  	_ =	shalt  }
0x7c: {  	_ =	shalt  }
0x7d: {  	_ =	shalt  }
0x7e: {  	_ =	shalt  }
0x7f: {  	_ =	shalt  }
0x80: {  	_ =	shalt  }
0x81: {  	_ =	shalt  }
0x82: {  	_ =	shalt  }
0x83: {  	_ =	shalt  }
0x84: {  	_ =	shalt  }
0x85: {  	_ =	shalt  }
0x86: {  	_ =	shalt  }
0x87: {  	_ =	shalt  }
.Lfunc_end0:
.L_simem_size_0:
called_computation_lowered:
.L_overlay_start_0:
0x88: {  	s2 =	sld [smem:$0x3FD9]  }
0x89: {  	s3 =	sld [smem:$0x3FFE];
	_ =	sdelay $0x1  }
0x8a: {  	s1 =	srdreg.scid  }
0x8b: {  	s0 =	sand.u32 $0x1, s1  }
0x8c: {  	s16 =	sshll.u32 s0, $0xA;
	s2 =	sadd.s32 s3, s2  }
0x8d: {  	s2 =	sadd.s32 s2, s16  }
0x8e: {  	[smem:$0x3FC0] =	sst s2  }
0x8f: {  	_ = 	snop  }
0x90: {  	(tm) =	ssettm $0x1  }
0x91: {  	s17 =	sld [smem:$0x3FFB];
	_ =	sdelay $0x3  }
0x92: {  	_ =	strace s17  }
0x93: {  	s2 =	sld [smem:$0x3FFC];
	_ =	sdelay $0x3  }
0x94: {  	_ =	strace s2  }
0x95: {  	s2 =	sld [smem:$0x3FFD];
	_ =	sdelay $0x3  }
0x96: {  	_ =	strace s2  }
0x97: {  	_ =	strace $0x8FFFFFFF  }
0x98: {  	s18 =	sld [smem:$0x3FDB];
	_ =	sdelay $0x1  }
0x99: {  	s19 =	simm.s32 $_scs_section_size  }
0x9a: {  	s4 =	simm.s32 $_size__tile_overlayer_lowered;
	s5 =	simm.s32 $_tile_overlayer_lowered  }
0x9b: {  	s22 =	simm.s32 $0x1BFF;
	s21 =	sshll.u32 s5, $0x1;
	s2 =	sadd.s32 s19, s18  }
0x9c: {  	s6 =	simm.s32 $0x0;
	s20 =	sshll.u32 s4, $0x1;
	s4 =	sadd.s32 s21, s2  }
0x9d: {  	[timem:s6], [sflag:s22] =	dma.local [hbm:s4], s20  }
0x9e: {  	_ =	swait.ge [sflag:s22], s20  }
0x9f: {  	s3 =	ssub.s32 $0x0, s20;
	[sflag:s22] =	ssyncset.done $0x0  }
0xa0: {  	[sflag:s22] =	ssyncadd.s32 s3;
	_ =	sdelay $0x1  }
0xa1: {  	s23 =	simm.s32 $0x1B8B  }
0xa2: {  	_ =	swait.ge [sflag:s23], $0x1  }
0xa3: {  	[sflag:s23] =	ssyncset.done $0x0  }
0xa4: {  	s25 =	simm.s32 $0x1B8E;
	s24 =	sld [smem:$0x3FFE];
	[sflag:s23] =	ssyncadd.s32 $0xFFFFFFFF  }
0xa5: {  	s26 =	simm.s32 $execute0_lowered;
	[smem:$0x3FD2] =	sst s25  }
0xa6: {  	s4 =	sshll.u32 s26, $0x1;
	_ =	strace $0x80000046;
	[dreg:$0x1] =	wrdreg $0xFFFFFFFF  }
0xa7: {  	s28 =	simm.s32 $_size_execute0_lowered;
	s2 =	sadd.s32 s2, s4;
	[dreg:$0x0] =	wrdreg $0x0  }
0xa8: {  	s4 =	sshll.u32 s28, $0x1;
	[dreg:$0x2] =	wrdreg s2  }
0xa9: {  	[dreg:$0x3] =	wrdreg s4  }
0xaa: {  	[dreg:$0x4] =	wrdreg $0xC0  }
0xab: {  	_ =	task [dreg:s6], $0x5FFFF  }
0xac: {  	[dreg:$0x1] =	wrdreg $0xFFFFFFFF  }
0xad: {  	[dreg:$0x0] =	wrdreg $0x60  }
0xae: {  	[dreg:$0x2] =	wrdreg s24  }
0xaf: {  	[dreg:$0x3] =	wrdreg $0x0  }
0xb0: {  	[dreg:$0x4] =	wrdreg $0x9  }
0xb1: {  	_ =	task.clear_ibuf [dreg:s6], $0x5FFFF;
	_ =	strace $0x90000046  }
0xb2: {  	s29 =	simm.s32 $0x9;
	_ =	strace $0x80000048  }
0xb3: {  	_ =	swait.ge [sflag:s29], $0x1  }
0xb4: {  	[sflag:s29] =	ssyncadd.s32 $0xFFFFFFFF  }
0xb5: {  	_ =	strace $0x90000048  }
0xb6: {  	_ =	sfence  }
0xb7: {  	s30 =	sld [smem:$0x0];
	_ =	sdelay $0x2  }
0xb8: {  	s31 =	sshll.u32 s1, $0xD;
	s1 =	sshrl.u32 s1, $0x2  }
0xb9: {  	s3 =	sand.u32 $0x4000, s31;
	s1 =	sadd.s32 s1, s30  }
0xba: {  	s0 =	sor.u32 s3, s0;
	s1 =	sshll.u32 s1, $0x11  }
0xbb: {  	s0 =	sor.u32 s1, s0  }
0xbc: {  	s0 =	sadd.s32 $0x8F2B, s0  }
0xbd: {  	[sflag:s0] =	ssyncadd.remote.s32 $0x1  }
0xbe: {  	_ =	sfence.sel $0xFFFF  }
0xbf: {  	[dreg:$0x0] =	wrdreg $0xFFFFFFFF;
	(pc) =	sbr.abs _section_cstart, $3  }
0xc0: {  	[dreg:$0x1] =	wrdreg $0xFFFFFFFF  }
0xc1: {  	_ =	task.clear_ibuf [dreg:s6], $0x2FFFF;
	_ =	strace $0x9FFFFFFF  }
0xc2: {  	(tm) =	ssettm $0x7FFFFFFF  }
0xc3: {  	_ =	shalt  }
tec
execute0_lowered:
.L_overlay_start_1:
0x0: {  	(tag) =	ssettag $0x1  }
0x1: {  	s0 =	srdreg.scid;
	s8 =	rddreg [dreg:$0x0]  }
0x2: {  	s2 =	rddreg [dreg:$0x1];
	s1 =	stileid.u32;
	s3 =	simm.s32 $0x0  }
0x3: {  	s14 =	simm.s32 $0x80;
	s6 =	sand.u32 $0x1, s0;
	s0 =	rddreg [dreg:$0x2]  }
0x4: {  	s15 =	simm.s32 $0x1;
	s16 =	simm.s32 $0x0;
	[smem:$0x7FF] =	sst s3  }
0x5: {  	s9 =	smul.u32 $0x50000, s1;
	s5 =	sadd.s32 $0x10800, s8;
	s31 =	sshll.u32 s1, $0x6  }
0x6: {  	s13 =	smul.u32 $0x2800, s1;
	s4 =	sshll.u32 s6, $0x4;
	_ =	strace $0x80000047  }
0x7: {  	s7 =	ssub.s32 $0x2, s6;
	p0 =	seq.s32 s6, $0x1;
	s6 =	sor.u32 $0x1C02, s31  }
0x8: {  	s4 =	sor.u32 s1, s4;
	s30 =	sshrl.u32 s9, $0x2;
	s9 =	simm.s32 $0x3B800  }
0x9: {  	s11 =	sshrl.u32 s7, $0x1;
	s4 =	smul.u32 $0x500, s4;
	s9 =	simm.s32 @!p0 $0x13800  }
0xa: {  	s11 =	ssub.s32 s7, s11;
	s12 =	sadd.s32 s30, s2;
	s9 =	sadd.s32 s9, s8  }
0xb: {  	s10 =	sadd.s32 s4, s8;
	s4 =	sadd.s32 $0x11000, s8;
	s8 =	smax.u32 s11, $0x1  }
0xc: {  	s9 =	sadd.s32 s9, s13;
	s11 =	simm.s32 $0x2;
	s13 =	simm.s32 $0x16800  }
0xd: {  	s7 =	sadd.s32 $0x6800, s10;
	s10 =	sshrl.u32 s12, $0x3;
	s12 =	simm.s32 $0x14000  }
.LBB2_1:
0xe: {  	[spmem:s10], [sflag:s6] =	dma.local [hbm:s4], $0x2800  }
0xf: {  	_ =	swait.ge [sflag:s11], $0x2800  }
0x10: {  	[sflag:s11] =	ssyncset.done $0x0  }
0x11: {  	[sflag:s11] =	ssyncadd.s32 $0xFFFFD800  }
0x12: {  	[tilespmem:s12], [sflag:$0x2] =	stream.linear.gather [hbm4b:s7+s3], $0x2800, $0x38;
	[tilespmem:$0x1A800] =	vst v63  }
0x13: {  	_ =	swait.ge [sflag:s11], $0x2800  }
0x14: {  	[sflag:s11] =	ssyncset.done $0x0  }
0x15: {  	[sflag:s11] =	ssyncadd.s32 $0xFFFFD800  }
0x16: {  	[tilespmem:s13], [sflag:$0x2] =	stream.linear.gather [hbm4b:s5+s3], $0x4000, $0x38;
	[tilespmem:$0x1A800] =	vst v63  }
0x17: {  	_ =	swait.ge [sflag:s11], $0x4000  }
0x18: {  	[sflag:s11] =	ssyncset.done $0x0  }
0x19: {  	[sflag:s11] =	ssyncadd.s32 $0xFFFFC000  }
0x1a: {  	s17 =	simm.s32 $0x0;
	[bflag:$0x0] =	sbarrier.arrive $0xFFFF  }
.LBB2_2:
0x1b: {  	p0 =	sne.s32 s17, $0x9E00  }
.Ltmp0:
0x1c: {  	_ = 	snop;
	(pc) =	sbr.rel @p0 .LBB2_2-.Ltmp0, $4  }
0x1d: {  	_ = 	snop  }
0x1e: {  	s18 =	sshra.s32 s17, $0x2  }
0x1f: {  	s17 =	sadd.s32 $0x200, s17;
	s18 =	sadd.s32 $0x14000, s18  }
0x20: {  	[spmem:s2] =	stream.indirect.scatter.add.f32 [tilespmem:s13], [sflag:$0x1], $0x80, s18, s14, $0xb8;
	[tilespmem:$0x1A800] =	vst v63  }
0x21: {  	_ =	swait.ge [sflag:s15], $0x4000  }
0x22: {  	s17 =	simm.s32 $0x4F;
	[sflag:s15] =	ssyncset.done $0x0  }
.LBB2_4:
0x23: {  	p0 =	sne.s32 s17, $0x1;
	s17 =	sadd.s32 $0xFFFFFFFF, s17;
	[sflag:s15] =	ssyncadd.s32 $0xFFFFC000  }
.Ltmp1:
0x24: {  	(pc) =	sbr.rel @p0 .LBB2_4-.Ltmp1, $3  }
0x25: {  	_ =	sdelay $0x1  }
0x26: {  	_ =	swait.ge [sflag:s15], $0x4000  }
0x27: {  	[sflag:s15] =	ssyncset.done $0x0  }
0x28: {  	s16 =	sadd.s32 $0x1, s16  }
0x29: {  	[sflag:s15] =	ssyncadd.s32 $0xFFFFC000;
	p0 =	sne.s32 s16, s8  }
.Ltmp2:
0x2a: {  	[bflag:$0x0] =	sbarrier.arrive $0xFFFF;
	(pc) =	sbr.rel @p0 .LBB2_1-.Ltmp2, $4  }
0x2b: {  	[hbm:s9], [sflag:s6] =	dma.local [spmem:s10], $0x2800  }
0x2c: {  	_ =	swait.ge [sflag:s11], $0x2800  }
0x2d: {  	[sflag:s11] =	ssyncset.done $0x0  }
0x2e: {  	[sflag:s11] =	ssyncadd.s32 $0xFFFFD800  }
0x2f: {  	_ =	sfence.sel $0x180000  }
0x30: {  	[bflag:$0x0] =	sbarrier.arrive $0xFFFF  }
0x31: {  	p0 =	sne.s32 s1, $0x0;
	_ =	strace $0x90000047  }
0x32: {  	s0 =	sadd.s32 @!p0 $0x100000, s0;
	[bflag:$0x2] =	sbarrier.arrive $0xFFFF  }
0x33: {  	[sflag:s0] =	ssyncadd.tile.s32 @!p0 $0x1;
	_ =	shalt  }
.Lfunc_end2:
_tile_overlayer_lowered:
.L_overlay_start_2:
0x34: {  	(tag) =	ssettag $0x2  }
0x35: {  	s0 =	rddreg [dreg:$0x0];
	s2 =	stileid.u32  }
0x36: {  	s1 =	rddreg [dreg:$0x1];
	p0 =	sne.s32 s2, $0x0  }
0x37: {  	s3 =	rddreg [dreg:$0x2];
	[bflag:$0x3] =	sbarrier.arrive $0xFFFF;
	s2 =	simm.s32 @!p0 $0x1C02  }
0x38: {  	[timem:s3], [sflag:s2] =	dma.local @!p0 [hbm:s0], s1  }
0x39: {  	s0 =	simm.s32 @!p0 $0x2  }
0x3a: {  	_ =	swait.ge @!p0 [sflag:s0], s1  }
0x3b: {  	s1 =	ssub.s32 @!p0 $0x0, s1;
	[sflag:s0] =	ssyncset.done @!p0 $0x0  }
0x3c: {  	[sflag:s0] =	ssyncadd.s32 @!p0 s1  }
0x3d: {  	[bflag:$0x3] =	sbarrier.arrive $0xFFFF  }
0x3e: {  	_ =	shalt  }

// kernel: kernel.18.cloned.1.call-start
scs
__scs_entry_jumppad:
0x0: {  	(pc) =	sbr.rel $0x88, $3  }
0x1: {  	(tag) =	ssettag $0x0;
	lr =	simm.s32 $0x1  }
0x2: {  	[smem:$0x3F99] =	sst lr;
	_ =	strace $0xD0000000  }
0x3: {  	_ = 	snop  }
0x4: {  	_ = 	snop  }
0x5: {  	_ = 	snop  }
0x6: {  	_ = 	snop  }
0x7: {  	_ = 	snop  }
__scs_overlays_trampoline_lowered:
0x8: {  	[smem:$0x3FA8] =	sst s0  }
0x9: {  	[smem:$0x3FA9] =	sst s1  }
0xa: {  	[smem:$0x3FAA] =	sst s2  }
0xb: {  	[smem:$0x3FAB] =	sst s3  }
0xc: {  	[smem:$0x3FAC] =	sst s4  }
0xd: {  	[smem:$0x3FAD] =	sst s5  }
0xe: {  	[smem:$0x3FAE] =	sst s6  }
0xf: {  	[smem:$0x3FAF] =	sst s7  }
0x10: {  	[smem:$0x3FB0] =	sst s8  }
0x11: {  	[smem:$0x3FB1] =	sst s9;
	s0 =	simm.s32 @!p0 $0x0  }
0x12: {  	s1 =	sld [smem:$0x3F97];
	s0 =	simm.s32 @p0 $0x1  }
0x13: {  	[smem:$0x3FB2] =	sst s0;
	s0 =	simm.s32 @!p1 $0x0  }
0x14: {  	s2 =	sld [smem:$0x3F96];
	s0 =	simm.s32 @p1 $0x1  }
0x15: {  	[smem:$0x3FB3] =	sst s0;
	s0 =	simm.s32 @!p2 $0x0  }
0x16: {  	s3 =	sld [smem:$0x3FDB];
	s0 =	simm.s32 @p2 $0x1  }
0x17: {  	s4 =	simm.s32 $0x1BF5;
	[smem:$0x3FB5] =	sst s0  }
0x18: {  	s0 =	sld [smem:$0x3F98];
	_ =	swait.ge [sflag:s4], $0x0  }
0x19: {  	s7 =	sld [smem:$0x3F99]  }
0x1a: {  	s8 =	sadd.s32 $0xFFFFE003, lr  }
0x1b: {  	s9 =	sadd.s32 $0xFFFFFEF7, lr;
	s5 =	simm.s32 $0xFFFFFFFF;
	p2 =	slt.u32 s8, $0xFFFFF086  }
0x1c: {  	p1 =	slt.u32 s9, $0xF7A;
	s5 =	simm.s32 @!p2 $0x0  }
0x1d: {  	s5 =	simm.s32 @p1 $0x1;
	p0 =	seq.s32 s7, s2  }
0x1e: {  	s7 =	smul.u32 @!p0 $0xF7A, s2;
	p2 =	seq.s32 @!p0 s5, $0x0  }
0x1f: {  	s9 =	smul.u32 $0xF7A, s1;
	s8 =	simm.s32 @!p0 $0x1BF5;
	p2 =	por !p2, p0  }
0x20: {  	[sflag:s8] =	ssyncset.s32 @!p0 $0xFFFFF086;
	s6 =	sadd.s32 @!p0 s3, s7;
	s7 =	simm.s32 @!p0 $0x108  }
0x21: {  	s3 =	sadd.s32 s3, s9;
	s6 =	sadd.s32 @!p0 $0x88, s6;
	s7 =	simm.s32 @p2 $0x1082  }
0x22: {  	[simem:s7], [sflag:s8] =	dma.local @!p0 [hbm:s6], $0xF7A  }
0x23: {  	s9 =	sor.u32 $0xD0000000, s2;
	s6 =	simm.s32 $0x108;
	_ =	swait.ge @!p0 [sflag:s8], $0x0  }
0x24: {  	s3 =	sadd.s32 $0x88, s3;
	s6 =	simm.s32 @!p1 $0x1082;
	[sflag:s4] =	ssyncset.s32 $0xFFFFF086  }
0x25: {  	[simem:s6], [sflag:s4] =	dma.local [hbm:s3], $0xF7A  }
0x26: {  	[smem:$0x3F99] =	sst s1;
	(tag) =	ssettag s2;
	_ =	strace s9  }
0x27: {  	s1 =	sld [smem:$0x3FA9]  }
0x28: {  	s2 =	sld [smem:$0x3FAA]  }
0x29: {  	s4 =	sld [smem:$0x3FAC]  }
0x2a: {  	p0 =	seq.s32 s5, $0x0;
	s5 =	sld [smem:$0x3FAD]  }
0x2b: {  	s6 =	sld [smem:$0x3FAE]  }
0x2c: {  	s7 =	sld [smem:$0x3FAF]  }
0x2d: {  	s3 =	simm.s32 $0x108;
	s8 =	sld [smem:$0x3FB0]  }
0x2e: {  	s3 =	simm.s32 @!p0 $0x1082;
	s9 =	sld [smem:$0x3FB1]  }
0x2f: {  	lr =	sadd.s32 s0, s3;
	s0 =	sld [smem:$0x3FA8]  }
0x30: {  	s3 =	sld [smem:$0x3FAB]  }
0x31: {  	[smem:$0x3FB4] =	sst s10  }
0x32: {  	s10 =	sld [smem:$0x3FB2];
	_ =	sdelay $0x3  }
0x33: {  	p0 =	seq.s32 s10, $0x1;
	s10 =	sld [smem:$0x3FB4];
	_ =	sdelay $0x3  }
0x34: {  	[smem:$0x3FB4] =	sst s10  }
0x35: {  	s10 =	sld [smem:$0x3FB3];
	_ =	sdelay $0x3  }
0x36: {  	p1 =	seq.s32 s10, $0x1;
	s10 =	sld [smem:$0x3FB4];
	_ =	sdelay $0x3  }
0x37: {  	[smem:$0x3FB4] =	sst s10  }
0x38: {  	s10 =	sld [smem:$0x3FB5]  }
0x39: {  	_ = 	snop;
	(pc) =	sbr.ind lr, $3  }
0x3a: {  	_ = 	snop  }
0x3b: {  	_ = 	snop  }
0x3c: {  	p2 =	seq.s32 s10, $0x1;
	s10 =	sld [smem:$0x3FB4]  }
0x3d: {  	_ =	shalt  }
0x3e: {  	_ =	shalt  }
0x3f: {  	_ =	shalt  }
0x40: {  	_ =	shalt  }
0x41: {  	_ =	shalt  }
0x42: {  	_ =	shalt  }
0x43: {  	_ =	shalt  }
0x44: {  	_ =	shalt  }
0x45: {  	_ =	shalt  }
0x46: {  	_ =	shalt  }
0x47: {  	_ =	shalt  }
0x48: {  	_ =	shalt  }
0x49: {  	_ =	shalt  }
0x4a: {  	_ =	shalt  }
0x4b: {  	_ =	shalt  }
0x4c: {  	_ =	shalt  }
0x4d: {  	_ =	shalt  }
0x4e: {  	_ =	shalt  }
0x4f: {  	_ =	shalt  }
0x50: {  	_ =	shalt  }
0x51: {  	_ =	shalt  }
0x52: {  	_ =	shalt  }
0x53: {  	_ =	shalt  }
0x54: {  	_ =	shalt  }
0x55: {  	_ =	shalt  }
0x56: {  	_ =	shalt  }
0x57: {  	_ =	shalt  }
0x58: {  	_ =	shalt  }
0x59: {  	_ =	shalt  }
0x5a: {  	_ =	shalt  }
0x5b: {  	_ =	shalt  }
0x5c: {  	_ =	shalt  }
0x5d: {  	_ =	shalt  }
0x5e: {  	_ =	shalt  }
0x5f: {  	_ =	shalt  }
0x60: {  	_ =	shalt  }
0x61: {  	_ =	shalt  }
0x62: {  	_ =	shalt  }
0x63: {  	_ =	shalt  }
0x64: {  	_ =	shalt  }
0x65: {  	_ =	shalt  }
0x66: {  	_ =	shalt  }
0x67: {  	_ =	shalt  }
0x68: {  	_ =	shalt  }
0x69: {  	_ =	shalt  }
0x6a: {  	_ =	shalt  }
0x6b: {  	_ =	shalt  }
0x6c: {  	_ =	shalt  }
0x6d: {  	_ =	shalt  }
0x6e: {  	_ =	shalt  }
0x6f: {  	_ =	shalt  }
0x70: {  	_ =	shalt  }
0x71: {  	_ =	shalt  }
0x72: {  	_ =	shalt  }
0x73: {  	_ =	shalt  }
0x74: {  	_ =	shalt  }
0x75: {  	_ =	shalt  }
0x76: {  	_ =	shalt  }
0x77: {  	_ =	shalt  }
0x78: {  	_ =	shalt  }
0x79: {  	_ =	shalt  }
0x7a: {  	_ =	shalt  }
0x7b: {  	_ =	shalt  }
0x7c: {  	_ =	shalt  }
0x7d: {  	_ =	shalt  }
0x7e: {  	_ =	shalt  }
0x7f: {  	_ =	shalt  }
0x80: {  	_ =	shalt  }
0x81: {  	_ =	shalt  }
0x82: {  	_ =	shalt  }
0x83: {  	_ =	shalt  }
0x84: {  	_ =	shalt  }
0x85: {  	_ =	shalt  }
0x86: {  	_ =	shalt  }
0x87: {  	_ =	shalt  }
.Lfunc_end0:
.L_simem_size_0:
called_computation.1_lowered:
.L_overlay_start_0:
0x88: {  	s2 =	sld [smem:$0x3FD9]  }
0x89: {  	s3 =	sld [smem:$0x3FFE];
	_ =	sdelay $0x1  }
0x8a: {  	s1 =	srdreg.scid  }
0x8b: {  	s0 =	sand.u32 $0x1, s1  }
0x8c: {  	s16 =	sshll.u32 s0, $0xA;
	s2 =	sadd.s32 s3, s2  }
0x8d: {  	s2 =	sadd.s32 s2, s16  }
0x8e: {  	[smem:$0x3FC0] =	sst s2  }
0x8f: {  	_ = 	snop  }
0x90: {  	(tm) =	ssettm $0x1  }
0x91: {  	s17 =	sld [smem:$0x3FFB];
	_ =	sdelay $0x3  }
0x92: {  	_ =	strace s17  }
0x93: {  	s2 =	sld [smem:$0x3FFC];
	_ =	sdelay $0x3  }
0x94: {  	_ =	strace s2  }
0x95: {  	s2 =	sld [smem:$0x3FFD];
	_ =	sdelay $0x3  }
0x96: {  	_ =	strace s2  }
0x97: {  	_ =	strace $0x8FFFFFFF  }
0x98: {  	s18 =	sld [smem:$0x3FDB];
	_ =	sdelay $0x1  }
0x99: {  	s19 =	simm.s32 $_scs_section_size  }
0x9a: {  	s4 =	simm.s32 $_size__tile_overlayer_lowered;
	s5 =	simm.s32 $_tile_overlayer_lowered  }
0x9b: {  	s22 =	simm.s32 $0x1BFF;
	s21 =	sshll.u32 s5, $0x1;
	s2 =	sadd.s32 s19, s18  }
0x9c: {  	s6 =	simm.s32 $0x0;
	s20 =	sshll.u32 s4, $0x1;
	s4 =	sadd.s32 s21, s2  }
0x9d: {  	[timem:s6], [sflag:s22] =	dma.local [hbm:s4], s20  }
0x9e: {  	_ =	swait.ge [sflag:s22], s20  }
0x9f: {  	s3 =	ssub.s32 $0x0, s20;
	[sflag:s22] =	ssyncset.done $0x0  }
0xa0: {  	[sflag:s22] =	ssyncadd.s32 s3;
	_ =	sdelay $0x1  }
0xa1: {  	s23 =	simm.s32 $0x1B8B  }
0xa2: {  	_ =	swait.ge [sflag:s23], $0x1  }
0xa3: {  	[sflag:s23] =	ssyncset.done $0x0  }
0xa4: {  	s25 =	simm.s32 $0x1B8E;
	s24 =	sld [smem:$0x3FFE];
	[sflag:s23] =	ssyncadd.s32 $0xFFFFFFFF  }
0xa5: {  	s26 =	simm.s32 $execute0_lowered;
	[smem:$0x3FD2] =	sst s25  }
0xa6: {  	s4 =	sshll.u32 s26, $0x1;
	_ =	strace $0x80000049;
	[dreg:$0x1] =	wrdreg $0xFFFFFFFF  }
0xa7: {  	s28 =	simm.s32 $_size_execute0_lowered;
	s2 =	sadd.s32 s2, s4;
	[dreg:$0x0] =	wrdreg $0x0  }
0xa8: {  	s4 =	sshll.u32 s28, $0x1;
	[dreg:$0x2] =	wrdreg s2  }
0xa9: {  	[dreg:$0x3] =	wrdreg s4  }
0xaa: {  	[dreg:$0x4] =	wrdreg $0xC0  }
0xab: {  	_ =	task [dreg:s6], $0x5FFFF  }
0xac: {  	[dreg:$0x1] =	wrdreg $0xFFFFFFFF  }
0xad: {  	[dreg:$0x0] =	wrdreg $0x60  }
0xae: {  	[dreg:$0x2] =	wrdreg s24  }
0xaf: {  	[dreg:$0x3] =	wrdreg $0x0  }
0xb0: {  	[dreg:$0x4] =	wrdreg $0x9  }
0xb1: {  	_ =	task.clear_ibuf [dreg:s6], $0x5FFFF;
	_ =	strace $0x90000049  }
0xb2: {  	s29 =	simm.s32 $0x9;
	_ =	strace $0x8000004B  }
0xb3: {  	_ =	swait.ge [sflag:s29], $0x1  }
0xb4: {  	[sflag:s29] =	ssyncadd.s32 $0xFFFFFFFF  }
0xb5: {  	_ =	strace $0x9000004B  }
0xb6: {  	_ =	sfence  }
0xb7: {  	s30 =	sld [smem:$0x0];
	_ =	sdelay $0x2  }
0xb8: {  	s31 =	sshll.u32 s1, $0xD;
	s1 =	sshrl.u32 s1, $0x2  }
0xb9: {  	s3 =	sand.u32 $0x4000, s31;
	s1 =	sadd.s32 s1, s30  }
0xba: {  	s0 =	sor.u32 s3, s0;
	s1 =	sshll.u32 s1, $0x11  }
0xbb: {  	s0 =	sor.u32 s1, s0  }
0xbc: {  	s0 =	sadd.s32 $0x8F2B, s0  }
0xbd: {  	[sflag:s0] =	ssyncadd.remote.s32 $0x1  }
0xbe: {  	_ =	sfence.sel $0xFFFF  }
0xbf: {  	[dreg:$0x0] =	wrdreg $0xFFFFFFFF;
	(pc) =	sbr.abs _section_cstart, $3  }
0xc0: {  	[dreg:$0x1] =	wrdreg $0xFFFFFFFF  }
0xc1: {  	_ =	task.clear_ibuf [dreg:s6], $0x2FFFF;
	_ =	strace $0x9FFFFFFF  }
0xc2: {  	(tm) =	ssettm $0x7FFFFFFF  }
0xc3: {  	_ =	shalt  }
tec
execute0_lowered:
.L_overlay_start_1:
0x0: {  	(tag) =	ssettag $0x1  }
0x1: {  	s0 =	srdreg.scid;
	s11 =	rddreg [dreg:$0x0]  }
0x2: {  	s2 =	rddreg [dreg:$0x1];
	s1 =	stileid.u32;
	s3 =	simm.s32 $0x0  }
0x3: {  	s17 =	simm.s32 $0x9F800;
	s18 =	simm.s32 $0x16880;
	s19 =	simm.s32 $0x80  }
0x4: {  	s20 =	simm.s32 $0x16900;
	s21 =	simm.s32 $0x14080;
	s22 =	simm.s32 $0x1A900  }
0x5: {  	s23 =	simm.s32 $0x1;
	s24 =	simm.s32 $0x3;
	s25 =	simm.s32 $0x2  }
0x6: {  	s26 =	simm.s32 $0x4;
	s28 =	simm.s32 $0x0;
	s10 =	sand.u32 $0x1, s0  }
0x7: {  	[smem:$0x7FF] =	sst s3;
	s7 =	smul.u32 $0x50000, s1;
	s13 =	sadd.s32 $0x6D800, s11  }
0x8: {  	s15 =	smul.u32 $0x2800, s1;
	s29 =	sshll.u32 s1, $0x6;
	s4 =	sshll.u32 s10, $0x4  }
0x9: {  	_ =	strace $0x8000004A;
	s9 =	ssub.s32 $0x2, s10;
	s16 =	smul.u32 $0x28000, s10  }
0xa: {  	p0 =	seq.s32 s10, $0x1;
	s4 =	sor.u32 s1, s4;
	s12 =	sshrl.u32 s9, $0x1  }
0xb: {  	s7 =	sshrl.u32 s7, $0x2;
	s17 =	simm.s32 @!p0 $0x77800;
	s5 =	smul.u32 $0x2800, s4  }
0xc: {  	s4 =	sadd.s32 $0x13800, s11;
	s12 =	ssub.s32 s9, s12;
	s14 =	sadd.s32 s7, s2  }
0xd: {  	s7 =	sor.u32 $0x1C05, s29;
	s16 =	sadd.s32 s15, s16;
	s10 =	smax.u32 s12, $0x1  }
0xe: {  	s30 =	sor.u32 $0x100, s16;
	s16 =	sor.u32 $0x180, s16;
	s14 =	sshrl.u32 s14, $0x3  }
0xf: {  	s6 =	sshrl.u32 s5, $0x3;
	s5 =	sadd.s32 $0x11000, s11;
	s12 =	sshrl.u32 s30, $0x3  }
0x10: {  	s31 =	sshrl.u32 s16, $0x3;
	s16 =	simm.s32 $0x14000;
	s8 =	sadd.s32 s6, s11  }
0x11: {  	s6 =	sadd.s32 s13, s6;
	s11 =	sadd.s32 s17, s11;
	s12 =	sadd.s32 s12, s13  }
0x12: {  	s13 =	sadd.s32 s31, s13;
	s17 =	simm.s32 $0x16800;
	s8 =	sadd.s32 $0x63800, s8  }
0x13: {  	s9 =	sadd.s32 $0x10, s6;
	s11 =	sadd.s32 s11, s15;
	s15 =	simm.s32 $0x5  }
.LBB2_1:
0x14: {  	[spmem:s14], [sflag:s7] =	dma.local [hbm:s5], $0x2800  }
0x15: {  	_ =	swait.ge [sflag:s15], $0x2800  }
0x16: {  	[sflag:s15] =	ssyncset.done $0x0  }
0x17: {  	[sflag:s15] =	ssyncadd.s32 $0xFFFFD800  }
0x18: {  	[tilespmem:s16], [sflag:$0x5] =	stream.linear.gather [hbm4b:s8+s3], $0x2800, $0x38;
	[tilespmem:$0x1E900] =	vst v63  }
0x19: {  	_ =	swait.ge [sflag:s15], $0x2800  }
0x1a: {  	[sflag:s15] =	ssyncset.done $0x0  }
0x1b: {  	[sflag:s15] =	ssyncadd.s32 $0xFFFFD800  }
0x1c: {  	[bflag:$0x0] =	sbarrier.arrive $0xFFFF  }
0x1d: {  	[tilespmem:s17], [sflag:$0x3] =	stream.linear.gather [hbm4b:s6+s3], $0x80, $0x38;
	[tilespmem:$0x1E900] =	vst v63  }
0x1e: {  	_ = 	snop  }
0x1f: {  	[tilespmem:s18], [sflag:$0x4] =	stream.linear.gather [hbm4b:s9+s3], $0x80, $0x38;
	[tilespmem:$0x1E900] =	vst v63  }
0x20: {  	_ = 	snop  }
0x21: {  	[tilespmem:s20], [sflag:$0x1] =	stream.indirect.gather [hbm4b:s4+s19], $0x80, s16, s19, $0xb8;
	[tilespmem:$0x1E900] =	vst v63  }
0x22: {  	_ = 	snop  }
0x23: {  	[tilespmem:s22], [sflag:$0x2] =	stream.indirect.gather [hbm4b:s4+s19], $0x80, s21, s19, $0xb8;
	[tilespmem:$0x1E900] =	vst v63  }
0x24: {  	_ =	swait.ge [sflag:s23], $0x4000  }
0x25: {  	[sflag:s23] =	ssyncset.done $0x0  }
0x26: {  	[sflag:s23] =	ssyncadd.s32 $0xFFFFC000  }
0x27: {  	_ =	swait.ge [sflag:s24], $0x80  }
0x28: {  	[sflag:s24] =	ssyncset.done $0x0  }
0x29: {  	[sflag:s24] =	ssyncadd.s32 $0xFFFFFF80  }
0x2a: {  	[spmem:s2] =	stream.indirect.scatter.add.f32 [tilespmem:s20], [sflag:$0x5], $0x80, s17, s19, $0xb8;
	[tilespmem:$0x1E900] =	vst v63  }
0x2b: {  	_ =	swait.ge [sflag:s15], $0x4000  }
0x2c: {  	[sflag:s15] =	ssyncset.done $0x0  }
0x2d: {  	s29 =	simm.s32 $0x14100;
	[sflag:s15] =	ssyncadd.s32 $0xFFFFC000  }
0x2e: {  	[tilespmem:s20], [sflag:$0x1] =	stream.indirect.gather [hbm4b:s4+s19], $0x80, s29, s19, $0xb8;
	[tilespmem:$0x1E900] =	vst v63  }
0x2f: {  	s29 =	sadd.s32 $0x0, s12  }
0x30: {  	[tilespmem:s17], [sflag:$0x3] =	stream.linear.gather [hbm4b:s29+s3], $0x80, $0x38;
	[tilespmem:$0x1E900] =	vst v63  }
0x31: {  	_ =	swait.ge [sflag:s25], $0x4000  }
0x32: {  	[sflag:s25] =	ssyncset.done $0x0  }
0x33: {  	[sflag:s25] =	ssyncadd.s32 $0xFFFFC000  }
0x34: {  	_ =	swait.ge [sflag:s26], $0x80  }
0x35: {  	[sflag:s26] =	ssyncset.done $0x0  }
0x36: {  	[sflag:s26] =	ssyncadd.s32 $0xFFFFFF80  }
0x37: {  	[spmem:s2] =	stream.indirect.scatter.add.f32 [tilespmem:s22], [sflag:$0x5], $0x80, s18, s19, $0xb8;
	[tilespmem:$0x1E900] =	vst v63  }
0x38: {  	_ =	swait.ge [sflag:s15], $0x4000  }
0x39: {  	[sflag:s15] =	ssyncset.done $0x0  }
0x3a: {  	s29 =	simm.s32 $0x14180;
	[sflag:s15] =	ssyncadd.s32 $0xFFFFC000  }
0x3b: {  	[tilespmem:s22], [sflag:$0x2] =	stream.indirect.gather [hbm4b:s4+s19], $0x80, s29, s19, $0xb8;
	[tilespmem:$0x1E900] =	vst v63  }
0x3c: {  	s31 =	sadd.s32 $0x0, s13;
	s30 =	simm.s32 $0x14200;
	s29 =	simm.s32 $0x20  }
.LBB2_2:
0x3d: {  	[tilespmem:s18], [sflag:$0x4] =	stream.linear.gather [hbm4b:s31+s3], $0x80, $0x38;
	[tilespmem:$0x1E900] =	vst v63  }
0x3e: {  	s31 =	smov.u32 s29  }
0x3f: {  	p0 =	sne.s32 s29, $0x4C0;
	s29 =	sadd.s32 $0x20, s29;
	_ =	swait.ge [sflag:s23], $0x4000  }
0x40: {  	[sflag:s23] =	ssyncset.done $0x0  }
0x41: {  	[sflag:s23] =	ssyncadd.s32 $0xFFFFC000  }
0x42: {  	_ =	swait.ge [sflag:s24], $0x80  }
0x43: {  	[sflag:s24] =	ssyncset.done $0x0  }
0x44: {  	[sflag:s24] =	ssyncadd.s32 $0xFFFFFF80  }
0x45: {  	[spmem:s2] =	stream.indirect.scatter.add.f32 [tilespmem:s20], [sflag:$0x5], $0x80, s17, s19, $0xb8;
	[tilespmem:$0x1E900] =	vst v63  }
0x46: {  	_ =	swait.ge [sflag:s15], $0x4000  }
0x47: {  	[sflag:s15] =	ssyncset.done $0x0  }
0x48: {  	[sflag:s15] =	ssyncadd.s32 $0xFFFFC000  }
0x49: {  	[tilespmem:s20], [sflag:$0x1] =	stream.indirect.gather [hbm4b:s4+s19], $0x80, s30, s19, $0xb8;
	[tilespmem:$0x1E900] =	vst v63  }
0x4a: {  	s0 =	sadd.s32 s31, s12  }
0x4b: {  	[tilespmem:s17], [sflag:$0x3] =	stream.linear.gather [hbm4b:s0+s3], $0x80, $0x38;
	[tilespmem:$0x1E900] =	vst v63  }
0x4c: {  	_ =	swait.ge [sflag:s25], $0x4000  }
0x4d: {  	[sflag:s25] =	ssyncset.done $0x0  }
0x4e: {  	[sflag:s25] =	ssyncadd.s32 $0xFFFFC000  }
0x4f: {  	_ =	swait.ge [sflag:s26], $0x80  }
0x50: {  	[sflag:s26] =	ssyncset.done $0x0  }
0x51: {  	[sflag:s26] =	ssyncadd.s32 $0xFFFFFF80  }
0x52: {  	[spmem:s2] =	stream.indirect.scatter.add.f32 [tilespmem:s22], [sflag:$0x5], $0x80, s18, s19, $0xb8;
	[tilespmem:$0x1E900] =	vst v63  }
.Ltmp0:
0x53: {  	_ =	swait.ge [sflag:s15], $0x4000;
	(pc) =	sbr.rel @p0 .LBB2_2-.Ltmp0, $4  }
0x54: {  	[sflag:s15] =	ssyncset.done $0x0  }
0x55: {  	s0 =	sadd.s32 $0x80, s30;
	[sflag:s15] =	ssyncadd.s32 $0xFFFFC000  }
0x56: {  	[tilespmem:s22], [sflag:$0x2] =	stream.indirect.gather [hbm4b:s4+s19], $0x80, s0, s19, $0xb8;
	[tilespmem:$0x1E900] =	vst v63  }
0x57: {  	s31 =	sadd.s32 s31, s13;
	s30 =	sadd.s32 $0x100, s30  }
0x58: {  	[tilespmem:s18], [sflag:$0x4] =	stream.linear.gather [hbm4b:s31+s3], $0x80, $0x38;
	[tilespmem:$0x1E900] =	vst v63  }
0x59: {  	_ =	swait.ge [sflag:s23], $0x4000  }
0x5a: {  	[sflag:s23] =	ssyncset.done $0x0  }
0x5b: {  	[sflag:s23] =	ssyncadd.s32 $0xFFFFC000  }
0x5c: {  	_ =	swait.ge [sflag:s24], $0x80  }
0x5d: {  	[sflag:s24] =	ssyncset.done $0x0  }
0x5e: {  	[sflag:s24] =	ssyncadd.s32 $0xFFFFFF80  }
0x5f: {  	[spmem:s2] =	stream.indirect.scatter.add.f32 [tilespmem:s20], [sflag:$0x5], $0x80, s17, s19, $0xb8;
	[tilespmem:$0x1E900] =	vst v63  }
0x60: {  	_ =	swait.ge [sflag:s15], $0x4000  }
0x61: {  	[sflag:s15] =	ssyncset.done $0x0  }
0x62: {  	[sflag:s15] =	ssyncadd.s32 $0xFFFFC000  }
0x63: {  	_ =	swait.ge [sflag:s25], $0x4000  }
0x64: {  	[sflag:s25] =	ssyncset.done $0x0  }
0x65: {  	[sflag:s25] =	ssyncadd.s32 $0xFFFFC000  }
0x66: {  	_ =	swait.ge [sflag:s26], $0x80  }
0x67: {  	[sflag:s26] =	ssyncset.done $0x0  }
0x68: {  	[sflag:s26] =	ssyncadd.s32 $0xFFFFFF80  }
0x69: {  	[spmem:s2] =	stream.indirect.scatter.add.f32 [tilespmem:s22], [sflag:$0x5], $0x80, s18, s19, $0xb8;
	[tilespmem:$0x1E900] =	vst v63  }
0x6a: {  	_ =	swait.ge [sflag:s15], $0x4000  }
0x6b: {  	s28 =	sadd.s32 $0x1, s28;
	[sflag:s15] =	ssyncset.done $0x0  }
0x6c: {  	p0 =	sne.s32 s28, s10;
	[sflag:s15] =	ssyncadd.s32 $0xFFFFC000  }
.Ltmp1:
0x6d: {  	[bflag:$0x0] =	sbarrier.arrive $0xFFFF;
	(pc) =	sbr.rel @p0 .LBB2_1-.Ltmp1, $4  }
0x6e: {  	[hbm:s11], [sflag:s7] =	dma.local [spmem:s14], $0x2800  }
0x6f: {  	_ =	swait.ge [sflag:s15], $0x2800  }
0x70: {  	[sflag:s15] =	ssyncset.done $0x0  }
0x71: {  	[sflag:s15] =	ssyncadd.s32 $0xFFFFD800  }
0x72: {  	_ =	sfence.sel $0x180000  }
0x73: {  	[bflag:$0x0] =	sbarrier.arrive $0xFFFF  }
0x74: {  	_ =	strace $0x9000004A  }
0x75: {  	[bflag:$0x2] =	sbarrier.arrive $0xFFFF  }
0x76: {  	p0 =	sne.s32 s1, $0x0;
	s0 =	rddreg [dreg:$0x2]  }
0x77: {  	s0 =	sadd.s32 @!p0 $0x100000, s0  }
0x78: {  	[sflag:s0] =	ssyncadd.tile.s32 @!p0 $0x1;
	_ =	shalt  }
.Lfunc_end2:
_tile_overlayer_lowered:
.L_overlay_start_2:
0x79: {  	(tag) =	ssettag $0x2  }
0x7a: {  	s0 =	rddreg [dreg:$0x0];
	s2 =	stileid.u32  }
0x7b: {  	s1 =	rddreg [dreg:$0x1];
	p0 =	sne.s32 s2, $0x0  }
0x7c: {  	s3 =	rddreg [dreg:$0x2];
	[bflag:$0x3] =	sbarrier.arrive $0xFFFF;
	s2 =	simm.s32 @!p0 $0x1C05  }
0x7d: {  	[timem:s3], [sflag:s2] =	dma.local @!p0 [hbm:s0], s1  }
0x7e: {  	s0 =	simm.s32 @!p0 $0x5  }
0x7f: {  	_ =	swait.ge @!p0 [sflag:s0], s1  }
0x80: {  	s1 =	ssub.s32 @!p0 $0x0, s1;
	[sflag:s0] =	ssyncset.done @!p0 $0x0  }
0x81: {  	[sflag:s0] =	ssyncadd.s32 @!p0 s1  }
0x82: {  	[bflag:$0x3] =	sbarrier.arrive $0xFFFF  }
0x83: {  	_ =	shalt  }

// kernel: kernel.21.cloned.1.call-start
scs
__scs_entry_jumppad:
0x0: {  	(pc) =	sbr.rel $0x88, $3  }
0x1: {  	(tag) =	ssettag $0x0;
	lr =	simm.s32 $0x1  }
0x2: {  	[smem:$0x3F99] =	sst lr;
	_ =	strace $0xD0000000  }
0x3: {  	_ = 	snop  }
0x4: {  	_ = 	snop  }
0x5: {  	_ = 	snop  }
0x6: {  	_ = 	snop  }
0x7: {  	_ = 	snop  }
__scs_overlays_trampoline_lowered:
0x8: {  	[smem:$0x3FA8] =	sst s0  }
0x9: {  	[smem:$0x3FA9] =	sst s1  }
0xa: {  	[smem:$0x3FAA] =	sst s2  }
0xb: {  	[smem:$0x3FAB] =	sst s3  }
0xc: {  	[smem:$0x3FAC] =	sst s4  }
0xd: {  	[smem:$0x3FAD] =	sst s5  }
0xe: {  	[smem:$0x3FAE] =	sst s6  }
0xf: {  	[smem:$0x3FAF] =	sst s7  }
0x10: {  	[smem:$0x3FB0] =	sst s8  }
0x11: {  	[smem:$0x3FB1] =	sst s9;
	s0 =	simm.s32 @!p0 $0x0  }
0x12: {  	s1 =	sld [smem:$0x3F97];
	s0 =	simm.s32 @p0 $0x1  }
0x13: {  	[smem:$0x3FB2] =	sst s0;
	s0 =	simm.s32 @!p1 $0x0  }
0x14: {  	s2 =	sld [smem:$0x3F96];
	s0 =	simm.s32 @p1 $0x1  }
0x15: {  	[smem:$0x3FB3] =	sst s0;
	s0 =	simm.s32 @!p2 $0x0  }
0x16: {  	s3 =	sld [smem:$0x3FDB];
	s0 =	simm.s32 @p2 $0x1  }
0x17: {  	s4 =	simm.s32 $0x1BF5;
	[smem:$0x3FB5] =	sst s0  }
0x18: {  	s0 =	sld [smem:$0x3F98];
	_ =	swait.ge [sflag:s4], $0x0  }
0x19: {  	s7 =	sld [smem:$0x3F99]  }
0x1a: {  	s8 =	sadd.s32 $0xFFFFE003, lr  }
0x1b: {  	s9 =	sadd.s32 $0xFFFFFEF7, lr;
	s5 =	simm.s32 $0xFFFFFFFF;
	p2 =	slt.u32 s8, $0xFFFFF086  }
0x1c: {  	p1 =	slt.u32 s9, $0xF7A;
	s5 =	simm.s32 @!p2 $0x0  }
0x1d: {  	s5 =	simm.s32 @p1 $0x1;
	p0 =	seq.s32 s7, s2  }
0x1e: {  	s7 =	smul.u32 @!p0 $0xF7A, s2;
	p2 =	seq.s32 @!p0 s5, $0x0  }
0x1f: {  	s9 =	smul.u32 $0xF7A, s1;
	s8 =	simm.s32 @!p0 $0x1BF5;
	p2 =	por !p2, p0  }
0x20: {  	[sflag:s8] =	ssyncset.s32 @!p0 $0xFFFFF086;
	s6 =	sadd.s32 @!p0 s3, s7;
	s7 =	simm.s32 @!p0 $0x108  }
0x21: {  	s3 =	sadd.s32 s3, s9;
	s6 =	sadd.s32 @!p0 $0x88, s6;
	s7 =	simm.s32 @p2 $0x1082  }
0x22: {  	[simem:s7], [sflag:s8] =	dma.local @!p0 [hbm:s6], $0xF7A  }
0x23: {  	s9 =	sor.u32 $0xD0000000, s2;
	s6 =	simm.s32 $0x108;
	_ =	swait.ge @!p0 [sflag:s8], $0x0  }
0x24: {  	s3 =	sadd.s32 $0x88, s3;
	s6 =	simm.s32 @!p1 $0x1082;
	[sflag:s4] =	ssyncset.s32 $0xFFFFF086  }
0x25: {  	[simem:s6], [sflag:s4] =	dma.local [hbm:s3], $0xF7A  }
0x26: {  	[smem:$0x3F99] =	sst s1;
	(tag) =	ssettag s2;
	_ =	strace s9  }
0x27: {  	s1 =	sld [smem:$0x3FA9]  }
0x28: {  	s2 =	sld [smem:$0x3FAA]  }
0x29: {  	s4 =	sld [smem:$0x3FAC]  }
0x2a: {  	p0 =	seq.s32 s5, $0x0;
	s5 =	sld [smem:$0x3FAD]  }
0x2b: {  	s6 =	sld [smem:$0x3FAE]  }
0x2c: {  	s7 =	sld [smem:$0x3FAF]  }
0x2d: {  	s3 =	simm.s32 $0x108;
	s8 =	sld [smem:$0x3FB0]  }
0x2e: {  	s3 =	simm.s32 @!p0 $0x1082;
	s9 =	sld [smem:$0x3FB1]  }
0x2f: {  	lr =	sadd.s32 s0, s3;
	s0 =	sld [smem:$0x3FA8]  }
0x30: {  	s3 =	sld [smem:$0x3FAB]  }
0x31: {  	[smem:$0x3FB4] =	sst s10  }
0x32: {  	s10 =	sld [smem:$0x3FB2];
	_ =	sdelay $0x3  }
0x33: {  	p0 =	seq.s32 s10, $0x1;
	s10 =	sld [smem:$0x3FB4];
	_ =	sdelay $0x3  }
0x34: {  	[smem:$0x3FB4] =	sst s10  }
0x35: {  	s10 =	sld [smem:$0x3FB3];
	_ =	sdelay $0x3  }
0x36: {  	p1 =	seq.s32 s10, $0x1;
	s10 =	sld [smem:$0x3FB4];
	_ =	sdelay $0x3  }
0x37: {  	[smem:$0x3FB4] =	sst s10  }
0x38: {  	s10 =	sld [smem:$0x3FB5]  }
0x39: {  	_ = 	snop;
	(pc) =	sbr.ind lr, $3  }
0x3a: {  	_ = 	snop  }
0x3b: {  	_ = 	snop  }
0x3c: {  	p2 =	seq.s32 s10, $0x1;
	s10 =	sld [smem:$0x3FB4]  }
0x3d: {  	_ =	shalt  }
0x3e: {  	_ =	shalt  }
0x3f: {  	_ =	shalt  }
0x40: {  	_ =	shalt  }
0x41: {  	_ =	shalt  }
0x42: {  	_ =	shalt  }
0x43: {  	_ =	shalt  }
0x44: {  	_ =	shalt  }
0x45: {  	_ =	shalt  }
0x46: {  	_ =	shalt  }
0x47: {  	_ =	shalt  }
0x48: {  	_ =	shalt  }
0x49: {  	_ =	shalt  }
0x4a: {  	_ =	shalt  }
0x4b: {  	_ =	shalt  }
0x4c: {  	_ =	shalt  }
0x4d: {  	_ =	shalt  }
0x4e: {  	_ =	shalt  }
0x4f: {  	_ =	shalt  }
0x50: {  	_ =	shalt  }
0x51: {  	_ =	shalt  }
0x52: {  	_ =	shalt  }
0x53: {  	_ =	shalt  }
0x54: {  	_ =	shalt  }
0x55: {  	_ =	shalt  }
0x56: {  	_ =	shalt  }
0x57: {  	_ =	shalt  }
0x58: {  	_ =	shalt  }
0x59: {  	_ =	shalt  }
0x5a: {  	_ =	shalt  }
0x5b: {  	_ =	shalt  }
0x5c: {  	_ =	shalt  }
0x5d: {  	_ =	shalt  }
0x5e: {  	_ =	shalt  }
0x5f: {  	_ =	shalt  }
0x60: {  	_ =	shalt  }
0x61: {  	_ =	shalt  }
0x62: {  	_ =	shalt  }
0x63: {  	_ =	shalt  }
0x64: {  	_ =	shalt  }
0x65: {  	_ =	shalt  }
0x66: {  	_ =	shalt  }
0x67: {  	_ =	shalt  }
0x68: {  	_ =	shalt  }
0x69: {  	_ =	shalt  }
0x6a: {  	_ =	shalt  }
0x6b: {  	_ =	shalt  }
0x6c: {  	_ =	shalt  }
0x6d: {  	_ =	shalt  }
0x6e: {  	_ =	shalt  }
0x6f: {  	_ =	shalt  }
0x70: {  	_ =	shalt  }
0x71: {  	_ =	shalt  }
0x72: {  	_ =	shalt  }
0x73: {  	_ =	shalt  }
0x74: {  	_ =	shalt  }
0x75: {  	_ =	shalt  }
0x76: {  	_ =	shalt  }
0x77: {  	_ =	shalt  }
0x78: {  	_ =	shalt  }
0x79: {  	_ =	shalt  }
0x7a: {  	_ =	shalt  }
0x7b: {  	_ =	shalt  }
0x7c: {  	_ =	shalt  }
0x7d: {  	_ =	shalt  }
0x7e: {  	_ =	shalt  }
0x7f: {  	_ =	shalt  }
0x80: {  	_ =	shalt  }
0x81: {  	_ =	shalt  }
0x82: {  	_ =	shalt  }
0x83: {  	_ =	shalt  }
0x84: {  	_ =	shalt  }
0x85: {  	_ =	shalt  }
0x86: {  	_ =	shalt  }
0x87: {  	_ =	shalt  }
.Lfunc_end0:
.L_simem_size_0:
called_computation.2_lowered:
.L_overlay_start_0:
0x88: {  	s2 =	sld [smem:$0x3FD9]  }
0x89: {  	s3 =	sld [smem:$0x3FFE];
	_ =	sdelay $0x1  }
0x8a: {  	s1 =	srdreg.scid  }
0x8b: {  	s0 =	sand.u32 $0x1, s1  }
0x8c: {  	s16 =	sshll.u32 s0, $0xA;
	s2 =	sadd.s32 s3, s2  }
0x8d: {  	s2 =	sadd.s32 s2, s16  }
0x8e: {  	[smem:$0x3FC0] =	sst s2  }
0x8f: {  	_ = 	snop  }
0x90: {  	(tm) =	ssettm $0x1  }
0x91: {  	s17 =	sld [smem:$0x3FFB];
	_ =	sdelay $0x3  }
0x92: {  	_ =	strace s17  }
0x93: {  	s2 =	sld [smem:$0x3FFC];
	_ =	sdelay $0x3  }
0x94: {  	_ =	strace s2  }
0x95: {  	s2 =	sld [smem:$0x3FFD];
	_ =	sdelay $0x3  }
0x96: {  	_ =	strace s2  }
0x97: {  	_ =	strace $0x8FFFFFFF  }
0x98: {  	s18 =	sld [smem:$0x3FDB];
	_ =	sdelay $0x1  }
0x99: {  	s19 =	simm.s32 $_scs_section_size  }
0x9a: {  	s4 =	simm.s32 $_size__tile_overlayer_lowered;
	s5 =	simm.s32 $_tile_overlayer_lowered  }
0x9b: {  	s22 =	simm.s32 $0x1BFF;
	s21 =	sshll.u32 s5, $0x1;
	s2 =	sadd.s32 s19, s18  }
0x9c: {  	s6 =	simm.s32 $0x0;
	s20 =	sshll.u32 s4, $0x1;
	s4 =	sadd.s32 s21, s2  }
0x9d: {  	[timem:s6], [sflag:s22] =	dma.local [hbm:s4], s20  }
0x9e: {  	_ =	swait.ge [sflag:s22], s20  }
0x9f: {  	s3 =	ssub.s32 $0x0, s20;
	[sflag:s22] =	ssyncset.done $0x0  }
0xa0: {  	[sflag:s22] =	ssyncadd.s32 s3;
	_ =	sdelay $0x1  }
0xa1: {  	s23 =	simm.s32 $0x1B8B  }
0xa2: {  	_ =	swait.ge [sflag:s23], $0x1  }
0xa3: {  	[sflag:s23] =	ssyncset.done $0x0  }
0xa4: {  	s25 =	simm.s32 $0x1B8E;
	s24 =	sld [smem:$0x3FFE];
	[sflag:s23] =	ssyncadd.s32 $0xFFFFFFFF  }
0xa5: {  	s26 =	simm.s32 $execute0_lowered;
	[smem:$0x3FD2] =	sst s25  }
0xa6: {  	s4 =	sshll.u32 s26, $0x1;
	_ =	strace $0x8000004C;
	[dreg:$0x1] =	wrdreg $0xFFFFFFFF  }
0xa7: {  	s28 =	simm.s32 $_size_execute0_lowered;
	s2 =	sadd.s32 s2, s4;
	[dreg:$0x0] =	wrdreg $0x0  }
0xa8: {  	s4 =	sshll.u32 s28, $0x1;
	[dreg:$0x2] =	wrdreg s2  }
0xa9: {  	[dreg:$0x3] =	wrdreg s4  }
0xaa: {  	[dreg:$0x4] =	wrdreg $0xC0  }
0xab: {  	_ =	task [dreg:s6], $0x5FFFF  }
0xac: {  	[dreg:$0x1] =	wrdreg $0xFFFFFFFF  }
0xad: {  	[dreg:$0x0] =	wrdreg $0x60  }
0xae: {  	[dreg:$0x2] =	wrdreg s24  }
0xaf: {  	[dreg:$0x3] =	wrdreg $0x0  }
0xb0: {  	[dreg:$0x4] =	wrdreg $0x9  }
0xb1: {  	_ =	task.clear_ibuf [dreg:s6], $0x5FFFF;
	_ =	strace $0x9000004C  }
0xb2: {  	s29 =	simm.s32 $0x9;
	_ =	strace $0x8000004E  }
0xb3: {  	_ =	swait.ge [sflag:s29], $0x1  }
0xb4: {  	[sflag:s29] =	ssyncadd.s32 $0xFFFFFFFF  }
0xb5: {  	_ =	strace $0x9000004E  }
0xb6: {  	_ =	sfence  }
0xb7: {  	s30 =	sld [smem:$0x0];
	_ =	sdelay $0x2  }
0xb8: {  	s31 =	sshll.u32 s1, $0xD;
	s1 =	sshrl.u32 s1, $0x2  }
0xb9: {  	s3 =	sand.u32 $0x4000, s31;
	s1 =	sadd.s32 s1, s30  }
0xba: {  	s0 =	sor.u32 s3, s0;
	s1 =	sshll.u32 s1, $0x11  }
0xbb: {  	s0 =	sor.u32 s1, s0  }
0xbc: {  	s0 =	sadd.s32 $0x8F2B, s0  }
0xbd: {  	[sflag:s0] =	ssyncadd.remote.s32 $0x1  }
0xbe: {  	_ =	sfence.sel $0xFFFF  }
0xbf: {  	[dreg:$0x0] =	wrdreg $0xFFFFFFFF;
	(pc) =	sbr.abs _section_cstart, $3  }
0xc0: {  	[dreg:$0x1] =	wrdreg $0xFFFFFFFF  }
0xc1: {  	_ =	task.clear_ibuf [dreg:s6], $0x2FFFF;
	_ =	strace $0x9FFFFFFF  }
0xc2: {  	(tm) =	ssettm $0x7FFFFFFF  }
0xc3: {  	_ =	shalt  }
tec
execute0_lowered:
.L_overlay_start_1:
0x0: {  	(tag) =	ssettag $0x1  }
0x1: {  	s0 =	srdreg.scid;
	s11 =	rddreg [dreg:$0x0]  }
0x2: {  	s2 =	rddreg [dreg:$0x1];
	s1 =	stileid.u32;
	s3 =	simm.s32 $0x0  }
0x3: {  	s17 =	simm.s32 $0xC6A00;
	s18 =	simm.s32 $0x16880;
	s19 =	simm.s32 $0x80  }
0x4: {  	s20 =	simm.s32 $0x16900;
	s21 =	simm.s32 $0x14080;
	s22 =	simm.s32 $0x1A900  }
0x5: {  	s23 =	simm.s32 $0x1;
	s24 =	simm.s32 $0x3;
	s25 =	simm.s32 $0x2  }
0x6: {  	s26 =	simm.s32 $0x4;
	s28 =	simm.s32 $0x0;
	s10 =	sand.u32 $0x1, s0  }
0x7: {  	[smem:$0x7FF] =	sst s3;
	s7 =	smul.u32 $0x50000, s1;
	s13 =	sadd.s32 $0x6D800, s11  }
0x8: {  	s15 =	smul.u32 $0x2800, s1;
	s29 =	sshll.u32 s1, $0x6;
	s4 =	sshll.u32 s10, $0x4  }
0x9: {  	_ =	strace $0x8000004D;
	s9 =	ssub.s32 $0x2, s10;
	s16 =	smul.u32 $0x28000, s10  }
0xa: {  	p0 =	seq.s32 s10, $0x1;
	s4 =	sor.u32 s1, s4;
	s12 =	sshrl.u32 s9, $0x1  }
0xb: {  	s7 =	sshrl.u32 s7, $0x2;
	s17 =	simm.s32 @!p0 $0x9EA00;
	s5 =	smul.u32 $0x2800, s4  }
0xc: {  	s4 =	sadd.s32 $0x13800, s11;
	s12 =	ssub.s32 s9, s12;
	s14 =	sadd.s32 s7, s2  }
0xd: {  	s7 =	sor.u32 $0x1C05, s29;
	s16 =	sadd.s32 s15, s16;
	s10 =	smax.u32 s12, $0x1  }
0xe: {  	s30 =	sor.u32 $0x100, s16;
	s16 =	sor.u32 $0x180, s16;
	s14 =	sshrl.u32 s14, $0x3  }
0xf: {  	s6 =	sshrl.u32 s5, $0x3;
	s5 =	sadd.s32 $0x11000, s11;
	s12 =	sshrl.u32 s30, $0x3  }
0x10: {  	s31 =	sshrl.u32 s16, $0x3;
	s16 =	simm.s32 $0x14000;
	s8 =	sadd.s32 s6, s11  }
0x11: {  	s6 =	sadd.s32 s13, s6;
	s11 =	sadd.s32 s17, s11;
	s12 =	sadd.s32 s12, s13  }
0x12: {  	s13 =	sadd.s32 s31, s13;
	s17 =	simm.s32 $0x16800;
	s8 =	sadd.s32 $0x63800, s8  }
0x13: {  	s9 =	sadd.s32 $0x10, s6;
	s11 =	sadd.s32 s11, s15;
	s15 =	simm.s32 $0x5  }
.LBB2_1:
0x14: {  	[spmem:s14], [sflag:s7] =	dma.local [hbm:s5], $0x2800  }
0x15: {  	_ =	swait.ge [sflag:s15], $0x2800  }
0x16: {  	[sflag:s15] =	ssyncset.done $0x0  }
0x17: {  	[sflag:s15] =	ssyncadd.s32 $0xFFFFD800  }
0x18: {  	[tilespmem:s16], [sflag:$0x5] =	stream.linear.gather [hbm4b:s8+s3], $0x2800, $0x38;
	[tilespmem:$0x1E900] =	vst v63  }
0x19: {  	_ =	swait.ge [sflag:s15], $0x2800  }
0x1a: {  	[sflag:s15] =	ssyncset.done $0x0  }
0x1b: {  	[sflag:s15] =	ssyncadd.s32 $0xFFFFD800  }
0x1c: {  	[bflag:$0x0] =	sbarrier.arrive $0xFFFF  }
0x1d: {  	[tilespmem:s17], [sflag:$0x3] =	stream.linear.gather [hbm4b:s6+s3], $0x80, $0x38;
	[tilespmem:$0x1E900] =	vst v63  }
0x1e: {  	_ = 	snop  }
0x1f: {  	[tilespmem:s18], [sflag:$0x4] =	stream.linear.gather [hbm4b:s9+s3], $0x80, $0x38;
	[tilespmem:$0x1E900] =	vst v63  }
0x20: {  	_ = 	snop  }
0x21: {  	[tilespmem:s20], [sflag:$0x1] =	stream.indirect.gather [hbm4b:s4+s19], $0x80, s16, s19, $0xb8;
	[tilespmem:$0x1E900] =	vst v63  }
0x22: {  	_ = 	snop  }
0x23: {  	[tilespmem:s22], [sflag:$0x2] =	stream.indirect.gather [hbm4b:s4+s19], $0x80, s21, s19, $0xb8;
	[tilespmem:$0x1E900] =	vst v63  }
0x24: {  	_ =	swait.ge [sflag:s23], $0x4000  }
0x25: {  	[sflag:s23] =	ssyncset.done $0x0  }
0x26: {  	[sflag:s23] =	ssyncadd.s32 $0xFFFFC000  }
0x27: {  	_ =	swait.ge [sflag:s24], $0x80  }
0x28: {  	[sflag:s24] =	ssyncset.done $0x0  }
0x29: {  	[sflag:s24] =	ssyncadd.s32 $0xFFFFFF80  }
0x2a: {  	[spmem:s2] =	stream.indirect.scatter.add.f32 [tilespmem:s20], [sflag:$0x5], $0x80, s17, s19, $0xb8;
	[tilespmem:$0x1E900] =	vst v63  }
0x2b: {  	_ =	swait.ge [sflag:s15], $0x4000  }
0x2c: {  	[sflag:s15] =	ssyncset.done $0x0  }
0x2d: {  	s29 =	simm.s32 $0x14100;
	[sflag:s15] =	ssyncadd.s32 $0xFFFFC000  }
0x2e: {  	[tilespmem:s20], [sflag:$0x1] =	stream.indirect.gather [hbm4b:s4+s19], $0x80, s29, s19, $0xb8;
	[tilespmem:$0x1E900] =	vst v63  }
0x2f: {  	s29 =	sadd.s32 $0x0, s12  }
0x30: {  	[tilespmem:s17], [sflag:$0x3] =	stream.linear.gather [hbm4b:s29+s3], $0x80, $0x38;
	[tilespmem:$0x1E900] =	vst v63  }
0x31: {  	_ =	swait.ge [sflag:s25], $0x4000  }
0x32: {  	[sflag:s25] =	ssyncset.done $0x0  }
0x33: {  	[sflag:s25] =	ssyncadd.s32 $0xFFFFC000  }
0x34: {  	_ =	swait.ge [sflag:s26], $0x80  }
0x35: {  	[sflag:s26] =	ssyncset.done $0x0  }
0x36: {  	[sflag:s26] =	ssyncadd.s32 $0xFFFFFF80  }
0x37: {  	[spmem:s2] =	stream.indirect.scatter.add.f32 [tilespmem:s22], [sflag:$0x5], $0x80, s18, s19, $0xb8;
	[tilespmem:$0x1E900] =	vst v63  }
0x38: {  	_ =	swait.ge [sflag:s15], $0x4000  }
0x39: {  	[sflag:s15] =	ssyncset.done $0x0  }
0x3a: {  	s29 =	simm.s32 $0x14180;
	[sflag:s15] =	ssyncadd.s32 $0xFFFFC000  }
0x3b: {  	[tilespmem:s22], [sflag:$0x2] =	stream.indirect.gather [hbm4b:s4+s19], $0x80, s29, s19, $0xb8;
	[tilespmem:$0x1E900] =	vst v63  }
0x3c: {  	s31 =	sadd.s32 $0x0, s13;
	s30 =	simm.s32 $0x14200;
	s29 =	simm.s32 $0x20  }
.LBB2_2:
0x3d: {  	[tilespmem:s18], [sflag:$0x4] =	stream.linear.gather [hbm4b:s31+s3], $0x80, $0x38;
	[tilespmem:$0x1E900] =	vst v63  }
0x3e: {  	s31 =	smov.u32 s29  }
0x3f: {  	p0 =	sne.s32 s29, $0x4C0;
	s29 =	sadd.s32 $0x20, s29;
	_ =	swait.ge [sflag:s23], $0x4000  }
0x40: {  	[sflag:s23] =	ssyncset.done $0x0  }
0x41: {  	[sflag:s23] =	ssyncadd.s32 $0xFFFFC000  }
0x42: {  	_ =	swait.ge [sflag:s24], $0x80  }
0x43: {  	[sflag:s24] =	ssyncset.done $0x0  }
0x44: {  	[sflag:s24] =	ssyncadd.s32 $0xFFFFFF80  }
0x45: {  	[spmem:s2] =	stream.indirect.scatter.add.f32 [tilespmem:s20], [sflag:$0x5], $0x80, s17, s19, $0xb8;
	[tilespmem:$0x1E900] =	vst v63  }
0x46: {  	_ =	swait.ge [sflag:s15], $0x4000  }
0x47: {  	[sflag:s15] =	ssyncset.done $0x0  }
0x48: {  	[sflag:s15] =	ssyncadd.s32 $0xFFFFC000  }
0x49: {  	[tilespmem:s20], [sflag:$0x1] =	stream.indirect.gather [hbm4b:s4+s19], $0x80, s30, s19, $0xb8;
	[tilespmem:$0x1E900] =	vst v63  }
0x4a: {  	s0 =	sadd.s32 s31, s12  }
0x4b: {  	[tilespmem:s17], [sflag:$0x3] =	stream.linear.gather [hbm4b:s0+s3], $0x80, $0x38;
	[tilespmem:$0x1E900] =	vst v63  }
0x4c: {  	_ =	swait.ge [sflag:s25], $0x4000  }
0x4d: {  	[sflag:s25] =	ssyncset.done $0x0  }
0x4e: {  	[sflag:s25] =	ssyncadd.s32 $0xFFFFC000  }
0x4f: {  	_ =	swait.ge [sflag:s26], $0x80  }
0x50: {  	[sflag:s26] =	ssyncset.done $0x0  }
0x51: {  	[sflag:s26] =	ssyncadd.s32 $0xFFFFFF80  }
0x52: {  	[spmem:s2] =	stream.indirect.scatter.add.f32 [tilespmem:s22], [sflag:$0x5], $0x80, s18, s19, $0xb8;
	[tilespmem:$0x1E900] =	vst v63  }
.Ltmp0:
0x53: {  	_ =	swait.ge [sflag:s15], $0x4000;
	(pc) =	sbr.rel @p0 .LBB2_2-.Ltmp0, $4  }
0x54: {  	[sflag:s15] =	ssyncset.done $0x0  }
0x55: {  	s0 =	sadd.s32 $0x80, s30;
	[sflag:s15] =	ssyncadd.s32 $0xFFFFC000  }
0x56: {  	[tilespmem:s22], [sflag:$0x2] =	stream.indirect.gather [hbm4b:s4+s19], $0x80, s0, s19, $0xb8;
	[tilespmem:$0x1E900] =	vst v63  }
0x57: {  	s31 =	sadd.s32 s31, s13;
	s30 =	sadd.s32 $0x100, s30  }
0x58: {  	[tilespmem:s18], [sflag:$0x4] =	stream.linear.gather [hbm4b:s31+s3], $0x80, $0x38;
	[tilespmem:$0x1E900] =	vst v63  }
0x59: {  	_ =	swait.ge [sflag:s23], $0x4000  }
0x5a: {  	[sflag:s23] =	ssyncset.done $0x0  }
0x5b: {  	[sflag:s23] =	ssyncadd.s32 $0xFFFFC000  }
0x5c: {  	_ =	swait.ge [sflag:s24], $0x80  }
0x5d: {  	[sflag:s24] =	ssyncset.done $0x0  }
0x5e: {  	[sflag:s24] =	ssyncadd.s32 $0xFFFFFF80  }
0x5f: {  	[spmem:s2] =	stream.indirect.scatter.add.f32 [tilespmem:s20], [sflag:$0x5], $0x80, s17, s19, $0xb8;
	[tilespmem:$0x1E900] =	vst v63  }
0x60: {  	_ =	swait.ge [sflag:s15], $0x4000  }
0x61: {  	[sflag:s15] =	ssyncset.done $0x0  }
0x62: {  	[sflag:s15] =	ssyncadd.s32 $0xFFFFC000  }
0x63: {  	_ =	swait.ge [sflag:s25], $0x4000  }
0x64: {  	[sflag:s25] =	ssyncset.done $0x0  }
0x65: {  	[sflag:s25] =	ssyncadd.s32 $0xFFFFC000  }
0x66: {  	_ =	swait.ge [sflag:s26], $0x80  }
0x67: {  	[sflag:s26] =	ssyncset.done $0x0  }
0x68: {  	[sflag:s26] =	ssyncadd.s32 $0xFFFFFF80  }
0x69: {  	[spmem:s2] =	stream.indirect.scatter.add.f32 [tilespmem:s22], [sflag:$0x5], $0x80, s18, s19, $0xb8;
	[tilespmem:$0x1E900] =	vst v63  }
0x6a: {  	_ =	swait.ge [sflag:s15], $0x4000  }
0x6b: {  	s28 =	sadd.s32 $0x1, s28;
	[sflag:s15] =	ssyncset.done $0x0  }
0x6c: {  	p0 =	sne.s32 s28, s10;
	[sflag:s15] =	ssyncadd.s32 $0xFFFFC000  }
.Ltmp1:
0x6d: {  	[bflag:$0x0] =	sbarrier.arrive $0xFFFF;
	(pc) =	sbr.rel @p0 .LBB2_1-.Ltmp1, $4  }
0x6e: {  	[hbm:s11], [sflag:s7] =	dma.local [spmem:s14], $0x2800  }
0x6f: {  	_ =	swait.ge [sflag:s15], $0x2800  }
0x70: {  	[sflag:s15] =	ssyncset.done $0x0  }
0x71: {  	[sflag:s15] =	ssyncadd.s32 $0xFFFFD800  }
0x72: {  	_ =	sfence.sel $0x180000  }
0x73: {  	[bflag:$0x0] =	sbarrier.arrive $0xFFFF  }
0x74: {  	_ =	strace $0x9000004D  }
0x75: {  	[bflag:$0x2] =	sbarrier.arrive $0xFFFF  }
0x76: {  	p0 =	sne.s32 s1, $0x0;
	s0 =	rddreg [dreg:$0x2]  }
0x77: {  	s0 =	sadd.s32 @!p0 $0x100000, s0  }
0x78: {  	[sflag:s0] =	ssyncadd.tile.s32 @!p0 $0x1;
	_ =	shalt  }
.Lfunc_end2:
_tile_overlayer_lowered:
.L_overlay_start_2:
0x79: {  	(tag) =	ssettag $0x2  }
0x7a: {  	s0 =	rddreg [dreg:$0x0];
	s2 =	stileid.u32  }
0x7b: {  	s1 =	rddreg [dreg:$0x1];
	p0 =	sne.s32 s2, $0x0  }
0x7c: {  	s3 =	rddreg [dreg:$0x2];
	[bflag:$0x3] =	sbarrier.arrive $0xFFFF;
	s2 =	simm.s32 @!p0 $0x1C05  }
0x7d: {  	[timem:s3], [sflag:s2] =	dma.local @!p0 [hbm:s0], s1  }
0x7e: {  	s0 =	simm.s32 @!p0 $0x5  }
0x7f: {  	_ =	swait.ge @!p0 [sflag:s0], s1  }
0x80: {  	s1 =	ssub.s32 @!p0 $0x0, s1;
	[sflag:s0] =	ssyncset.done @!p0 $0x0  }
0x81: {  	[sflag:s0] =	ssyncadd.s32 @!p0 s1  }
0x82: {  	[bflag:$0x3] =	sbarrier.arrive $0xFFFF  }
0x83: {  	_ =	shalt  }

// kernel: kernel.24.cloned.1.call-start
scs
__scs_entry_jumppad:
0x0: {  	(pc) =	sbr.rel $0x88, $3  }
0x1: {  	(tag) =	ssettag $0x0;
	lr =	simm.s32 $0x1  }
0x2: {  	[smem:$0x3F99] =	sst lr;
	_ =	strace $0xD0000000  }
0x3: {  	_ = 	snop  }
0x4: {  	_ = 	snop  }
0x5: {  	_ = 	snop  }
0x6: {  	_ = 	snop  }
0x7: {  	_ = 	snop  }
__scs_overlays_trampoline_lowered:
0x8: {  	[smem:$0x3FA8] =	sst s0  }
0x9: {  	[smem:$0x3FA9] =	sst s1  }
0xa: {  	[smem:$0x3FAA] =	sst s2  }
0xb: {  	[smem:$0x3FAB] =	sst s3  }
0xc: {  	[smem:$0x3FAC] =	sst s4  }
0xd: {  	[smem:$0x3FAD] =	sst s5  }
0xe: {  	[smem:$0x3FAE] =	sst s6  }
0xf: {  	[smem:$0x3FAF] =	sst s7  }
0x10: {  	[smem:$0x3FB0] =	sst s8  }
0x11: {  	[smem:$0x3FB1] =	sst s9;
	s0 =	simm.s32 @!p0 $0x0  }
0x12: {  	s1 =	sld [smem:$0x3F97];
	s0 =	simm.s32 @p0 $0x1  }
0x13: {  	[smem:$0x3FB2] =	sst s0;
	s0 =	simm.s32 @!p1 $0x0  }
0x14: {  	s2 =	sld [smem:$0x3F96];
	s0 =	simm.s32 @p1 $0x1  }
0x15: {  	[smem:$0x3FB3] =	sst s0;
	s0 =	simm.s32 @!p2 $0x0  }
0x16: {  	s3 =	sld [smem:$0x3FDB];
	s0 =	simm.s32 @p2 $0x1  }
0x17: {  	s4 =	simm.s32 $0x1BF5;
	[smem:$0x3FB5] =	sst s0  }
0x18: {  	s0 =	sld [smem:$0x3F98];
	_ =	swait.ge [sflag:s4], $0x0  }
0x19: {  	s7 =	sld [smem:$0x3F99]  }
0x1a: {  	s8 =	sadd.s32 $0xFFFFE003, lr  }
0x1b: {  	s9 =	sadd.s32 $0xFFFFFEF7, lr;
	s5 =	simm.s32 $0xFFFFFFFF;
	p2 =	slt.u32 s8, $0xFFFFF086  }
0x1c: {  	p1 =	slt.u32 s9, $0xF7A;
	s5 =	simm.s32 @!p2 $0x0  }
0x1d: {  	s5 =	simm.s32 @p1 $0x1;
	p0 =	seq.s32 s7, s2  }
0x1e: {  	s7 =	smul.u32 @!p0 $0xF7A, s2;
	p2 =	seq.s32 @!p0 s5, $0x0  }
0x1f: {  	s9 =	smul.u32 $0xF7A, s1;
	s8 =	simm.s32 @!p0 $0x1BF5;
	p2 =	por !p2, p0  }
0x20: {  	[sflag:s8] =	ssyncset.s32 @!p0 $0xFFFFF086;
	s6 =	sadd.s32 @!p0 s3, s7;
	s7 =	simm.s32 @!p0 $0x108  }
0x21: {  	s3 =	sadd.s32 s3, s9;
	s6 =	sadd.s32 @!p0 $0x88, s6;
	s7 =	simm.s32 @p2 $0x1082  }
0x22: {  	[simem:s7], [sflag:s8] =	dma.local @!p0 [hbm:s6], $0xF7A  }
0x23: {  	s9 =	sor.u32 $0xD0000000, s2;
	s6 =	simm.s32 $0x108;
	_ =	swait.ge @!p0 [sflag:s8], $0x0  }
0x24: {  	s3 =	sadd.s32 $0x88, s3;
	s6 =	simm.s32 @!p1 $0x1082;
	[sflag:s4] =	ssyncset.s32 $0xFFFFF086  }
0x25: {  	[simem:s6], [sflag:s4] =	dma.local [hbm:s3], $0xF7A  }
0x26: {  	[smem:$0x3F99] =	sst s1;
	(tag) =	ssettag s2;
	_ =	strace s9  }
0x27: {  	s1 =	sld [smem:$0x3FA9]  }
0x28: {  	s2 =	sld [smem:$0x3FAA]  }
0x29: {  	s4 =	sld [smem:$0x3FAC]  }
0x2a: {  	p0 =	seq.s32 s5, $0x0;
	s5 =	sld [smem:$0x3FAD]  }
0x2b: {  	s6 =	sld [smem:$0x3FAE]  }
0x2c: {  	s7 =	sld [smem:$0x3FAF]  }
0x2d: {  	s3 =	simm.s32 $0x108;
	s8 =	sld [smem:$0x3FB0]  }
0x2e: {  	s3 =	simm.s32 @!p0 $0x1082;
	s9 =	sld [smem:$0x3FB1]  }
0x2f: {  	lr =	sadd.s32 s0, s3;
	s0 =	sld [smem:$0x3FA8]  }
0x30: {  	s3 =	sld [smem:$0x3FAB]  }
0x31: {  	[smem:$0x3FB4] =	sst s10  }
0x32: {  	s10 =	sld [smem:$0x3FB2];
	_ =	sdelay $0x3  }
0x33: {  	p0 =	seq.s32 s10, $0x1;
	s10 =	sld [smem:$0x3FB4];
	_ =	sdelay $0x3  }
0x34: {  	[smem:$0x3FB4] =	sst s10  }
0x35: {  	s10 =	sld [smem:$0x3FB3];
	_ =	sdelay $0x3  }
0x36: {  	p1 =	seq.s32 s10, $0x1;
	s10 =	sld [smem:$0x3FB4];
	_ =	sdelay $0x3  }
0x37: {  	[smem:$0x3FB4] =	sst s10  }
0x38: {  	s10 =	sld [smem:$0x3FB5]  }
0x39: {  	_ = 	snop;
	(pc) =	sbr.ind lr, $3  }
0x3a: {  	_ = 	snop  }
0x3b: {  	_ = 	snop  }
0x3c: {  	p2 =	seq.s32 s10, $0x1;
	s10 =	sld [smem:$0x3FB4]  }
0x3d: {  	_ =	shalt  }
0x3e: {  	_ =	shalt  }
0x3f: {  	_ =	shalt  }
0x40: {  	_ =	shalt  }
0x41: {  	_ =	shalt  }
0x42: {  	_ =	shalt  }
0x43: {  	_ =	shalt  }
0x44: {  	_ =	shalt  }
0x45: {  	_ =	shalt  }
0x46: {  	_ =	shalt  }
0x47: {  	_ =	shalt  }
0x48: {  	_ =	shalt  }
0x49: {  	_ =	shalt  }
0x4a: {  	_ =	shalt  }
0x4b: {  	_ =	shalt  }
0x4c: {  	_ =	shalt  }
0x4d: {  	_ =	shalt  }
0x4e: {  	_ =	shalt  }
0x4f: {  	_ =	shalt  }
0x50: {  	_ =	shalt  }
0x51: {  	_ =	shalt  }
0x52: {  	_ =	shalt  }
0x53: {  	_ =	shalt  }
0x54: {  	_ =	shalt  }
0x55: {  	_ =	shalt  }
0x56: {  	_ =	shalt  }
0x57: {  	_ =	shalt  }
0x58: {  	_ =	shalt  }
0x59: {  	_ =	shalt  }
0x5a: {  	_ =	shalt  }
0x5b: {  	_ =	shalt  }
0x5c: {  	_ =	shalt  }
0x5d: {  	_ =	shalt  }
0x5e: {  	_ =	shalt  }
0x5f: {  	_ =	shalt  }
0x60: {  	_ =	shalt  }
0x61: {  	_ =	shalt  }
0x62: {  	_ =	shalt  }
0x63: {  	_ =	shalt  }
0x64: {  	_ =	shalt  }
0x65: {  	_ =	shalt  }
0x66: {  	_ =	shalt  }
0x67: {  	_ =	shalt  }
0x68: {  	_ =	shalt  }
0x69: {  	_ =	shalt  }
0x6a: {  	_ =	shalt  }
0x6b: {  	_ =	shalt  }
0x6c: {  	_ =	shalt  }
0x6d: {  	_ =	shalt  }
0x6e: {  	_ =	shalt  }
0x6f: {  	_ =	shalt  }
0x70: {  	_ =	shalt  }
0x71: {  	_ =	shalt  }
0x72: {  	_ =	shalt  }
0x73: {  	_ =	shalt  }
0x74: {  	_ =	shalt  }
0x75: {  	_ =	shalt  }
0x76: {  	_ =	shalt  }
0x77: {  	_ =	shalt  }
0x78: {  	_ =	shalt  }
0x79: {  	_ =	shalt  }
0x7a: {  	_ =	shalt  }
0x7b: {  	_ =	shalt  }
0x7c: {  	_ =	shalt  }
0x7d: {  	_ =	shalt  }
0x7e: {  	_ =	shalt  }
0x7f: {  	_ =	shalt  }
0x80: {  	_ =	shalt  }
0x81: {  	_ =	shalt  }
0x82: {  	_ =	shalt  }
0x83: {  	_ =	shalt  }
0x84: {  	_ =	shalt  }
0x85: {  	_ =	shalt  }
0x86: {  	_ =	shalt  }
0x87: {  	_ =	shalt  }
.Lfunc_end0:
.L_simem_size_0:
called_computation.3_lowered:
.L_overlay_start_0:
0x88: {  	s2 =	sld [smem:$0x3FD9]  }
0x89: {  	s3 =	sld [smem:$0x3FFE];
	_ =	sdelay $0x1  }
0x8a: {  	s1 =	srdreg.scid  }
0x8b: {  	s0 =	sand.u32 $0x1, s1  }
0x8c: {  	s16 =	sshll.u32 s0, $0xA;
	s2 =	sadd.s32 s3, s2  }
0x8d: {  	s2 =	sadd.s32 s2, s16  }
0x8e: {  	[smem:$0x3FC0] =	sst s2  }
0x8f: {  	_ = 	snop  }
0x90: {  	(tm) =	ssettm $0x1  }
0x91: {  	s17 =	sld [smem:$0x3FFB];
	_ =	sdelay $0x3  }
0x92: {  	_ =	strace s17  }
0x93: {  	s2 =	sld [smem:$0x3FFC];
	_ =	sdelay $0x3  }
0x94: {  	_ =	strace s2  }
0x95: {  	s2 =	sld [smem:$0x3FFD];
	_ =	sdelay $0x3  }
0x96: {  	_ =	strace s2  }
0x97: {  	_ =	strace $0x8FFFFFFF  }
0x98: {  	s18 =	sld [smem:$0x3FDB];
	_ =	sdelay $0x1  }
0x99: {  	s19 =	simm.s32 $_scs_section_size  }
0x9a: {  	s4 =	simm.s32 $_size__tile_overlayer_lowered;
	s5 =	simm.s32 $_tile_overlayer_lowered  }
0x9b: {  	s22 =	simm.s32 $0x1BFF;
	s21 =	sshll.u32 s5, $0x1;
	s2 =	sadd.s32 s19, s18  }
0x9c: {  	s6 =	simm.s32 $0x0;
	s20 =	sshll.u32 s4, $0x1;
	s4 =	sadd.s32 s21, s2  }
0x9d: {  	[timem:s6], [sflag:s22] =	dma.local [hbm:s4], s20  }
0x9e: {  	_ =	swait.ge [sflag:s22], s20  }
0x9f: {  	s3 =	ssub.s32 $0x0, s20;
	[sflag:s22] =	ssyncset.done $0x0  }
0xa0: {  	[sflag:s22] =	ssyncadd.s32 s3;
	_ =	sdelay $0x1  }
0xa1: {  	s23 =	simm.s32 $0x1B8B  }
0xa2: {  	_ =	swait.ge [sflag:s23], $0x1  }
0xa3: {  	[sflag:s23] =	ssyncset.done $0x0  }
0xa4: {  	s25 =	simm.s32 $0x1B8E;
	s24 =	sld [smem:$0x3FFE];
	[sflag:s23] =	ssyncadd.s32 $0xFFFFFFFF  }
0xa5: {  	s26 =	simm.s32 $execute0_lowered;
	[smem:$0x3FD2] =	sst s25  }
0xa6: {  	s4 =	sshll.u32 s26, $0x1;
	_ =	strace $0x8000004F;
	[dreg:$0x1] =	wrdreg $0xFFFFFFFF  }
0xa7: {  	s28 =	simm.s32 $_size_execute0_lowered;
	s2 =	sadd.s32 s2, s4;
	[dreg:$0x0] =	wrdreg $0x0  }
0xa8: {  	s4 =	sshll.u32 s28, $0x1;
	[dreg:$0x2] =	wrdreg s2  }
0xa9: {  	[dreg:$0x3] =	wrdreg s4  }
0xaa: {  	[dreg:$0x4] =	wrdreg $0xC0  }
0xab: {  	_ =	task [dreg:s6], $0x5FFFF  }
0xac: {  	[dreg:$0x1] =	wrdreg $0xFFFFFFFF  }
0xad: {  	[dreg:$0x0] =	wrdreg $0x60  }
0xae: {  	[dreg:$0x2] =	wrdreg s24  }
0xaf: {  	[dreg:$0x3] =	wrdreg $0x0  }
0xb0: {  	[dreg:$0x4] =	wrdreg $0x9  }
0xb1: {  	_ =	task.clear_ibuf [dreg:s6], $0x5FFFF;
	_ =	strace $0x9000004F  }
0xb2: {  	s29 =	simm.s32 $0x9;
	_ =	strace $0x80000051  }
0xb3: {  	_ =	swait.ge [sflag:s29], $0x1  }
0xb4: {  	[sflag:s29] =	ssyncadd.s32 $0xFFFFFFFF  }
0xb5: {  	_ =	strace $0x90000051  }
0xb6: {  	_ =	sfence  }
0xb7: {  	s30 =	sld [smem:$0x0];
	_ =	sdelay $0x2  }
0xb8: {  	s31 =	sshll.u32 s1, $0xD;
	s1 =	sshrl.u32 s1, $0x2  }
0xb9: {  	s3 =	sand.u32 $0x4000, s31;
	s1 =	sadd.s32 s1, s30  }
0xba: {  	s0 =	sor.u32 s3, s0;
	s1 =	sshll.u32 s1, $0x11  }
0xbb: {  	s0 =	sor.u32 s1, s0  }
0xbc: {  	s0 =	sadd.s32 $0x8F2B, s0  }
0xbd: {  	[sflag:s0] =	ssyncadd.remote.s32 $0x1  }
0xbe: {  	_ =	sfence.sel $0xFFFF  }
0xbf: {  	[dreg:$0x0] =	wrdreg $0xFFFFFFFF;
	(pc) =	sbr.abs _section_cstart, $3  }
0xc0: {  	[dreg:$0x1] =	wrdreg $0xFFFFFFFF  }
0xc1: {  	_ =	task.clear_ibuf [dreg:s6], $0x2FFFF;
	_ =	strace $0x9FFFFFFF  }
0xc2: {  	(tm) =	ssettm $0x7FFFFFFF  }
0xc3: {  	_ =	shalt  }
tec
execute0_lowered:
.L_overlay_start_1:
0x0: {  	(tag) =	ssettag $0x1  }
0x1: {  	s0 =	srdreg.scid;
	s11 =	rddreg [dreg:$0x0]  }
0x2: {  	s2 =	rddreg [dreg:$0x1];
	s1 =	stileid.u32;
	s3 =	simm.s32 $0x0  }
0x3: {  	s17 =	simm.s32 $0xC6A00;
	s18 =	simm.s32 $0x16880;
	s19 =	simm.s32 $0x80  }
0x4: {  	s20 =	simm.s32 $0x16900;
	s21 =	simm.s32 $0x14080;
	s22 =	simm.s32 $0x1A900  }
0x5: {  	s23 =	simm.s32 $0x1;
	s24 =	simm.s32 $0x3;
	s25 =	simm.s32 $0x2  }
0x6: {  	s26 =	simm.s32 $0x4;
	s28 =	simm.s32 $0x0;
	s10 =	sand.u32 $0x1, s0  }
0x7: {  	[smem:$0x7FF] =	sst s3;
	s7 =	smul.u32 $0x50000, s1;
	s13 =	sadd.s32 $0x6D800, s11  }
0x8: {  	s15 =	smul.u32 $0x2800, s1;
	s29 =	sshll.u32 s1, $0x6;
	s4 =	sshll.u32 s10, $0x4  }
0x9: {  	_ =	strace $0x80000050;
	s9 =	ssub.s32 $0x2, s10;
	s16 =	smul.u32 $0x28000, s10  }
0xa: {  	p0 =	seq.s32 s10, $0x1;
	s4 =	sor.u32 s1, s4;
	s12 =	sshrl.u32 s9, $0x1  }
0xb: {  	s7 =	sshrl.u32 s7, $0x2;
	s17 =	simm.s32 @!p0 $0x9EA00;
	s5 =	smul.u32 $0x2800, s4  }
0xc: {  	s4 =	sadd.s32 $0x13800, s11;
	s12 =	ssub.s32 s9, s12;
	s14 =	sadd.s32 s7, s2  }
0xd: {  	s7 =	sor.u32 $0x1C05, s29;
	s16 =	sadd.s32 s15, s16;
	s10 =	smax.u32 s12, $0x1  }
0xe: {  	s30 =	sor.u32 $0x100, s16;
	s16 =	sor.u32 $0x180, s16;
	s14 =	sshrl.u32 s14, $0x3  }
0xf: {  	s6 =	sshrl.u32 s5, $0x3;
	s5 =	sadd.s32 $0x11000, s11;
	s12 =	sshrl.u32 s30, $0x3  }
0x10: {  	s31 =	sshrl.u32 s16, $0x3;
	s16 =	simm.s32 $0x14000;
	s8 =	sadd.s32 s6, s11  }
0x11: {  	s6 =	sadd.s32 s13, s6;
	s11 =	sadd.s32 s17, s11;
	s12 =	sadd.s32 s12, s13  }
0x12: {  	s13 =	sadd.s32 s31, s13;
	s17 =	simm.s32 $0x16800;
	s8 =	sadd.s32 $0x63800, s8  }
0x13: {  	s9 =	sadd.s32 $0x10, s6;
	s11 =	sadd.s32 s11, s15;
	s15 =	simm.s32 $0x5  }
.LBB2_1:
0x14: {  	[spmem:s14], [sflag:s7] =	dma.local [hbm:s5], $0x2800  }
0x15: {  	_ =	swait.ge [sflag:s15], $0x2800  }
0x16: {  	[sflag:s15] =	ssyncset.done $0x0  }
0x17: {  	[sflag:s15] =	ssyncadd.s32 $0xFFFFD800  }
0x18: {  	[tilespmem:s16], [sflag:$0x5] =	stream.linear.gather [hbm4b:s8+s3], $0x2800, $0x38;
	[tilespmem:$0x1E900] =	vst v63  }
0x19: {  	_ =	swait.ge [sflag:s15], $0x2800  }
0x1a: {  	[sflag:s15] =	ssyncset.done $0x0  }
0x1b: {  	[sflag:s15] =	ssyncadd.s32 $0xFFFFD800  }
0x1c: {  	[bflag:$0x0] =	sbarrier.arrive $0xFFFF  }
0x1d: {  	[tilespmem:s17], [sflag:$0x3] =	stream.linear.gather [hbm4b:s6+s3], $0x80, $0x38;
	[tilespmem:$0x1E900] =	vst v63  }
0x1e: {  	_ = 	snop  }
0x1f: {  	[tilespmem:s18], [sflag:$0x4] =	stream.linear.gather [hbm4b:s9+s3], $0x80, $0x38;
	[tilespmem:$0x1E900] =	vst v63  }
0x20: {  	_ = 	snop  }
0x21: {  	[tilespmem:s20], [sflag:$0x1] =	stream.indirect.gather [hbm4b:s4+s19], $0x80, s16, s19, $0xb8;
	[tilespmem:$0x1E900] =	vst v63  }
0x22: {  	_ = 	snop  }
0x23: {  	[tilespmem:s22], [sflag:$0x2] =	stream.indirect.gather [hbm4b:s4+s19], $0x80, s21, s19, $0xb8;
	[tilespmem:$0x1E900] =	vst v63  }
0x24: {  	_ =	swait.ge [sflag:s23], $0x4000  }
0x25: {  	[sflag:s23] =	ssyncset.done $0x0  }
0x26: {  	[sflag:s23] =	ssyncadd.s32 $0xFFFFC000  }
0x27: {  	_ =	swait.ge [sflag:s24], $0x80  }
0x28: {  	[sflag:s24] =	ssyncset.done $0x0  }
0x29: {  	[sflag:s24] =	ssyncadd.s32 $0xFFFFFF80  }
0x2a: {  	[spmem:s2] =	stream.indirect.scatter.add.f32 [tilespmem:s20], [sflag:$0x5], $0x80, s17, s19, $0xb8;
	[tilespmem:$0x1E900] =	vst v63  }
0x2b: {  	_ =	swait.ge [sflag:s15], $0x4000  }
0x2c: {  	[sflag:s15] =	ssyncset.done $0x0  }
0x2d: {  	s29 =	simm.s32 $0x14100;
	[sflag:s15] =	ssyncadd.s32 $0xFFFFC000  }
0x2e: {  	[tilespmem:s20], [sflag:$0x1] =	stream.indirect.gather [hbm4b:s4+s19], $0x80, s29, s19, $0xb8;
	[tilespmem:$0x1E900] =	vst v63  }
0x2f: {  	s29 =	sadd.s32 $0x0, s12  }
0x30: {  	[tilespmem:s17], [sflag:$0x3] =	stream.linear.gather [hbm4b:s29+s3], $0x80, $0x38;
	[tilespmem:$0x1E900] =	vst v63  }
0x31: {  	_ =	swait.ge [sflag:s25], $0x4000  }
0x32: {  	[sflag:s25] =	ssyncset.done $0x0  }
0x33: {  	[sflag:s25] =	ssyncadd.s32 $0xFFFFC000  }
0x34: {  	_ =	swait.ge [sflag:s26], $0x80  }
0x35: {  	[sflag:s26] =	ssyncset.done $0x0  }
0x36: {  	[sflag:s26] =	ssyncadd.s32 $0xFFFFFF80  }
0x37: {  	[spmem:s2] =	stream.indirect.scatter.add.f32 [tilespmem:s22], [sflag:$0x5], $0x80, s18, s19, $0xb8;
	[tilespmem:$0x1E900] =	vst v63  }
0x38: {  	_ =	swait.ge [sflag:s15], $0x4000  }
0x39: {  	[sflag:s15] =	ssyncset.done $0x0  }
0x3a: {  	s29 =	simm.s32 $0x14180;
	[sflag:s15] =	ssyncadd.s32 $0xFFFFC000  }
0x3b: {  	[tilespmem:s22], [sflag:$0x2] =	stream.indirect.gather [hbm4b:s4+s19], $0x80, s29, s19, $0xb8;
	[tilespmem:$0x1E900] =	vst v63  }
0x3c: {  	s31 =	sadd.s32 $0x0, s13;
	s30 =	simm.s32 $0x14200;
	s29 =	simm.s32 $0x20  }
.LBB2_2:
0x3d: {  	[tilespmem:s18], [sflag:$0x4] =	stream.linear.gather [hbm4b:s31+s3], $0x80, $0x38;
	[tilespmem:$0x1E900] =	vst v63  }
0x3e: {  	s31 =	smov.u32 s29  }
0x3f: {  	p0 =	sne.s32 s29, $0x4C0;
	s29 =	sadd.s32 $0x20, s29;
	_ =	swait.ge [sflag:s23], $0x4000  }
0x40: {  	[sflag:s23] =	ssyncset.done $0x0  }
0x41: {  	[sflag:s23] =	ssyncadd.s32 $0xFFFFC000  }
0x42: {  	_ =	swait.ge [sflag:s24], $0x80  }
0x43: {  	[sflag:s24] =	ssyncset.done $0x0  }
0x44: {  	[sflag:s24] =	ssyncadd.s32 $0xFFFFFF80  }
0x45: {  	[spmem:s2] =	stream.indirect.scatter.add.f32 [tilespmem:s20], [sflag:$0x5], $0x80, s17, s19, $0xb8;
	[tilespmem:$0x1E900] =	vst v63  }
0x46: {  	_ =	swait.ge [sflag:s15], $0x4000  }
0x47: {  	[sflag:s15] =	ssyncset.done $0x0  }
0x48: {  	[sflag:s15] =	ssyncadd.s32 $0xFFFFC000  }
0x49: {  	[tilespmem:s20], [sflag:$0x1] =	stream.indirect.gather [hbm4b:s4+s19], $0x80, s30, s19, $0xb8;
	[tilespmem:$0x1E900] =	vst v63  }
0x4a: {  	s0 =	sadd.s32 s31, s12  }
0x4b: {  	[tilespmem:s17], [sflag:$0x3] =	stream.linear.gather [hbm4b:s0+s3], $0x80, $0x38;
	[tilespmem:$0x1E900] =	vst v63  }
0x4c: {  	_ =	swait.ge [sflag:s25], $0x4000  }
0x4d: {  	[sflag:s25] =	ssyncset.done $0x0  }
0x4e: {  	[sflag:s25] =	ssyncadd.s32 $0xFFFFC000  }
0x4f: {  	_ =	swait.ge [sflag:s26], $0x80  }
0x50: {  	[sflag:s26] =	ssyncset.done $0x0  }
0x51: {  	[sflag:s26] =	ssyncadd.s32 $0xFFFFFF80  }
0x52: {  	[spmem:s2] =	stream.indirect.scatter.add.f32 [tilespmem:s22], [sflag:$0x5], $0x80, s18, s19, $0xb8;
	[tilespmem:$0x1E900] =	vst v63  }
.Ltmp0:
0x53: {  	_ =	swait.ge [sflag:s15], $0x4000;
	(pc) =	sbr.rel @p0 .LBB2_2-.Ltmp0, $4  }
0x54: {  	[sflag:s15] =	ssyncset.done $0x0  }
0x55: {  	s0 =	sadd.s32 $0x80, s30;
	[sflag:s15] =	ssyncadd.s32 $0xFFFFC000  }
0x56: {  	[tilespmem:s22], [sflag:$0x2] =	stream.indirect.gather [hbm4b:s4+s19], $0x80, s0, s19, $0xb8;
	[tilespmem:$0x1E900] =	vst v63  }
0x57: {  	s31 =	sadd.s32 s31, s13;
	s30 =	sadd.s32 $0x100, s30  }
0x58: {  	[tilespmem:s18], [sflag:$0x4] =	stream.linear.gather [hbm4b:s31+s3], $0x80, $0x38;
	[tilespmem:$0x1E900] =	vst v63  }
0x59: {  	_ =	swait.ge [sflag:s23], $0x4000  }
0x5a: {  	[sflag:s23] =	ssyncset.done $0x0  }
0x5b: {  	[sflag:s23] =	ssyncadd.s32 $0xFFFFC000  }
0x5c: {  	_ =	swait.ge [sflag:s24], $0x80  }
0x5d: {  	[sflag:s24] =	ssyncset.done $0x0  }
0x5e: {  	[sflag:s24] =	ssyncadd.s32 $0xFFFFFF80  }
0x5f: {  	[spmem:s2] =	stream.indirect.scatter.add.f32 [tilespmem:s20], [sflag:$0x5], $0x80, s17, s19, $0xb8;
	[tilespmem:$0x1E900] =	vst v63  }
0x60: {  	_ =	swait.ge [sflag:s15], $0x4000  }
0x61: {  	[sflag:s15] =	ssyncset.done $0x0  }
0x62: {  	[sflag:s15] =	ssyncadd.s32 $0xFFFFC000  }
0x63: {  	_ =	swait.ge [sflag:s25], $0x4000  }
0x64: {  	[sflag:s25] =	ssyncset.done $0x0  }
0x65: {  	[sflag:s25] =	ssyncadd.s32 $0xFFFFC000  }
0x66: {  	_ =	swait.ge [sflag:s26], $0x80  }
0x67: {  	[sflag:s26] =	ssyncset.done $0x0  }
0x68: {  	[sflag:s26] =	ssyncadd.s32 $0xFFFFFF80  }
0x69: {  	[spmem:s2] =	stream.indirect.scatter.add.f32 [tilespmem:s22], [sflag:$0x5], $0x80, s18, s19, $0xb8;
	[tilespmem:$0x1E900] =	vst v63  }
0x6a: {  	_ =	swait.ge [sflag:s15], $0x4000  }
0x6b: {  	s28 =	sadd.s32 $0x1, s28;
	[sflag:s15] =	ssyncset.done $0x0  }
0x6c: {  	p0 =	sne.s32 s28, s10;
	[sflag:s15] =	ssyncadd.s32 $0xFFFFC000  }
.Ltmp1:
0x6d: {  	[bflag:$0x0] =	sbarrier.arrive $0xFFFF;
	(pc) =	sbr.rel @p0 .LBB2_1-.Ltmp1, $4  }
0x6e: {  	[hbm:s11], [sflag:s7] =	dma.local [spmem:s14], $0x2800  }
0x6f: {  	_ =	swait.ge [sflag:s15], $0x2800  }
0x70: {  	[sflag:s15] =	ssyncset.done $0x0  }
0x71: {  	[sflag:s15] =	ssyncadd.s32 $0xFFFFD800  }
0x72: {  	_ =	sfence.sel $0x180000  }
0x73: {  	[bflag:$0x0] =	sbarrier.arrive $0xFFFF  }
0x74: {  	_ =	strace $0x90000050  }
0x75: {  	[bflag:$0x2] =	sbarrier.arrive $0xFFFF  }
0x76: {  	p0 =	sne.s32 s1, $0x0;
	s0 =	rddreg [dreg:$0x2]  }
0x77: {  	s0 =	sadd.s32 @!p0 $0x100000, s0  }
0x78: {  	[sflag:s0] =	ssyncadd.tile.s32 @!p0 $0x1;
	_ =	shalt  }
.Lfunc_end2:
_tile_overlayer_lowered:
.L_overlay_start_2:
0x79: {  	(tag) =	ssettag $0x2  }
0x7a: {  	s0 =	rddreg [dreg:$0x0];
	s2 =	stileid.u32  }
0x7b: {  	s1 =	rddreg [dreg:$0x1];
	p0 =	sne.s32 s2, $0x0  }
0x7c: {  	s3 =	rddreg [dreg:$0x2];
	[bflag:$0x3] =	sbarrier.arrive $0xFFFF;
	s2 =	simm.s32 @!p0 $0x1C05  }
0x7d: {  	[timem:s3], [sflag:s2] =	dma.local @!p0 [hbm:s0], s1  }
0x7e: {  	s0 =	simm.s32 @!p0 $0x5  }
0x7f: {  	_ =	swait.ge @!p0 [sflag:s0], s1  }
0x80: {  	s1 =	ssub.s32 @!p0 $0x0, s1;
	[sflag:s0] =	ssyncset.done @!p0 $0x0  }
0x81: {  	[sflag:s0] =	ssyncadd.s32 @!p0 s1  }
0x82: {  	[bflag:$0x3] =	sbarrier.arrive $0xFFFF  }
0x83: {  	_ =	shalt  }

// kernel: kernel.27.cloned.1.call-start
scs
__scs_entry_jumppad:
0x0: {  	(pc) =	sbr.rel $0x88, $3  }
0x1: {  	(tag) =	ssettag $0x0;
	lr =	simm.s32 $0x1  }
0x2: {  	[smem:$0x3F99] =	sst lr;
	_ =	strace $0xD0000000  }
0x3: {  	_ = 	snop  }
0x4: {  	_ = 	snop  }
0x5: {  	_ = 	snop  }
0x6: {  	_ = 	snop  }
0x7: {  	_ = 	snop  }
__scs_overlays_trampoline_lowered:
0x8: {  	[smem:$0x3FA8] =	sst s0  }
0x9: {  	[smem:$0x3FA9] =	sst s1  }
0xa: {  	[smem:$0x3FAA] =	sst s2  }
0xb: {  	[smem:$0x3FAB] =	sst s3  }
0xc: {  	[smem:$0x3FAC] =	sst s4  }
0xd: {  	[smem:$0x3FAD] =	sst s5  }
0xe: {  	[smem:$0x3FAE] =	sst s6  }
0xf: {  	[smem:$0x3FAF] =	sst s7  }
0x10: {  	[smem:$0x3FB0] =	sst s8  }
0x11: {  	[smem:$0x3FB1] =	sst s9;
	s0 =	simm.s32 @!p0 $0x0  }
0x12: {  	s1 =	sld [smem:$0x3F97];
	s0 =	simm.s32 @p0 $0x1  }
0x13: {  	[smem:$0x3FB2] =	sst s0;
	s0 =	simm.s32 @!p1 $0x0  }
0x14: {  	s2 =	sld [smem:$0x3F96];
	s0 =	simm.s32 @p1 $0x1  }
0x15: {  	[smem:$0x3FB3] =	sst s0;
	s0 =	simm.s32 @!p2 $0x0  }
0x16: {  	s3 =	sld [smem:$0x3FDB];
	s0 =	simm.s32 @p2 $0x1  }
0x17: {  	s4 =	simm.s32 $0x1BF5;
	[smem:$0x3FB5] =	sst s0  }
0x18: {  	s0 =	sld [smem:$0x3F98];
	_ =	swait.ge [sflag:s4], $0x0  }
0x19: {  	s7 =	sld [smem:$0x3F99]  }
0x1a: {  	s8 =	sadd.s32 $0xFFFFE003, lr  }
0x1b: {  	s9 =	sadd.s32 $0xFFFFFEF7, lr;
	s5 =	simm.s32 $0xFFFFFFFF;
	p2 =	slt.u32 s8, $0xFFFFF086  }
0x1c: {  	p1 =	slt.u32 s9, $0xF7A;
	s5 =	simm.s32 @!p2 $0x0  }
0x1d: {  	s5 =	simm.s32 @p1 $0x1;
	p0 =	seq.s32 s7, s2  }
0x1e: {  	s7 =	smul.u32 @!p0 $0xF7A, s2;
	p2 =	seq.s32 @!p0 s5, $0x0  }
0x1f: {  	s9 =	smul.u32 $0xF7A, s1;
	s8 =	simm.s32 @!p0 $0x1BF5;
	p2 =	por !p2, p0  }
0x20: {  	[sflag:s8] =	ssyncset.s32 @!p0 $0xFFFFF086;
	s6 =	sadd.s32 @!p0 s3, s7;
	s7 =	simm.s32 @!p0 $0x108  }
0x21: {  	s3 =	sadd.s32 s3, s9;
	s6 =	sadd.s32 @!p0 $0x88, s6;
	s7 =	simm.s32 @p2 $0x1082  }
0x22: {  	[simem:s7], [sflag:s8] =	dma.local @!p0 [hbm:s6], $0xF7A  }
0x23: {  	s9 =	sor.u32 $0xD0000000, s2;
	s6 =	simm.s32 $0x108;
	_ =	swait.ge @!p0 [sflag:s8], $0x0  }
0x24: {  	s3 =	sadd.s32 $0x88, s3;
	s6 =	simm.s32 @!p1 $0x1082;
	[sflag:s4] =	ssyncset.s32 $0xFFFFF086  }
0x25: {  	[simem:s6], [sflag:s4] =	dma.local [hbm:s3], $0xF7A  }
0x26: {  	[smem:$0x3F99] =	sst s1;
	(tag) =	ssettag s2;
	_ =	strace s9  }
0x27: {  	s1 =	sld [smem:$0x3FA9]  }
0x28: {  	s2 =	sld [smem:$0x3FAA]  }
0x29: {  	s4 =	sld [smem:$0x3FAC]  }
0x2a: {  	p0 =	seq.s32 s5, $0x0;
	s5 =	sld [smem:$0x3FAD]  }
0x2b: {  	s6 =	sld [smem:$0x3FAE]  }
0x2c: {  	s7 =	sld [smem:$0x3FAF]  }
0x2d: {  	s3 =	simm.s32 $0x108;
	s8 =	sld [smem:$0x3FB0]  }
0x2e: {  	s3 =	simm.s32 @!p0 $0x1082;
	s9 =	sld [smem:$0x3FB1]  }
0x2f: {  	lr =	sadd.s32 s0, s3;
	s0 =	sld [smem:$0x3FA8]  }
0x30: {  	s3 =	sld [smem:$0x3FAB]  }
0x31: {  	[smem:$0x3FB4] =	sst s10  }
0x32: {  	s10 =	sld [smem:$0x3FB2];
	_ =	sdelay $0x3  }
0x33: {  	p0 =	seq.s32 s10, $0x1;
	s10 =	sld [smem:$0x3FB4];
	_ =	sdelay $0x3  }
0x34: {  	[smem:$0x3FB4] =	sst s10  }
0x35: {  	s10 =	sld [smem:$0x3FB3];
	_ =	sdelay $0x3  }
0x36: {  	p1 =	seq.s32 s10, $0x1;
	s10 =	sld [smem:$0x3FB4];
	_ =	sdelay $0x3  }
0x37: {  	[smem:$0x3FB4] =	sst s10  }
0x38: {  	s10 =	sld [smem:$0x3FB5]  }
0x39: {  	_ = 	snop;
	(pc) =	sbr.ind lr, $3  }
0x3a: {  	_ = 	snop  }
0x3b: {  	_ = 	snop  }
0x3c: {  	p2 =	seq.s32 s10, $0x1;
	s10 =	sld [smem:$0x3FB4]  }
0x3d: {  	_ =	shalt  }
0x3e: {  	_ =	shalt  }
0x3f: {  	_ =	shalt  }
0x40: {  	_ =	shalt  }
0x41: {  	_ =	shalt  }
0x42: {  	_ =	shalt  }
0x43: {  	_ =	shalt  }
0x44: {  	_ =	shalt  }
0x45: {  	_ =	shalt  }
0x46: {  	_ =	shalt  }
0x47: {  	_ =	shalt  }
0x48: {  	_ =	shalt  }
0x49: {  	_ =	shalt  }
0x4a: {  	_ =	shalt  }
0x4b: {  	_ =	shalt  }
0x4c: {  	_ =	shalt  }
0x4d: {  	_ =	shalt  }
0x4e: {  	_ =	shalt  }
0x4f: {  	_ =	shalt  }
0x50: {  	_ =	shalt  }
0x51: {  	_ =	shalt  }
0x52: {  	_ =	shalt  }
0x53: {  	_ =	shalt  }
0x54: {  	_ =	shalt  }
0x55: {  	_ =	shalt  }
0x56: {  	_ =	shalt  }
0x57: {  	_ =	shalt  }
0x58: {  	_ =	shalt  }
0x59: {  	_ =	shalt  }
0x5a: {  	_ =	shalt  }
0x5b: {  	_ =	shalt  }
0x5c: {  	_ =	shalt  }
0x5d: {  	_ =	shalt  }
0x5e: {  	_ =	shalt  }
0x5f: {  	_ =	shalt  }
0x60: {  	_ =	shalt  }
0x61: {  	_ =	shalt  }
0x62: {  	_ =	shalt  }
0x63: {  	_ =	shalt  }
0x64: {  	_ =	shalt  }
0x65: {  	_ =	shalt  }
0x66: {  	_ =	shalt  }
0x67: {  	_ =	shalt  }
0x68: {  	_ =	shalt  }
0x69: {  	_ =	shalt  }
0x6a: {  	_ =	shalt  }
0x6b: {  	_ =	shalt  }
0x6c: {  	_ =	shalt  }
0x6d: {  	_ =	shalt  }
0x6e: {  	_ =	shalt  }
0x6f: {  	_ =	shalt  }
0x70: {  	_ =	shalt  }
0x71: {  	_ =	shalt  }
0x72: {  	_ =	shalt  }
0x73: {  	_ =	shalt  }
0x74: {  	_ =	shalt  }
0x75: {  	_ =	shalt  }
0x76: {  	_ =	shalt  }
0x77: {  	_ =	shalt  }
0x78: {  	_ =	shalt  }
0x79: {  	_ =	shalt  }
0x7a: {  	_ =	shalt  }
0x7b: {  	_ =	shalt  }
0x7c: {  	_ =	shalt  }
0x7d: {  	_ =	shalt  }
0x7e: {  	_ =	shalt  }
0x7f: {  	_ =	shalt  }
0x80: {  	_ =	shalt  }
0x81: {  	_ =	shalt  }
0x82: {  	_ =	shalt  }
0x83: {  	_ =	shalt  }
0x84: {  	_ =	shalt  }
0x85: {  	_ =	shalt  }
0x86: {  	_ =	shalt  }
0x87: {  	_ =	shalt  }
.Lfunc_end0:
.L_simem_size_0:
called_computation.4_lowered:
.L_overlay_start_0:
0x88: {  	s2 =	sld [smem:$0x3FD9]  }
0x89: {  	s3 =	sld [smem:$0x3FFE];
	_ =	sdelay $0x1  }
0x8a: {  	s1 =	srdreg.scid  }
0x8b: {  	s0 =	sand.u32 $0x1, s1  }
0x8c: {  	s16 =	sshll.u32 s0, $0xA;
	s2 =	sadd.s32 s3, s2  }
0x8d: {  	s2 =	sadd.s32 s2, s16  }
0x8e: {  	[smem:$0x3FC0] =	sst s2  }
0x8f: {  	_ = 	snop  }
0x90: {  	(tm) =	ssettm $0x1  }
0x91: {  	s17 =	sld [smem:$0x3FFB];
	_ =	sdelay $0x3  }
0x92: {  	_ =	strace s17  }
0x93: {  	s2 =	sld [smem:$0x3FFC];
	_ =	sdelay $0x3  }
0x94: {  	_ =	strace s2  }
0x95: {  	s2 =	sld [smem:$0x3FFD];
	_ =	sdelay $0x3  }
0x96: {  	_ =	strace s2  }
0x97: {  	_ =	strace $0x8FFFFFFF  }
0x98: {  	s18 =	sld [smem:$0x3FDB];
	_ =	sdelay $0x1  }
0x99: {  	s19 =	simm.s32 $_scs_section_size  }
0x9a: {  	s4 =	simm.s32 $_size__tile_overlayer_lowered;
	s5 =	simm.s32 $_tile_overlayer_lowered  }
0x9b: {  	s22 =	simm.s32 $0x1BFF;
	s21 =	sshll.u32 s5, $0x1;
	s2 =	sadd.s32 s19, s18  }
0x9c: {  	s6 =	simm.s32 $0x0;
	s20 =	sshll.u32 s4, $0x1;
	s4 =	sadd.s32 s21, s2  }
0x9d: {  	[timem:s6], [sflag:s22] =	dma.local [hbm:s4], s20  }
0x9e: {  	_ =	swait.ge [sflag:s22], s20  }
0x9f: {  	s3 =	ssub.s32 $0x0, s20;
	[sflag:s22] =	ssyncset.done $0x0  }
0xa0: {  	[sflag:s22] =	ssyncadd.s32 s3;
	_ =	sdelay $0x1  }
0xa1: {  	s23 =	simm.s32 $0x1B8B  }
0xa2: {  	_ =	swait.ge [sflag:s23], $0x1  }
0xa3: {  	[sflag:s23] =	ssyncset.done $0x0  }
0xa4: {  	s25 =	simm.s32 $0x1B8E;
	s24 =	sld [smem:$0x3FFE];
	[sflag:s23] =	ssyncadd.s32 $0xFFFFFFFF  }
0xa5: {  	s26 =	simm.s32 $execute0_lowered;
	[smem:$0x3FD2] =	sst s25  }
0xa6: {  	s4 =	sshll.u32 s26, $0x1;
	_ =	strace $0x80000052;
	[dreg:$0x1] =	wrdreg $0xFFFFFFFF  }
0xa7: {  	s28 =	simm.s32 $_size_execute0_lowered;
	s2 =	sadd.s32 s2, s4;
	[dreg:$0x0] =	wrdreg $0x0  }
0xa8: {  	s4 =	sshll.u32 s28, $0x1;
	[dreg:$0x2] =	wrdreg s2  }
0xa9: {  	[dreg:$0x3] =	wrdreg s4  }
0xaa: {  	[dreg:$0x4] =	wrdreg $0xC0  }
0xab: {  	_ =	task [dreg:s6], $0x5FFFF  }
0xac: {  	[dreg:$0x1] =	wrdreg $0xFFFFFFFF  }
0xad: {  	[dreg:$0x0] =	wrdreg $0x60  }
0xae: {  	[dreg:$0x2] =	wrdreg s24  }
0xaf: {  	[dreg:$0x3] =	wrdreg $0x0  }
0xb0: {  	[dreg:$0x4] =	wrdreg $0x9  }
0xb1: {  	_ =	task.clear_ibuf [dreg:s6], $0x5FFFF;
	_ =	strace $0x90000052  }
0xb2: {  	s29 =	simm.s32 $0x9;
	_ =	strace $0x80000054  }
0xb3: {  	_ =	swait.ge [sflag:s29], $0x1  }
0xb4: {  	[sflag:s29] =	ssyncadd.s32 $0xFFFFFFFF  }
0xb5: {  	_ =	strace $0x90000054  }
0xb6: {  	_ =	sfence  }
0xb7: {  	s30 =	sld [smem:$0x0];
	_ =	sdelay $0x2  }
0xb8: {  	s31 =	sshll.u32 s1, $0xD;
	s1 =	sshrl.u32 s1, $0x2  }
0xb9: {  	s3 =	sand.u32 $0x4000, s31;
	s1 =	sadd.s32 s1, s30  }
0xba: {  	s0 =	sor.u32 s3, s0;
	s1 =	sshll.u32 s1, $0x11  }
0xbb: {  	s0 =	sor.u32 s1, s0  }
0xbc: {  	s0 =	sadd.s32 $0x8F2B, s0  }
0xbd: {  	[sflag:s0] =	ssyncadd.remote.s32 $0x1  }
0xbe: {  	_ =	sfence.sel $0xFFFF  }
0xbf: {  	[dreg:$0x0] =	wrdreg $0xFFFFFFFF;
	(pc) =	sbr.abs _section_cstart, $3  }
0xc0: {  	[dreg:$0x1] =	wrdreg $0xFFFFFFFF  }
0xc1: {  	_ =	task.clear_ibuf [dreg:s6], $0x2FFFF;
	_ =	strace $0x9FFFFFFF  }
0xc2: {  	(tm) =	ssettm $0x7FFFFFFF  }
0xc3: {  	_ =	shalt  }
tec
execute0_lowered:
.L_overlay_start_1:
0x0: {  	(tag) =	ssettag $0x1  }
0x1: {  	s0 =	srdreg.scid;
	s11 =	rddreg [dreg:$0x0]  }
0x2: {  	s2 =	rddreg [dreg:$0x1];
	s1 =	stileid.u32;
	s3 =	simm.s32 $0x0  }
0x3: {  	s17 =	simm.s32 $0xC6A00;
	s18 =	simm.s32 $0x16880;
	s19 =	simm.s32 $0x80  }
0x4: {  	s20 =	simm.s32 $0x16900;
	s21 =	simm.s32 $0x14080;
	s22 =	simm.s32 $0x1A900  }
0x5: {  	s23 =	simm.s32 $0x1;
	s24 =	simm.s32 $0x3;
	s25 =	simm.s32 $0x2  }
0x6: {  	s26 =	simm.s32 $0x4;
	s28 =	simm.s32 $0x0;
	s10 =	sand.u32 $0x1, s0  }
0x7: {  	[smem:$0x7FF] =	sst s3;
	s7 =	smul.u32 $0x50000, s1;
	s13 =	sadd.s32 $0x6D800, s11  }
0x8: {  	s15 =	smul.u32 $0x2800, s1;
	s29 =	sshll.u32 s1, $0x6;
	s4 =	sshll.u32 s10, $0x4  }
0x9: {  	_ =	strace $0x80000053;
	s9 =	ssub.s32 $0x2, s10;
	s16 =	smul.u32 $0x28000, s10  }
0xa: {  	p0 =	seq.s32 s10, $0x1;
	s4 =	sor.u32 s1, s4;
	s12 =	sshrl.u32 s9, $0x1  }
0xb: {  	s7 =	sshrl.u32 s7, $0x2;
	s17 =	simm.s32 @!p0 $0x9EA00;
	s5 =	smul.u32 $0x2800, s4  }
0xc: {  	s4 =	sadd.s32 $0x13800, s11;
	s12 =	ssub.s32 s9, s12;
	s14 =	sadd.s32 s7, s2  }
0xd: {  	s7 =	sor.u32 $0x1C05, s29;
	s16 =	sadd.s32 s15, s16;
	s10 =	smax.u32 s12, $0x1  }
0xe: {  	s30 =	sor.u32 $0x100, s16;
	s16 =	sor.u32 $0x180, s16;
	s14 =	sshrl.u32 s14, $0x3  }
0xf: {  	s6 =	sshrl.u32 s5, $0x3;
	s5 =	sadd.s32 $0x11000, s11;
	s12 =	sshrl.u32 s30, $0x3  }
0x10: {  	s31 =	sshrl.u32 s16, $0x3;
	s16 =	simm.s32 $0x14000;
	s8 =	sadd.s32 s6, s11  }
0x11: {  	s6 =	sadd.s32 s13, s6;
	s11 =	sadd.s32 s17, s11;
	s12 =	sadd.s32 s12, s13  }
0x12: {  	s13 =	sadd.s32 s31, s13;
	s17 =	simm.s32 $0x16800;
	s8 =	sadd.s32 $0x63800, s8  }
0x13: {  	s9 =	sadd.s32 $0x10, s6;
	s11 =	sadd.s32 s11, s15;
	s15 =	simm.s32 $0x5  }
.LBB2_1:
0x14: {  	[spmem:s14], [sflag:s7] =	dma.local [hbm:s5], $0x2800  }
0x15: {  	_ =	swait.ge [sflag:s15], $0x2800  }
0x16: {  	[sflag:s15] =	ssyncset.done $0x0  }
0x17: {  	[sflag:s15] =	ssyncadd.s32 $0xFFFFD800  }
0x18: {  	[tilespmem:s16], [sflag:$0x5] =	stream.linear.gather [hbm4b:s8+s3], $0x2800, $0x38;
	[tilespmem:$0x1E900] =	vst v63  }
0x19: {  	_ =	swait.ge [sflag:s15], $0x2800  }
0x1a: {  	[sflag:s15] =	ssyncset.done $0x0  }
0x1b: {  	[sflag:s15] =	ssyncadd.s32 $0xFFFFD800  }
0x1c: {  	[bflag:$0x0] =	sbarrier.arrive $0xFFFF  }
0x1d: {  	[tilespmem:s17], [sflag:$0x3] =	stream.linear.gather [hbm4b:s6+s3], $0x80, $0x38;
	[tilespmem:$0x1E900] =	vst v63  }
0x1e: {  	_ = 	snop  }
0x1f: {  	[tilespmem:s18], [sflag:$0x4] =	stream.linear.gather [hbm4b:s9+s3], $0x80, $0x38;
	[tilespmem:$0x1E900] =	vst v63  }
0x20: {  	_ = 	snop  }
0x21: {  	[tilespmem:s20], [sflag:$0x1] =	stream.indirect.gather [hbm4b:s4+s19], $0x80, s16, s19, $0xb8;
	[tilespmem:$0x1E900] =	vst v63  }
0x22: {  	_ = 	snop  }
0x23: {  	[tilespmem:s22], [sflag:$0x2] =	stream.indirect.gather [hbm4b:s4+s19], $0x80, s21, s19, $0xb8;
	[tilespmem:$0x1E900] =	vst v63  }
0x24: {  	_ =	swait.ge [sflag:s23], $0x4000  }
0x25: {  	[sflag:s23] =	ssyncset.done $0x0  }
0x26: {  	[sflag:s23] =	ssyncadd.s32 $0xFFFFC000  }
0x27: {  	_ =	swait.ge [sflag:s24], $0x80  }
0x28: {  	[sflag:s24] =	ssyncset.done $0x0  }
0x29: {  	[sflag:s24] =	ssyncadd.s32 $0xFFFFFF80  }
0x2a: {  	[spmem:s2] =	stream.indirect.scatter.add.f32 [tilespmem:s20], [sflag:$0x5], $0x80, s17, s19, $0xb8;
	[tilespmem:$0x1E900] =	vst v63  }
0x2b: {  	_ =	swait.ge [sflag:s15], $0x4000  }
0x2c: {  	[sflag:s15] =	ssyncset.done $0x0  }
0x2d: {  	s29 =	simm.s32 $0x14100;
	[sflag:s15] =	ssyncadd.s32 $0xFFFFC000  }
0x2e: {  	[tilespmem:s20], [sflag:$0x1] =	stream.indirect.gather [hbm4b:s4+s19], $0x80, s29, s19, $0xb8;
	[tilespmem:$0x1E900] =	vst v63  }
0x2f: {  	s29 =	sadd.s32 $0x0, s12  }
0x30: {  	[tilespmem:s17], [sflag:$0x3] =	stream.linear.gather [hbm4b:s29+s3], $0x80, $0x38;
	[tilespmem:$0x1E900] =	vst v63  }
0x31: {  	_ =	swait.ge [sflag:s25], $0x4000  }
0x32: {  	[sflag:s25] =	ssyncset.done $0x0  }
0x33: {  	[sflag:s25] =	ssyncadd.s32 $0xFFFFC000  }
0x34: {  	_ =	swait.ge [sflag:s26], $0x80  }
0x35: {  	[sflag:s26] =	ssyncset.done $0x0  }
0x36: {  	[sflag:s26] =	ssyncadd.s32 $0xFFFFFF80  }
0x37: {  	[spmem:s2] =	stream.indirect.scatter.add.f32 [tilespmem:s22], [sflag:$0x5], $0x80, s18, s19, $0xb8;
	[tilespmem:$0x1E900] =	vst v63  }
0x38: {  	_ =	swait.ge [sflag:s15], $0x4000  }
0x39: {  	[sflag:s15] =	ssyncset.done $0x0  }
0x3a: {  	s29 =	simm.s32 $0x14180;
	[sflag:s15] =	ssyncadd.s32 $0xFFFFC000  }
0x3b: {  	[tilespmem:s22], [sflag:$0x2] =	stream.indirect.gather [hbm4b:s4+s19], $0x80, s29, s19, $0xb8;
	[tilespmem:$0x1E900] =	vst v63  }
0x3c: {  	s31 =	sadd.s32 $0x0, s13;
	s30 =	simm.s32 $0x14200;
	s29 =	simm.s32 $0x20  }
.LBB2_2:
0x3d: {  	[tilespmem:s18], [sflag:$0x4] =	stream.linear.gather [hbm4b:s31+s3], $0x80, $0x38;
	[tilespmem:$0x1E900] =	vst v63  }
0x3e: {  	s31 =	smov.u32 s29  }
0x3f: {  	p0 =	sne.s32 s29, $0x4C0;
	s29 =	sadd.s32 $0x20, s29;
	_ =	swait.ge [sflag:s23], $0x4000  }
0x40: {  	[sflag:s23] =	ssyncset.done $0x0  }
0x41: {  	[sflag:s23] =	ssyncadd.s32 $0xFFFFC000  }
0x42: {  	_ =	swait.ge [sflag:s24], $0x80  }
0x43: {  	[sflag:s24] =	ssyncset.done $0x0  }
0x44: {  	[sflag:s24] =	ssyncadd.s32 $0xFFFFFF80  }
0x45: {  	[spmem:s2] =	stream.indirect.scatter.add.f32 [tilespmem:s20], [sflag:$0x5], $0x80, s17, s19, $0xb8;
	[tilespmem:$0x1E900] =	vst v63  }
0x46: {  	_ =	swait.ge [sflag:s15], $0x4000  }
0x47: {  	[sflag:s15] =	ssyncset.done $0x0  }
0x48: {  	[sflag:s15] =	ssyncadd.s32 $0xFFFFC000  }
0x49: {  	[tilespmem:s20], [sflag:$0x1] =	stream.indirect.gather [hbm4b:s4+s19], $0x80, s30, s19, $0xb8;
	[tilespmem:$0x1E900] =	vst v63  }
0x4a: {  	s0 =	sadd.s32 s31, s12  }
0x4b: {  	[tilespmem:s17], [sflag:$0x3] =	stream.linear.gather [hbm4b:s0+s3], $0x80, $0x38;
	[tilespmem:$0x1E900] =	vst v63  }
0x4c: {  	_ =	swait.ge [sflag:s25], $0x4000  }
0x4d: {  	[sflag:s25] =	ssyncset.done $0x0  }
0x4e: {  	[sflag:s25] =	ssyncadd.s32 $0xFFFFC000  }
0x4f: {  	_ =	swait.ge [sflag:s26], $0x80  }
0x50: {  	[sflag:s26] =	ssyncset.done $0x0  }
0x51: {  	[sflag:s26] =	ssyncadd.s32 $0xFFFFFF80  }
0x52: {  	[spmem:s2] =	stream.indirect.scatter.add.f32 [tilespmem:s22], [sflag:$0x5], $0x80, s18, s19, $0xb8;
	[tilespmem:$0x1E900] =	vst v63  }
.Ltmp0:
0x53: {  	_ =	swait.ge [sflag:s15], $0x4000;
	(pc) =	sbr.rel @p0 .LBB2_2-.Ltmp0, $4  }
0x54: {  	[sflag:s15] =	ssyncset.done $0x0  }
0x55: {  	s0 =	sadd.s32 $0x80, s30;
	[sflag:s15] =	ssyncadd.s32 $0xFFFFC000  }
0x56: {  	[tilespmem:s22], [sflag:$0x2] =	stream.indirect.gather [hbm4b:s4+s19], $0x80, s0, s19, $0xb8;
	[tilespmem:$0x1E900] =	vst v63  }
0x57: {  	s31 =	sadd.s32 s31, s13;
	s30 =	sadd.s32 $0x100, s30  }
0x58: {  	[tilespmem:s18], [sflag:$0x4] =	stream.linear.gather [hbm4b:s31+s3], $0x80, $0x38;
	[tilespmem:$0x1E900] =	vst v63  }
0x59: {  	_ =	swait.ge [sflag:s23], $0x4000  }
0x5a: {  	[sflag:s23] =	ssyncset.done $0x0  }
0x5b: {  	[sflag:s23] =	ssyncadd.s32 $0xFFFFC000  }
0x5c: {  	_ =	swait.ge [sflag:s24], $0x80  }
0x5d: {  	[sflag:s24] =	ssyncset.done $0x0  }
0x5e: {  	[sflag:s24] =	ssyncadd.s32 $0xFFFFFF80  }
0x5f: {  	[spmem:s2] =	stream.indirect.scatter.add.f32 [tilespmem:s20], [sflag:$0x5], $0x80, s17, s19, $0xb8;
	[tilespmem:$0x1E900] =	vst v63  }
0x60: {  	_ =	swait.ge [sflag:s15], $0x4000  }
0x61: {  	[sflag:s15] =	ssyncset.done $0x0  }
0x62: {  	[sflag:s15] =	ssyncadd.s32 $0xFFFFC000  }
0x63: {  	_ =	swait.ge [sflag:s25], $0x4000  }
0x64: {  	[sflag:s25] =	ssyncset.done $0x0  }
0x65: {  	[sflag:s25] =	ssyncadd.s32 $0xFFFFC000  }
0x66: {  	_ =	swait.ge [sflag:s26], $0x80  }
0x67: {  	[sflag:s26] =	ssyncset.done $0x0  }
0x68: {  	[sflag:s26] =	ssyncadd.s32 $0xFFFFFF80  }
0x69: {  	[spmem:s2] =	stream.indirect.scatter.add.f32 [tilespmem:s22], [sflag:$0x5], $0x80, s18, s19, $0xb8;
	[tilespmem:$0x1E900] =	vst v63  }
0x6a: {  	_ =	swait.ge [sflag:s15], $0x4000  }
0x6b: {  	s28 =	sadd.s32 $0x1, s28;
	[sflag:s15] =	ssyncset.done $0x0  }
0x6c: {  	p0 =	sne.s32 s28, s10;
	[sflag:s15] =	ssyncadd.s32 $0xFFFFC000  }
.Ltmp1:
0x6d: {  	[bflag:$0x0] =	sbarrier.arrive $0xFFFF;
	(pc) =	sbr.rel @p0 .LBB2_1-.Ltmp1, $4  }
0x6e: {  	[hbm:s11], [sflag:s7] =	dma.local [spmem:s14], $0x2800  }
0x6f: {  	_ =	swait.ge [sflag:s15], $0x2800  }
0x70: {  	[sflag:s15] =	ssyncset.done $0x0  }
0x71: {  	[sflag:s15] =	ssyncadd.s32 $0xFFFFD800  }
0x72: {  	_ =	sfence.sel $0x180000  }
0x73: {  	[bflag:$0x0] =	sbarrier.arrive $0xFFFF  }
0x74: {  	_ =	strace $0x90000053  }
0x75: {  	[bflag:$0x2] =	sbarrier.arrive $0xFFFF  }
0x76: {  	p0 =	sne.s32 s1, $0x0;
	s0 =	rddreg [dreg:$0x2]  }
0x77: {  	s0 =	sadd.s32 @!p0 $0x100000, s0  }
0x78: {  	[sflag:s0] =	ssyncadd.tile.s32 @!p0 $0x1;
	_ =	shalt  }
.Lfunc_end2:
_tile_overlayer_lowered:
.L_overlay_start_2:
0x79: {  	(tag) =	ssettag $0x2  }
0x7a: {  	s0 =	rddreg [dreg:$0x0];
	s2 =	stileid.u32  }
0x7b: {  	s1 =	rddreg [dreg:$0x1];
	p0 =	sne.s32 s2, $0x0  }
0x7c: {  	s3 =	rddreg [dreg:$0x2];
	[bflag:$0x3] =	sbarrier.arrive $0xFFFF;
	s2 =	simm.s32 @!p0 $0x1C05  }
0x7d: {  	[timem:s3], [sflag:s2] =	dma.local @!p0 [hbm:s0], s1  }
0x7e: {  	s0 =	simm.s32 @!p0 $0x5  }
0x7f: {  	_ =	swait.ge @!p0 [sflag:s0], s1  }
0x80: {  	s1 =	ssub.s32 @!p0 $0x0, s1;
	[sflag:s0] =	ssyncset.done @!p0 $0x0  }
0x81: {  	[sflag:s0] =	ssyncadd.s32 @!p0 s1  }
0x82: {  	[bflag:$0x3] =	sbarrier.arrive $0xFFFF  }
0x83: {  	_ =	shalt  }

// kernel: kernel.30.cloned.1.call-start
scs
__scs_entry_jumppad:
0x0: {  	(pc) =	sbr.rel $0x88, $3  }
0x1: {  	(tag) =	ssettag $0x0;
	lr =	simm.s32 $0x1  }
0x2: {  	[smem:$0x3F99] =	sst lr;
	_ =	strace $0xD0000000  }
0x3: {  	_ = 	snop  }
0x4: {  	_ = 	snop  }
0x5: {  	_ = 	snop  }
0x6: {  	_ = 	snop  }
0x7: {  	_ = 	snop  }
__scs_overlays_trampoline_lowered:
0x8: {  	[smem:$0x3FA8] =	sst s0  }
0x9: {  	[smem:$0x3FA9] =	sst s1  }
0xa: {  	[smem:$0x3FAA] =	sst s2  }
0xb: {  	[smem:$0x3FAB] =	sst s3  }
0xc: {  	[smem:$0x3FAC] =	sst s4  }
0xd: {  	[smem:$0x3FAD] =	sst s5  }
0xe: {  	[smem:$0x3FAE] =	sst s6  }
0xf: {  	[smem:$0x3FAF] =	sst s7  }
0x10: {  	[smem:$0x3FB0] =	sst s8  }
0x11: {  	[smem:$0x3FB1] =	sst s9;
	s0 =	simm.s32 @!p0 $0x0  }
0x12: {  	s1 =	sld [smem:$0x3F97];
	s0 =	simm.s32 @p0 $0x1  }
0x13: {  	[smem:$0x3FB2] =	sst s0;
	s0 =	simm.s32 @!p1 $0x0  }
0x14: {  	s2 =	sld [smem:$0x3F96];
	s0 =	simm.s32 @p1 $0x1  }
0x15: {  	[smem:$0x3FB3] =	sst s0;
	s0 =	simm.s32 @!p2 $0x0  }
0x16: {  	s3 =	sld [smem:$0x3FDB];
	s0 =	simm.s32 @p2 $0x1  }
0x17: {  	s4 =	simm.s32 $0x1BF5;
	[smem:$0x3FB5] =	sst s0  }
0x18: {  	s0 =	sld [smem:$0x3F98];
	_ =	swait.ge [sflag:s4], $0x0  }
0x19: {  	s7 =	sld [smem:$0x3F99]  }
0x1a: {  	s8 =	sadd.s32 $0xFFFFE003, lr  }
0x1b: {  	s9 =	sadd.s32 $0xFFFFFEF7, lr;
	s5 =	simm.s32 $0xFFFFFFFF;
	p2 =	slt.u32 s8, $0xFFFFF086  }
0x1c: {  	p1 =	slt.u32 s9, $0xF7A;
	s5 =	simm.s32 @!p2 $0x0  }
0x1d: {  	s5 =	simm.s32 @p1 $0x1;
	p0 =	seq.s32 s7, s2  }
0x1e: {  	s7 =	smul.u32 @!p0 $0xF7A, s2;
	p2 =	seq.s32 @!p0 s5, $0x0  }
0x1f: {  	s9 =	smul.u32 $0xF7A, s1;
	s8 =	simm.s32 @!p0 $0x1BF5;
	p2 =	por !p2, p0  }
0x20: {  	[sflag:s8] =	ssyncset.s32 @!p0 $0xFFFFF086;
	s6 =	sadd.s32 @!p0 s3, s7;
	s7 =	simm.s32 @!p0 $0x108  }
0x21: {  	s3 =	sadd.s32 s3, s9;
	s6 =	sadd.s32 @!p0 $0x88, s6;
	s7 =	simm.s32 @p2 $0x1082  }
0x22: {  	[simem:s7], [sflag:s8] =	dma.local @!p0 [hbm:s6], $0xF7A  }
0x23: {  	s9 =	sor.u32 $0xD0000000, s2;
	s6 =	simm.s32 $0x108;
	_ =	swait.ge @!p0 [sflag:s8], $0x0  }
0x24: {  	s3 =	sadd.s32 $0x88, s3;
	s6 =	simm.s32 @!p1 $0x1082;
	[sflag:s4] =	ssyncset.s32 $0xFFFFF086  }
0x25: {  	[simem:s6], [sflag:s4] =	dma.local [hbm:s3], $0xF7A  }
0x26: {  	[smem:$0x3F99] =	sst s1;
	(tag) =	ssettag s2;
	_ =	strace s9  }
0x27: {  	s1 =	sld [smem:$0x3FA9]  }
0x28: {  	s2 =	sld [smem:$0x3FAA]  }
0x29: {  	s4 =	sld [smem:$0x3FAC]  }
0x2a: {  	p0 =	seq.s32 s5, $0x0;
	s5 =	sld [smem:$0x3FAD]  }
0x2b: {  	s6 =	sld [smem:$0x3FAE]  }
0x2c: {  	s7 =	sld [smem:$0x3FAF]  }
0x2d: {  	s3 =	simm.s32 $0x108;
	s8 =	sld [smem:$0x3FB0]  }
0x2e: {  	s3 =	simm.s32 @!p0 $0x1082;
	s9 =	sld [smem:$0x3FB1]  }
0x2f: {  	lr =	sadd.s32 s0, s3;
	s0 =	sld [smem:$0x3FA8]  }
0x30: {  	s3 =	sld [smem:$0x3FAB]  }
0x31: {  	[smem:$0x3FB4] =	sst s10  }
0x32: {  	s10 =	sld [smem:$0x3FB2];
	_ =	sdelay $0x3  }
0x33: {  	p0 =	seq.s32 s10, $0x1;
	s10 =	sld [smem:$0x3FB4];
	_ =	sdelay $0x3  }
0x34: {  	[smem:$0x3FB4] =	sst s10  }
0x35: {  	s10 =	sld [smem:$0x3FB3];
	_ =	sdelay $0x3  }
0x36: {  	p1 =	seq.s32 s10, $0x1;
	s10 =	sld [smem:$0x3FB4];
	_ =	sdelay $0x3  }
0x37: {  	[smem:$0x3FB4] =	sst s10  }
0x38: {  	s10 =	sld [smem:$0x3FB5]  }
0x39: {  	_ = 	snop;
	(pc) =	sbr.ind lr, $3  }
0x3a: {  	_ = 	snop  }
0x3b: {  	_ = 	snop  }
0x3c: {  	p2 =	seq.s32 s10, $0x1;
	s10 =	sld [smem:$0x3FB4]  }
0x3d: {  	_ =	shalt  }
0x3e: {  	_ =	shalt  }
0x3f: {  	_ =	shalt  }
0x40: {  	_ =	shalt  }
0x41: {  	_ =	shalt  }
0x42: {  	_ =	shalt  }
0x43: {  	_ =	shalt  }
0x44: {  	_ =	shalt  }
0x45: {  	_ =	shalt  }
0x46: {  	_ =	shalt  }
0x47: {  	_ =	shalt  }
0x48: {  	_ =	shalt  }
0x49: {  	_ =	shalt  }
0x4a: {  	_ =	shalt  }
0x4b: {  	_ =	shalt  }
0x4c: {  	_ =	shalt  }
0x4d: {  	_ =	shalt  }
0x4e: {  	_ =	shalt  }
0x4f: {  	_ =	shalt  }
0x50: {  	_ =	shalt  }
0x51: {  	_ =	shalt  }
0x52: {  	_ =	shalt  }
0x53: {  	_ =	shalt  }
0x54: {  	_ =	shalt  }
0x55: {  	_ =	shalt  }
0x56: {  	_ =	shalt  }
0x57: {  	_ =	shalt  }
0x58: {  	_ =	shalt  }
0x59: {  	_ =	shalt  }
0x5a: {  	_ =	shalt  }
0x5b: {  	_ =	shalt  }
0x5c: {  	_ =	shalt  }
0x5d: {  	_ =	shalt  }
0x5e: {  	_ =	shalt  }
0x5f: {  	_ =	shalt  }
0x60: {  	_ =	shalt  }
0x61: {  	_ =	shalt  }
0x62: {  	_ =	shalt  }
0x63: {  	_ =	shalt  }
0x64: {  	_ =	shalt  }
0x65: {  	_ =	shalt  }
0x66: {  	_ =	shalt  }
0x67: {  	_ =	shalt  }
0x68: {  	_ =	shalt  }
0x69: {  	_ =	shalt  }
0x6a: {  	_ =	shalt  }
0x6b: {  	_ =	shalt  }
0x6c: {  	_ =	shalt  }
0x6d: {  	_ =	shalt  }
0x6e: {  	_ =	shalt  }
0x6f: {  	_ =	shalt  }
0x70: {  	_ =	shalt  }
0x71: {  	_ =	shalt  }
0x72: {  	_ =	shalt  }
0x73: {  	_ =	shalt  }
0x74: {  	_ =	shalt  }
0x75: {  	_ =	shalt  }
0x76: {  	_ =	shalt  }
0x77: {  	_ =	shalt  }
0x78: {  	_ =	shalt  }
0x79: {  	_ =	shalt  }
0x7a: {  	_ =	shalt  }
0x7b: {  	_ =	shalt  }
0x7c: {  	_ =	shalt  }
0x7d: {  	_ =	shalt  }
0x7e: {  	_ =	shalt  }
0x7f: {  	_ =	shalt  }
0x80: {  	_ =	shalt  }
0x81: {  	_ =	shalt  }
0x82: {  	_ =	shalt  }
0x83: {  	_ =	shalt  }
0x84: {  	_ =	shalt  }
0x85: {  	_ =	shalt  }
0x86: {  	_ =	shalt  }
0x87: {  	_ =	shalt  }
.Lfunc_end0:
.L_simem_size_0:
called_computation.5_lowered:
.L_overlay_start_0:
0x88: {  	s2 =	sld [smem:$0x3FD9]  }
0x89: {  	s3 =	sld [smem:$0x3FFE];
	_ =	sdelay $0x1  }
0x8a: {  	s1 =	srdreg.scid  }
0x8b: {  	s0 =	sand.u32 $0x1, s1  }
0x8c: {  	s16 =	sshll.u32 s0, $0xA;
	s2 =	sadd.s32 s3, s2  }
0x8d: {  	s2 =	sadd.s32 s2, s16  }
0x8e: {  	[smem:$0x3FC0] =	sst s2  }
0x8f: {  	_ = 	snop  }
0x90: {  	(tm) =	ssettm $0x1  }
0x91: {  	s17 =	sld [smem:$0x3FFB];
	_ =	sdelay $0x3  }
0x92: {  	_ =	strace s17  }
0x93: {  	s2 =	sld [smem:$0x3FFC];
	_ =	sdelay $0x3  }
0x94: {  	_ =	strace s2  }
0x95: {  	s2 =	sld [smem:$0x3FFD];
	_ =	sdelay $0x3  }
0x96: {  	_ =	strace s2  }
0x97: {  	_ =	strace $0x8FFFFFFF  }
0x98: {  	s18 =	sld [smem:$0x3FDB];
	_ =	sdelay $0x1  }
0x99: {  	s19 =	simm.s32 $_scs_section_size  }
0x9a: {  	s4 =	simm.s32 $_size__tile_overlayer_lowered;
	s5 =	simm.s32 $_tile_overlayer_lowered  }
0x9b: {  	s22 =	simm.s32 $0x1BFF;
	s21 =	sshll.u32 s5, $0x1;
	s2 =	sadd.s32 s19, s18  }
0x9c: {  	s6 =	simm.s32 $0x0;
	s20 =	sshll.u32 s4, $0x1;
	s4 =	sadd.s32 s21, s2  }
0x9d: {  	[timem:s6], [sflag:s22] =	dma.local [hbm:s4], s20  }
0x9e: {  	_ =	swait.ge [sflag:s22], s20  }
0x9f: {  	s3 =	ssub.s32 $0x0, s20;
	[sflag:s22] =	ssyncset.done $0x0  }
0xa0: {  	[sflag:s22] =	ssyncadd.s32 s3;
	_ =	sdelay $0x1  }
0xa1: {  	s23 =	simm.s32 $0x1B8B  }
0xa2: {  	_ =	swait.ge [sflag:s23], $0x1  }
0xa3: {  	[sflag:s23] =	ssyncset.done $0x0  }
0xa4: {  	s25 =	simm.s32 $0x1B8E;
	s24 =	sld [smem:$0x3FFE];
	[sflag:s23] =	ssyncadd.s32 $0xFFFFFFFF  }
0xa5: {  	s26 =	simm.s32 $execute0_lowered;
	[smem:$0x3FD2] =	sst s25  }
0xa6: {  	s4 =	sshll.u32 s26, $0x1;
	_ =	strace $0x80000055;
	[dreg:$0x1] =	wrdreg $0xFFFFFFFF  }
0xa7: {  	s28 =	simm.s32 $_size_execute0_lowered;
	s2 =	sadd.s32 s2, s4;
	[dreg:$0x0] =	wrdreg $0x0  }
0xa8: {  	s4 =	sshll.u32 s28, $0x1;
	[dreg:$0x2] =	wrdreg s2  }
0xa9: {  	[dreg:$0x3] =	wrdreg s4  }
0xaa: {  	[dreg:$0x4] =	wrdreg $0xC0  }
0xab: {  	_ =	task [dreg:s6], $0x5FFFF  }
0xac: {  	[dreg:$0x1] =	wrdreg $0xFFFFFFFF  }
0xad: {  	[dreg:$0x0] =	wrdreg $0x60  }
0xae: {  	[dreg:$0x2] =	wrdreg s24  }
0xaf: {  	[dreg:$0x3] =	wrdreg $0x0  }
0xb0: {  	[dreg:$0x4] =	wrdreg $0x9  }
0xb1: {  	_ =	task.clear_ibuf [dreg:s6], $0x5FFFF;
	_ =	strace $0x90000055  }
0xb2: {  	s29 =	simm.s32 $0x9;
	_ =	strace $0x80000057  }
0xb3: {  	_ =	swait.ge [sflag:s29], $0x1  }
0xb4: {  	[sflag:s29] =	ssyncadd.s32 $0xFFFFFFFF  }
0xb5: {  	_ =	strace $0x90000057  }
0xb6: {  	_ =	sfence  }
0xb7: {  	s30 =	sld [smem:$0x0];
	_ =	sdelay $0x2  }
0xb8: {  	s31 =	sshll.u32 s1, $0xD;
	s1 =	sshrl.u32 s1, $0x2  }
0xb9: {  	s3 =	sand.u32 $0x4000, s31;
	s1 =	sadd.s32 s1, s30  }
0xba: {  	s0 =	sor.u32 s3, s0;
	s1 =	sshll.u32 s1, $0x11  }
0xbb: {  	s0 =	sor.u32 s1, s0  }
0xbc: {  	s0 =	sadd.s32 $0x8F2B, s0  }
0xbd: {  	[sflag:s0] =	ssyncadd.remote.s32 $0x1  }
0xbe: {  	_ =	sfence.sel $0xFFFF  }
0xbf: {  	[dreg:$0x0] =	wrdreg $0xFFFFFFFF;
	(pc) =	sbr.abs _section_cstart, $3  }
0xc0: {  	[dreg:$0x1] =	wrdreg $0xFFFFFFFF  }
0xc1: {  	_ =	task.clear_ibuf [dreg:s6], $0x2FFFF;
	_ =	strace $0x9FFFFFFF  }
0xc2: {  	(tm) =	ssettm $0x7FFFFFFF  }
0xc3: {  	_ =	shalt  }
tec
execute0_lowered:
.L_overlay_start_1:
0x0: {  	(tag) =	ssettag $0x1  }
0x1: {  	s0 =	srdreg.scid;
	s11 =	rddreg [dreg:$0x0]  }
0x2: {  	s2 =	rddreg [dreg:$0x1];
	s1 =	stileid.u32;
	s3 =	simm.s32 $0x0  }
0x3: {  	s17 =	simm.s32 $0xC6A00;
	s18 =	simm.s32 $0x16880;
	s19 =	simm.s32 $0x80  }
0x4: {  	s20 =	simm.s32 $0x16900;
	s21 =	simm.s32 $0x14080;
	s22 =	simm.s32 $0x1A900  }
0x5: {  	s23 =	simm.s32 $0x1;
	s24 =	simm.s32 $0x3;
	s25 =	simm.s32 $0x2  }
0x6: {  	s26 =	simm.s32 $0x4;
	s28 =	simm.s32 $0x0;
	s10 =	sand.u32 $0x1, s0  }
0x7: {  	[smem:$0x7FF] =	sst s3;
	s7 =	smul.u32 $0x50000, s1;
	s13 =	sadd.s32 $0x6D800, s11  }
0x8: {  	s15 =	smul.u32 $0x2800, s1;
	s29 =	sshll.u32 s1, $0x6;
	s4 =	sshll.u32 s10, $0x4  }
0x9: {  	_ =	strace $0x80000056;
	s9 =	ssub.s32 $0x2, s10;
	s16 =	smul.u32 $0x28000, s10  }
0xa: {  	p0 =	seq.s32 s10, $0x1;
	s4 =	sor.u32 s1, s4;
	s12 =	sshrl.u32 s9, $0x1  }
0xb: {  	s7 =	sshrl.u32 s7, $0x2;
	s17 =	simm.s32 @!p0 $0x9EA00;
	s5 =	smul.u32 $0x2800, s4  }
0xc: {  	s4 =	sadd.s32 $0x13800, s11;
	s12 =	ssub.s32 s9, s12;
	s14 =	sadd.s32 s7, s2  }
0xd: {  	s7 =	sor.u32 $0x1C05, s29;
	s16 =	sadd.s32 s15, s16;
	s10 =	smax.u32 s12, $0x1  }
0xe: {  	s30 =	sor.u32 $0x100, s16;
	s16 =	sor.u32 $0x180, s16;
	s14 =	sshrl.u32 s14, $0x3  }
0xf: {  	s6 =	sshrl.u32 s5, $0x3;
	s5 =	sadd.s32 $0x11000, s11;
	s12 =	sshrl.u32 s30, $0x3  }
0x10: {  	s31 =	sshrl.u32 s16, $0x3;
	s16 =	simm.s32 $0x14000;
	s8 =	sadd.s32 s6, s11  }
0x11: {  	s6 =	sadd.s32 s13, s6;
	s11 =	sadd.s32 s17, s11;
	s12 =	sadd.s32 s12, s13  }
0x12: {  	s13 =	sadd.s32 s31, s13;
	s17 =	simm.s32 $0x16800;
	s8 =	sadd.s32 $0x63800, s8  }
0x13: {  	s9 =	sadd.s32 $0x10, s6;
	s11 =	sadd.s32 s11, s15;
	s15 =	simm.s32 $0x5  }
.LBB2_1:
0x14: {  	[spmem:s14], [sflag:s7] =	dma.local [hbm:s5], $0x2800  }
0x15: {  	_ =	swait.ge [sflag:s15], $0x2800  }
0x16: {  	[sflag:s15] =	ssyncset.done $0x0  }
0x17: {  	[sflag:s15] =	ssyncadd.s32 $0xFFFFD800  }
0x18: {  	[tilespmem:s16], [sflag:$0x5] =	stream.linear.gather [hbm4b:s8+s3], $0x2800, $0x38;
	[tilespmem:$0x1E900] =	vst v63  }
0x19: {  	_ =	swait.ge [sflag:s15], $0x2800  }
0x1a: {  	[sflag:s15] =	ssyncset.done $0x0  }
0x1b: {  	[sflag:s15] =	ssyncadd.s32 $0xFFFFD800  }
0x1c: {  	[bflag:$0x0] =	sbarrier.arrive $0xFFFF  }
0x1d: {  	[tilespmem:s17], [sflag:$0x3] =	stream.linear.gather [hbm4b:s6+s3], $0x80, $0x38;
	[tilespmem:$0x1E900] =	vst v63  }
0x1e: {  	_ = 	snop  }
0x1f: {  	[tilespmem:s18], [sflag:$0x4] =	stream.linear.gather [hbm4b:s9+s3], $0x80, $0x38;
	[tilespmem:$0x1E900] =	vst v63  }
0x20: {  	_ = 	snop  }
0x21: {  	[tilespmem:s20], [sflag:$0x1] =	stream.indirect.gather [hbm4b:s4+s19], $0x80, s16, s19, $0xb8;
	[tilespmem:$0x1E900] =	vst v63  }
0x22: {  	_ = 	snop  }
0x23: {  	[tilespmem:s22], [sflag:$0x2] =	stream.indirect.gather [hbm4b:s4+s19], $0x80, s21, s19, $0xb8;
	[tilespmem:$0x1E900] =	vst v63  }
0x24: {  	_ =	swait.ge [sflag:s23], $0x4000  }
0x25: {  	[sflag:s23] =	ssyncset.done $0x0  }
0x26: {  	[sflag:s23] =	ssyncadd.s32 $0xFFFFC000  }
0x27: {  	_ =	swait.ge [sflag:s24], $0x80  }
0x28: {  	[sflag:s24] =	ssyncset.done $0x0  }
0x29: {  	[sflag:s24] =	ssyncadd.s32 $0xFFFFFF80  }
0x2a: {  	[spmem:s2] =	stream.indirect.scatter.add.f32 [tilespmem:s20], [sflag:$0x5], $0x80, s17, s19, $0xb8;
	[tilespmem:$0x1E900] =	vst v63  }
0x2b: {  	_ =	swait.ge [sflag:s15], $0x4000  }
0x2c: {  	[sflag:s15] =	ssyncset.done $0x0  }
0x2d: {  	s29 =	simm.s32 $0x14100;
	[sflag:s15] =	ssyncadd.s32 $0xFFFFC000  }
0x2e: {  	[tilespmem:s20], [sflag:$0x1] =	stream.indirect.gather [hbm4b:s4+s19], $0x80, s29, s19, $0xb8;
	[tilespmem:$0x1E900] =	vst v63  }
0x2f: {  	s29 =	sadd.s32 $0x0, s12  }
0x30: {  	[tilespmem:s17], [sflag:$0x3] =	stream.linear.gather [hbm4b:s29+s3], $0x80, $0x38;
	[tilespmem:$0x1E900] =	vst v63  }
0x31: {  	_ =	swait.ge [sflag:s25], $0x4000  }
0x32: {  	[sflag:s25] =	ssyncset.done $0x0  }
0x33: {  	[sflag:s25] =	ssyncadd.s32 $0xFFFFC000  }
0x34: {  	_ =	swait.ge [sflag:s26], $0x80  }
0x35: {  	[sflag:s26] =	ssyncset.done $0x0  }
0x36: {  	[sflag:s26] =	ssyncadd.s32 $0xFFFFFF80  }
0x37: {  	[spmem:s2] =	stream.indirect.scatter.add.f32 [tilespmem:s22], [sflag:$0x5], $0x80, s18, s19, $0xb8;
	[tilespmem:$0x1E900] =	vst v63  }
0x38: {  	_ =	swait.ge [sflag:s15], $0x4000  }
0x39: {  	[sflag:s15] =	ssyncset.done $0x0  }
0x3a: {  	s29 =	simm.s32 $0x14180;
	[sflag:s15] =	ssyncadd.s32 $0xFFFFC000  }
0x3b: {  	[tilespmem:s22], [sflag:$0x2] =	stream.indirect.gather [hbm4b:s4+s19], $0x80, s29, s19, $0xb8;
	[tilespmem:$0x1E900] =	vst v63  }
0x3c: {  	s31 =	sadd.s32 $0x0, s13;
	s30 =	simm.s32 $0x14200;
	s29 =	simm.s32 $0x20  }
.LBB2_2:
0x3d: {  	[tilespmem:s18], [sflag:$0x4] =	stream.linear.gather [hbm4b:s31+s3], $0x80, $0x38;
	[tilespmem:$0x1E900] =	vst v63  }
0x3e: {  	s31 =	smov.u32 s29  }
0x3f: {  	p0 =	sne.s32 s29, $0x4C0;
	s29 =	sadd.s32 $0x20, s29;
	_ =	swait.ge [sflag:s23], $0x4000  }
0x40: {  	[sflag:s23] =	ssyncset.done $0x0  }
0x41: {  	[sflag:s23] =	ssyncadd.s32 $0xFFFFC000  }
0x42: {  	_ =	swait.ge [sflag:s24], $0x80  }
0x43: {  	[sflag:s24] =	ssyncset.done $0x0  }
0x44: {  	[sflag:s24] =	ssyncadd.s32 $0xFFFFFF80  }
0x45: {  	[spmem:s2] =	stream.indirect.scatter.add.f32 [tilespmem:s20], [sflag:$0x5], $0x80, s17, s19, $0xb8;
	[tilespmem:$0x1E900] =	vst v63  }
0x46: {  	_ =	swait.ge [sflag:s15], $0x4000  }
0x47: {  	[sflag:s15] =	ssyncset.done $0x0  }
0x48: {  	[sflag:s15] =	ssyncadd.s32 $0xFFFFC000  }
0x49: {  	[tilespmem:s20], [sflag:$0x1] =	stream.indirect.gather [hbm4b:s4+s19], $0x80, s30, s19, $0xb8;
	[tilespmem:$0x1E900] =	vst v63  }
0x4a: {  	s0 =	sadd.s32 s31, s12  }
0x4b: {  	[tilespmem:s17], [sflag:$0x3] =	stream.linear.gather [hbm4b:s0+s3], $0x80, $0x38;
	[tilespmem:$0x1E900] =	vst v63  }
0x4c: {  	_ =	swait.ge [sflag:s25], $0x4000  }
0x4d: {  	[sflag:s25] =	ssyncset.done $0x0  }
0x4e: {  	[sflag:s25] =	ssyncadd.s32 $0xFFFFC000  }
0x4f: {  	_ =	swait.ge [sflag:s26], $0x80  }
0x50: {  	[sflag:s26] =	ssyncset.done $0x0  }
0x51: {  	[sflag:s26] =	ssyncadd.s32 $0xFFFFFF80  }
0x52: {  	[spmem:s2] =	stream.indirect.scatter.add.f32 [tilespmem:s22], [sflag:$0x5], $0x80, s18, s19, $0xb8;
	[tilespmem:$0x1E900] =	vst v63  }
.Ltmp0:
0x53: {  	_ =	swait.ge [sflag:s15], $0x4000;
	(pc) =	sbr.rel @p0 .LBB2_2-.Ltmp0, $4  }
0x54: {  	[sflag:s15] =	ssyncset.done $0x0  }
0x55: {  	s0 =	sadd.s32 $0x80, s30;
	[sflag:s15] =	ssyncadd.s32 $0xFFFFC000  }
0x56: {  	[tilespmem:s22], [sflag:$0x2] =	stream.indirect.gather [hbm4b:s4+s19], $0x80, s0, s19, $0xb8;
	[tilespmem:$0x1E900] =	vst v63  }
0x57: {  	s31 =	sadd.s32 s31, s13;
	s30 =	sadd.s32 $0x100, s30  }
0x58: {  	[tilespmem:s18], [sflag:$0x4] =	stream.linear.gather [hbm4b:s31+s3], $0x80, $0x38;
	[tilespmem:$0x1E900] =	vst v63  }
0x59: {  	_ =	swait.ge [sflag:s23], $0x4000  }
0x5a: {  	[sflag:s23] =	ssyncset.done $0x0  }
0x5b: {  	[sflag:s23] =	ssyncadd.s32 $0xFFFFC000  }
0x5c: {  	_ =	swait.ge [sflag:s24], $0x80  }
0x5d: {  	[sflag:s24] =	ssyncset.done $0x0  }
0x5e: {  	[sflag:s24] =	ssyncadd.s32 $0xFFFFFF80  }
0x5f: {  	[spmem:s2] =	stream.indirect.scatter.add.f32 [tilespmem:s20], [sflag:$0x5], $0x80, s17, s19, $0xb8;
	[tilespmem:$0x1E900] =	vst v63  }
0x60: {  	_ =	swait.ge [sflag:s15], $0x4000  }
0x61: {  	[sflag:s15] =	ssyncset.done $0x0  }
0x62: {  	[sflag:s15] =	ssyncadd.s32 $0xFFFFC000  }
0x63: {  	_ =	swait.ge [sflag:s25], $0x4000  }
0x64: {  	[sflag:s25] =	ssyncset.done $0x0  }
0x65: {  	[sflag:s25] =	ssyncadd.s32 $0xFFFFC000  }
0x66: {  	_ =	swait.ge [sflag:s26], $0x80  }
0x67: {  	[sflag:s26] =	ssyncset.done $0x0  }
0x68: {  	[sflag:s26] =	ssyncadd.s32 $0xFFFFFF80  }
0x69: {  	[spmem:s2] =	stream.indirect.scatter.add.f32 [tilespmem:s22], [sflag:$0x5], $0x80, s18, s19, $0xb8;
	[tilespmem:$0x1E900] =	vst v63  }
0x6a: {  	_ =	swait.ge [sflag:s15], $0x4000  }
0x6b: {  	s28 =	sadd.s32 $0x1, s28;
	[sflag:s15] =	ssyncset.done $0x0  }
0x6c: {  	p0 =	sne.s32 s28, s10;
	[sflag:s15] =	ssyncadd.s32 $0xFFFFC000  }
.Ltmp1:
0x6d: {  	[bflag:$0x0] =	sbarrier.arrive $0xFFFF;
	(pc) =	sbr.rel @p0 .LBB2_1-.Ltmp1, $4  }
0x6e: {  	[hbm:s11], [sflag:s7] =	dma.local [spmem:s14], $0x2800  }
0x6f: {  	_ =	swait.ge [sflag:s15], $0x2800  }
0x70: {  	[sflag:s15] =	ssyncset.done $0x0  }
0x71: {  	[sflag:s15] =	ssyncadd.s32 $0xFFFFD800  }
0x72: {  	_ =	sfence.sel $0x180000  }
0x73: {  	[bflag:$0x0] =	sbarrier.arrive $0xFFFF  }
0x74: {  	_ =	strace $0x90000056  }
0x75: {  	[bflag:$0x2] =	sbarrier.arrive $0xFFFF  }
0x76: {  	p0 =	sne.s32 s1, $0x0;
	s0 =	rddreg [dreg:$0x2]  }
0x77: {  	s0 =	sadd.s32 @!p0 $0x100000, s0  }
0x78: {  	[sflag:s0] =	ssyncadd.tile.s32 @!p0 $0x1;
	_ =	shalt  }
.Lfunc_end2:
_tile_overlayer_lowered:
.L_overlay_start_2:
0x79: {  	(tag) =	ssettag $0x2  }
0x7a: {  	s0 =	rddreg [dreg:$0x0];
	s2 =	stileid.u32  }
0x7b: {  	s1 =	rddreg [dreg:$0x1];
	p0 =	sne.s32 s2, $0x0  }
0x7c: {  	s3 =	rddreg [dreg:$0x2];
	[bflag:$0x3] =	sbarrier.arrive $0xFFFF;
	s2 =	simm.s32 @!p0 $0x1C05  }
0x7d: {  	[timem:s3], [sflag:s2] =	dma.local @!p0 [hbm:s0], s1  }
0x7e: {  	s0 =	simm.s32 @!p0 $0x5  }
0x7f: {  	_ =	swait.ge @!p0 [sflag:s0], s1  }
0x80: {  	s1 =	ssub.s32 @!p0 $0x0, s1;
	[sflag:s0] =	ssyncset.done @!p0 $0x0  }
0x81: {  	[sflag:s0] =	ssyncadd.s32 @!p0 s1  }
0x82: {  	[bflag:$0x3] =	sbarrier.arrive $0xFFFF  }
0x83: {  	_ =	shalt  }

</sc_bundles>
